<compile_context>
chip_gen: v7x
topology: tpu7x:2x2x1
jax: 0.10.2.dev20260603
libtpu: 0.0.44.dev20260713+nightly
codegen_flags: <defaults>
</compile_context>

<pallas_src>
import functools

import jax
import jax.numpy as jnp
from jax import lax
from jax.experimental import pallas as pl
from jax.experimental.pallas import tpu as pltpu
from jax.experimental.pallas import tpu_sc as plsc

LANES = 16
CHUNK = 256
NBUF = 2


def _sc_workers():
    try:
        info = plsc.get_sparse_core_info()
        return info.num_cores, info.num_subcores
    except Exception:
        return 2, 16


def kernel(ctr, table):
    batch, clicked = ctr.shape
    vocab, d = table.shape
    n_total = batch * clicked

    nc, ns = _sc_workers()
    nw = nc * ns
    per_w = n_total // nw
    assert per_w * nw == n_total and per_w % CHUNK == 0
    n_chunks = per_w // CHUNK
    assert n_chunks % NBUF == 0 and n_chunks >= 3 * NBUF

    idx2d = ctr.reshape(n_total // CHUNK, CHUNK)

    mesh = plsc.VectorSubcoreMesh(core_axis_name="c", subcore_axis_name="s")

    @functools.partial(
        pl.kernel,
        out_type=jax.ShapeDtypeStruct((n_total, d), jnp.float32),
        mesh=mesh,
        scratch_types=[
            pltpu.VMEM((NBUF, 1, CHUNK), jnp.int32),
            pltpu.VMEM((NBUF, CHUNK, d), jnp.float32),
        ] + [pltpu.SemaphoreType.DMA] * (3 * NBUF),
    )
    def emb(idx_hbm, table_hbm, out_hbm, idx_v, rows_v, *sems):
        isem = sems[0:NBUF]
        gsem = sems[NBUF:2 * NBUF]
        osem = sems[2 * NBUF:3 * NBUF]
        wid = lax.axis_index("s") * nc + lax.axis_index("c")
        base = wid * per_w
        base_chunks = wid * n_chunks

        def idx_src(g):
            return idx_hbm.at[pl.ds(base_chunks + g, 1)]

        def out_dst(g):
            return out_hbm.at[pl.ds(base + g * CHUNK, CHUNK)]

        def stage(h, b, first_use, do_write, do_prefetch):
            pltpu.make_async_copy(idx_src(h), idx_v.at[b], isem[b]).wait()
            for i in range(CHUNK // LANES):
                sl = (b, 0, pl.ds(i * LANES, LANES))
                v = idx_v[sl]
                idx_v[sl] = jnp.minimum(jnp.maximum(v, 0), vocab - 1)
            if not first_use:
                pltpu.make_async_copy(rows_v.at[b], out_dst(h - NBUF),
                                      osem[b]).wait()
            pltpu.async_copy(table_hbm.at[idx_v.at[b, 0]], rows_v.at[b],
                             gsem[b])
            o = 1 - b
            if do_write:
                pltpu.make_async_copy(table_hbm.at[pl.ds(0, CHUNK)],
                                      rows_v.at[o], gsem[o]).wait()
                pltpu.async_copy(rows_v.at[o], out_dst(h - 1), osem[o])
            if do_prefetch:
                pltpu.async_copy(idx_src(h + 1), idx_v.at[o], isem[o])

        for b in range(NBUF):
            pltpu.async_copy(idx_src(b), idx_v.at[b], isem[b])

        stage(0, 0, True, False, False)
        stage(1, 1, True, True, True)

        def body(k, carry):
            h0 = 2 * k
            stage(h0, 0, False, True, True)
            stage(h0 + 1, 1, False, True, True)
            return carry

        lax.fori_loop(1, n_chunks // 2 - 1, body, 0)

        stage(n_chunks - 2, 0, False, True, True)
        stage(n_chunks - 1, 1, False, True, False)

        pltpu.make_async_copy(table_hbm.at[pl.ds(0, CHUNK)], rows_v.at[1],
                              gsem[1]).wait()
        pltpu.async_copy(rows_v.at[1], out_dst(n_chunks - 1), osem[1])
        pltpu.make_async_copy(rows_v.at[0], out_dst(n_chunks - 2),
                              osem[0]).wait()
        pltpu.make_async_copy(rows_v.at[1], out_dst(n_chunks - 1),
                              osem[1]).wait()

    out = emb(idx2d, table)
    return out.reshape(batch, clicked, d)

# --- scband reference (transcript-rebuilt; emitter-appended) ---
"""Pipeline reference for scband-popularity-embedding-16939351015956 (READ-ONLY COPY).

The authoritative reference and input builder live on the scoring server;
editing this copy changes nothing except your own understanding.
"""

import jax, jax.numpy as jnp
import numpy as np

P_SIZE = 128
MAX_CTR = 100000
MAX_CLICKED = 200
BATCH = 16384


def setup_inputs(seed: int = 0) -> dict:
    key = jax.random.key(seed)
    k1, k2 = jax.random.split(key)
    ctr = jax.random.randint(k1, (BATCH, MAX_CLICKED), 0, MAX_CTR, dtype=jnp.int64 if jax.config.jax_enable_x64 else jnp.int32)
    ctr = ctr.astype(jnp.int32)
    # Embedding table, initialized like nn.Embedding (N(0,1))
    table = jax.random.normal(k2, (MAX_CTR, P_SIZE), dtype=jnp.float32)
    return {"ctr": ctr, "table": table}


def reference(ctr, table):
    # clamp indices to [0, max_ctr - 1]
    ctr_clipped = jnp.clip(ctr, 0, MAX_CTR - 1)
    # embedding lookup -> (batch, max_clicked, p_size)
    p = jnp.take(table, ctr_clipped, axis=0)
    return p

if __name__ == "__main__":
    import jax
    _d = setup_inputs()
    print(jax.jit(kernel)(*tuple(_d.values())))

</pallas_src>

<mosaic_0001>
#map = affine_map<(d0, d1) -> (0, 0)>
module attributes {stable_mosaic.version = 14 : i64} {
  func.func @emb(%arg0: i32, %arg1: i32, %arg2: memref<12800x256xi32, #tpu.memory_space<hbm>>, %arg3: memref<100000x128xf32, #tpu.memory_space<hbm>>, %arg4: memref<3276800x128xf32, #tpu.memory_space<hbm>>, %arg5: memref<2x1x256xi32, #tpu.memory_space<vmem>>, %arg6: memref<2x256x128xf32, #tpu.memory_space<vmem>>, %arg7: memref<!tpu.dma_semaphore, #tpu.memory_space<semaphore_mem>>, %arg8: memref<!tpu.dma_semaphore, #tpu.memory_space<semaphore_mem>>, %arg9: memref<!tpu.dma_semaphore, #tpu.memory_space<semaphore_mem>>, %arg10: memref<!tpu.dma_semaphore, #tpu.memory_space<semaphore_mem>>, %arg11: memref<!tpu.dma_semaphore, #tpu.memory_space<semaphore_mem>>, %arg12: memref<!tpu.dma_semaphore, #tpu.memory_space<semaphore_mem>>) attributes {dimension_semantics = [#tpu.dimension_semantics<core_parallel>, #tpu.dimension_semantics<subcore_parallel>], iteration_bounds = array<i64: 2, 16>, scalar_prefetch = 0 : i64, scratch_operands = 8 : i64, tpu.core_type = #tpu.core_type<sc_vector_subcore>, window_params = [{transform_indices = #map}, {transform_indices = #map}, {transform_indices = #map}]} {
    %mul3A = arith.constant 2 : i32
    %mul3A_0 = arith.muli %arg1, %mul3A : i32
    %add3A = arith.addi %mul3A_0, %arg0 : i32
    %mul3A_1 = arith.constant 102400 : i32
    %mul3A_2 = arith.muli %add3A, %mul3A_1 : i32
    %mul3A_3 = arith.constant 400 : i32
    %mul3A_4 = arith.muli %add3A, %mul3A_3 : i32
    %add3A_5 = arith.constant 0 : i32
    %add3A_6 = arith.addi %mul3A_4, %add3A_5 : i32
    %dma_start3A = arith.constant 0 : i32
    %dma_start3A_7 = arith.constant 0 : i32
    %dma_start3A_8 = arith.constant 0 : i32
    %dma_start3A_9 = tpu.memref_slice %arg5[%dma_start3A, %dma_start3A_7, %dma_start3A_8] : memref<2x1x256xi32, #tpu.memory_space<vmem>> -> memref<1x1x256xi32, #tpu.memory_space<vmem>>
    %dma_start3A_10 = tpu.memref_squeeze %dma_start3A_9 : memref<1x1x256xi32, #tpu.memory_space<vmem>> -> memref<1x256xi32, #tpu.memory_space<vmem>>
    %dma_start3A_11 = arith.constant 0 : i32
    %dma_start3A_12 = tpu.memref_slice %arg2[%add3A_6, %dma_start3A_11] : memref<12800x256xi32, #tpu.memory_space<hbm>> -> memref<1x256xi32, #tpu.memory_space<hbm>>
    %dma_start3A_13 = arith.constant 0 : i32
    %dma_start3A_14 = arith.constant 0 : i32
    %dma_start3A_15 = tpu.memref_slice %arg5[%dma_start3A, %dma_start3A_13, %dma_start3A_14] : memref<2x1x256xi32, #tpu.memory_space<vmem>> -> memref<1x1x256xi32, #tpu.memory_space<vmem>>
    %dma_start3A_16 = tpu.memref_squeeze %dma_start3A_15 : memref<1x1x256xi32, #tpu.memory_space<vmem>> -> memref<1x256xi32, #tpu.memory_space<vmem>>
    %dma_start3A_17 = arith.constant 0 : i32
    %dma_start3A_18 = tpu.memref_slice %arg2[%add3A_6, %dma_start3A_17] : memref<12800x256xi32, #tpu.memory_space<hbm>> -> memref<1x256xi32, #tpu.memory_space<hbm>>
    tpu.enqueue_dma source(%dma_start3A_18 : memref<1x256xi32, #tpu.memory_space<hbm>>) target(%dma_start3A_16 : memref<1x256xi32, #tpu.memory_space<vmem>>) target_semaphore(%arg7 : memref<!tpu.dma_semaphore, #tpu.memory_space<semaphore_mem>>)
    %add3A_19 = arith.constant 1 : i32
    %add3A_20 = arith.addi %mul3A_4, %add3A_19 : i32
    %dma_start3A_21 = arith.constant 1 : i32
    %dma_start3A_22 = arith.constant 0 : i32
    %dma_start3A_23 = arith.constant 0 : i32
    %dma_start3A_24 = tpu.memref_slice %arg5[%dma_start3A_21, %dma_start3A_22, %dma_start3A_23] : memref<2x1x256xi32, #tpu.memory_space<vmem>> -> memref<1x1x256xi32, #tpu.memory_space<vmem>>
    %dma_start3A_25 = tpu.memref_squeeze %dma_start3A_24 : memref<1x1x256xi32, #tpu.memory_space<vmem>> -> memref<1x256xi32, #tpu.memory_space<vmem>>
    %dma_start3A_26 = arith.constant 0 : i32
    %dma_start3A_27 = tpu.memref_slice %arg2[%add3A_20, %dma_start3A_26] : memref<12800x256xi32, #tpu.memory_space<hbm>> -> memref<1x256xi32, #tpu.memory_space<hbm>>
    %dma_start3A_28 = arith.constant 0 : i32
    %dma_start3A_29 = arith.constant 0 : i32
    %dma_start3A_30 = tpu.memref_slice %arg5[%dma_start3A_21, %dma_start3A_28, %dma_start3A_29] : memref<2x1x256xi32, #tpu.memory_space<vmem>> -> memref<1x1x256xi32, #tpu.memory_space<vmem>>
    %dma_start3A_31 = tpu.memref_squeeze %dma_start3A_30 : memref<1x1x256xi32, #tpu.memory_space<vmem>> -> memref<1x256xi32, #tpu.memory_space<vmem>>
    %dma_start3A_32 = arith.constant 0 : i32
    %dma_start3A_33 = tpu.memref_slice %arg2[%add3A_20, %dma_start3A_32] : memref<12800x256xi32, #tpu.memory_space<hbm>> -> memref<1x256xi32, #tpu.memory_space<hbm>>
    tpu.enqueue_dma source(%dma_start3A_33 : memref<1x256xi32, #tpu.memory_space<hbm>>) target(%dma_start3A_31 : memref<1x256xi32, #tpu.memory_space<vmem>>) target_semaphore(%arg8 : memref<!tpu.dma_semaphore, #tpu.memory_space<semaphore_mem>>)
    %add3A_34 = arith.constant 0 : i32
    %add3A_35 = arith.addi %mul3A_4, %add3A_34 : i32
    %dma_wait3A = arith.constant 0 : i32
    %dma_wait3A_36 = arith.constant 0 : i32
    %dma_wait3A_37 = arith.constant 0 : i32
    %dma_wait3A_38 = tpu.memref_slice %arg5[%dma_wait3A, %dma_wait3A_36, %dma_wait3A_37] : memref<2x1x256xi32, #tpu.memory_space<vmem>> -> memref<1x1x256xi32, #tpu.memory_space<vmem>>
    %dma_wait3A_39 = tpu.memref_squeeze %dma_wait3A_38 : memref<1x1x256xi32, #tpu.memory_space<vmem>> -> memref<1x256xi32, #tpu.memory_space<vmem>>
    %dma_wait3A_40 = arith.constant 0 : i32
    %dma_wait3A_41 = tpu.memref_slice %arg2[%add3A_35, %dma_wait3A_40] : memref<12800x256xi32, #tpu.memory_space<hbm>> -> memref<1x256xi32, #tpu.memory_space<hbm>>
    %dma_wait3A_42 = arith.constant 0 : i32
    %dma_wait3A_43 = arith.constant 0 : i32
    %dma_wait3A_44 = tpu.memref_slice %arg5[%dma_wait3A, %dma_wait3A_42, %dma_wait3A_43] : memref<2x1x256xi32, #tpu.memory_space<vmem>> -> memref<1x1x256xi32, #tpu.memory_space<vmem>>
    %dma_wait3A_45 = tpu.memref_squeeze %dma_wait3A_44 : memref<1x1x256xi32, #tpu.memory_space<vmem>> -> memref<1x256xi32, #tpu.memory_space<vmem>>
    %dma_wait3A_46 = arith.constant 0 : i32
    %dma_wait3A_47 = tpu.memref_slice %arg2[%add3A_35, %dma_wait3A_46] : memref<12800x256xi32, #tpu.memory_space<hbm>> -> memref<1x256xi32, #tpu.memory_space<hbm>>
    tpu.wait_dma2 semaphore(%arg7 : memref<!tpu.dma_semaphore, #tpu.memory_space<semaphore_mem>>) src(%dma_wait3A_47 : memref<1x256xi32, #tpu.memory_space<hbm>>) dst(%dma_wait3A_45 : memref<1x256xi32, #tpu.memory_space<vmem>>)
    %get3A = arith.constant 0 : i32
    %get3A_48 = arith.constant 0 : i32
    %get3A_49 = arith.index_cast %get3A : i32 to index
    %get3A_50 = arith.index_cast %get3A_48 : i32 to index
    %get3A_51 = arith.constant 0 : index
    %get3A_52 = tpu.vector_load %arg5[%get3A_49, %get3A_50, %get3A_51] {strides = array<i32>} : memref<2x1x256xi32, #tpu.memory_space<vmem>>, vector<1x1x16xi32>,
    %get3A_53 = vector.shape_cast %get3A_52 : vector<1x1x16xi32> to vector<16xi32>
    %max3A = arith.constant 0 : i32
    %max3A_54 = vector.broadcast %max3A : i32 to vector<16xi32>
    %max3A_55 = arith.maxsi %get3A_53, %max3A_54 : vector<16xi32>
    %min3A = arith.constant 99999 : i32
    %min3A_56 = vector.broadcast %min3A : i32 to vector<16xi32>
    %min3A_57 = arith.minsi %max3A_55, %min3A_56 : vector<16xi32>
    %swap3A = arith.constant 0 : i32
    %swap3A_58 = arith.constant 0 : i32
    %swap3A_59 = arith.index_cast %swap3A : i32 to index
    %swap3A_60 = arith.index_cast %swap3A_58 : i32 to index
    %swap3A_61 = arith.constant 0 : index
    %swap3A_62 = tpu.vector_load %arg5[%swap3A_59, %swap3A_60, %swap3A_61] {strides = array<i32>} : memref<2x1x256xi32, #tpu.memory_space<vmem>>, vector<1x1x16xi32>,
    %swap3A_63 = vector.shape_cast %swap3A_62 : vector<1x1x16xi32> to vector<16xi32>
    %swap3A_64 = vector.shape_cast %min3A_57 : vector<16xi32> to vector<1x1x16xi32>
    tpu.vector_store %arg5[%swap3A_59, %swap3A_60, %swap3A_61], %swap3A_64 {strides = array<i32>} : memref<2x1x256xi32, #tpu.memory_space<vmem>>, vector<1x1x16xi32>,
    %get3A_65 = arith.constant 0 : i32
    %get3A_66 = arith.constant 0 : i32
    %get3A_67 = arith.index_cast %get3A_65 : i32 to index
    %get3A_68 = arith.index_cast %get3A_66 : i32 to index
    %get3A_69 = arith.constant 16 : index
    %get3A_70 = tpu.vector_load %arg5[%get3A_67, %get3A_68, %get3A_69] {strides = array<i32>} : memref<2x1x256xi32, #tpu.memory_space<vmem>>, vector<1x1x16xi32>,
    %get3A_71 = vector.shape_cast %get3A_70 : vector<1x1x16xi32> to vector<16xi32>
    %max3A_72 = arith.constant 0 : i32
    %max3A_73 = vector.broadcast %max3A_72 : i32 to vector<16xi32>
    %max3A_74 = arith.maxsi %get3A_71, %max3A_73 : vector<16xi32>
    %min3A_75 = arith.constant 99999 : i32
    %min3A_76 = vector.broadcast %min3A_75 : i32 to vector<16xi32>
    %min3A_77 = arith.minsi %max3A_74, %min3A_76 : vector<16xi32>
    %swap3A_78 = arith.constant 0 : i32
    %swap3A_79 = arith.constant 0 : i32
    %swap3A_80 = arith.index_cast %swap3A_78 : i32 to index
    %swap3A_81 = arith.index_cast %swap3A_79 : i32 to index
    %swap3A_82 = arith.constant 16 : index
    %swap3A_83 = tpu.vector_load %arg5[%swap3A_80, %swap3A_81, %swap3A_82] {strides = array<i32>} : memref<2x1x256xi32, #tpu.memory_space<vmem>>, vector<1x1x16xi32>,
    %swap3A_84 = vector.shape_cast %swap3A_83 : vector<1x1x16xi32> to vector<16xi32>
    %swap3A_85 = vector.shape_cast %min3A_77 : vector<16xi32> to vector<1x1x16xi32>
    tpu.vector_store %arg5[%swap3A_80, %swap3A_81, %swap3A_82], %swap3A_85 {strides = array<i32>} : memref<2x1x256xi32, #tpu.memory_space<vmem>>, vector<1x1x16xi32>,
    %get3A_86 = arith.constant 0 : i32
    %get3A_87 = arith.constant 0 : i32
    %get3A_88 = arith.index_cast %get3A_86 : i32 to index
    %get3A_89 = arith.index_cast %get3A_87 : i32 to index
    %get3A_90 = arith.constant 32 : index
    %get3A_91 = tpu.vector_load %arg5[%get3A_88, %get3A_89, %get3A_90] {strides = array<i32>} : memref<2x1x256xi32, #tpu.memory_space<vmem>>, vector<1x1x16xi32>,
    %get3A_92 = vector.shape_cast %get3A_91 : vector<1x1x16xi32> to vector<16xi32>
    %max3A_93 = arith.constant 0 : i32
    %max3A_94 = vector.broadcast %max3A_93 : i32 to vector<16xi32>
    %max3A_95 = arith.maxsi %get3A_92, %max3A_94 : vector<16xi32>
    %min3A_96 = arith.constant 99999 : i32
    %min3A_97 = vector.broadcast %min3A_96 : i32 to vector<16xi32>
    %min3A_98 = arith.minsi %max3A_95, %min3A_97 : vector<16xi32>
    %swap3A_99 = arith.constant 0 : i32
    %swap3A_100 = arith.constant 0 : i32
    %swap3A_101 = arith.index_cast %swap3A_99 : i32 to index
    %swap3A_102 = arith.index_cast %swap3A_100 : i32 to index
    %swap3A_103 = arith.constant 32 : index
    %swap3A_104 = tpu.vector_load %arg5[%swap3A_101, %swap3A_102, %swap3A_103] {strides = array<i32>} : memref<2x1x256xi32, #tpu.memory_space<vmem>>, vector<1x1x16xi32>,
    %swap3A_105 = vector.shape_cast %swap3A_104 : vector<1x1x16xi32> to vector<16xi32>
    %swap3A_106 = vector.shape_cast %min3A_98 : vector<16xi32> to vector<1x1x16xi32>
    tpu.vector_store %arg5[%swap3A_101, %swap3A_102, %swap3A_103], %swap3A_106 {strides = array<i32>} : memref<2x1x256xi32, #tpu.memory_space<vmem>>, vector<1x1x16xi32>,
    %get3A_107 = arith.constant 0 : i32
    %get3A_108 = arith.constant 0 : i32
    %get3A_109 = arith.index_cast %get3A_107 : i32 to index
    %get3A_110 = arith.index_cast %get3A_108 : i32 to index
    %get3A_111 = arith.constant 48 : index
    %get3A_112 = tpu.vector_load %arg5[%get3A_109, %get3A_110, %get3A_111] {strides = array<i32>} : memref<2x1x256xi32, #tpu.memory_space<vmem>>, vector<1x1x16xi32>,
    %get3A_113 = vector.shape_cast %get3A_112 : vector<1x1x16xi32> to vector<16xi32>
    %max3A_114 = arith.constant 0 : i32
    %max3A_115 = vector.broadcast %max3A_114 : i32 to vector<16xi32>
    %max3A_116 = arith.maxsi %get3A_113, %max3A_115 : vector<16xi32>
    %min3A_117 = arith.constant 99999 : i32
    %min3A_118 = vector.broadcast %min3A_117 : i32 to vector<16xi32>
    %min3A_119 = arith.minsi %max3A_116, %min3A_118 : vector<16xi32>
    %swap3A_120 = arith.constant 0 : i32
    %swap3A_121 = arith.constant 0 : i32
    %swap3A_122 = arith.index_cast %swap3A_120 : i32 to index
    %swap3A_123 = arith.index_cast %swap3A_121 : i32 to index
    %swap3A_124 = arith.constant 48 : index
    %swap3A_125 = tpu.vector_load %arg5[%swap3A_122, %swap3A_123, %swap3A_124] {strides = array<i32>} : memref<2x1x256xi32, #tpu.memory_space<vmem>>, vector<1x1x16xi32>,
    %swap3A_126 = vector.shape_cast %swap3A_125 : vector<1x1x16xi32> to vector<16xi32>
    %swap3A_127 = vector.shape_cast %min3A_119 : vector<16xi32> to vector<1x1x16xi32>
    tpu.vector_store %arg5[%swap3A_122, %swap3A_123, %swap3A_124], %swap3A_127 {strides = array<i32>} : memref<2x1x256xi32, #tpu.memory_space<vmem>>, vector<1x1x16xi32>,
    %get3A_128 = arith.constant 0 : i32
    %get3A_129 = arith.constant 0 : i32
    %get3A_130 = arith.index_cast %get3A_128 : i32 to index
    %get3A_131 = arith.index_cast %get3A_129 : i32 to index
    %get3A_132 = arith.constant 64 : index
    %get3A_133 = tpu.vector_load %arg5[%get3A_130, %get3A_131, %get3A_132] {strides = array<i32>} : memref<2x1x256xi32, #tpu.memory_space<vmem>>, vector<1x1x16xi32>,
    %get3A_134 = vector.shape_cast %get3A_133 : vector<1x1x16xi32> to vector<16xi32>
    %max3A_135 = arith.constant 0 : i32
    %max3A_136 = vector.broadcast %max3A_135 : i32 to vector<16xi32>
    %max3A_137 = arith.maxsi %get3A_134, %max3A_136 : vector<16xi32>
    %min3A_138 = arith.constant 99999 : i32
    %min3A_139 = vector.broadcast %min3A_138 : i32 to vector<16xi32>
    %min3A_140 = arith.minsi %max3A_137, %min3A_139 : vector<16xi32>
    %swap3A_141 = arith.constant 0 : i32
    %swap3A_142 = arith.constant 0 : i32
    %swap3A_143 = arith.index_cast %swap3A_141 : i32 to index
    %swap3A_144 = arith.index_cast %swap3A_142 : i32 to index
    %swap3A_145 = arith.constant 64 : index
    %swap3A_146 = tpu.vector_load %arg5[%swap3A_143, %swap3A_144, %swap3A_145] {strides = array<i32>} : memref<2x1x256xi32, #tpu.memory_space<vmem>>, vector<1x1x16xi32>,
    %swap3A_147 = vector.shape_cast %swap3A_146 : vector<1x1x16xi32> to vector<16xi32>
    %swap3A_148 = vector.shape_cast %min3A_140 : vector<16xi32> to vector<1x1x16xi32>
    tpu.vector_store %arg5[%swap3A_143, %swap3A_144, %swap3A_145], %swap3A_148 {strides = array<i32>} : memref<2x1x256xi32, #tpu.memory_space<vmem>>, vector<1x1x16xi32>,
    %get3A_149 = arith.constant 0 : i32
    %get3A_150 = arith.constant 0 : i32
    %get3A_151 = arith.index_cast %get3A_149 : i32 to index
    %get3A_152 = arith.index_cast %get3A_150 : i32 to index
    %get3A_153 = arith.constant 80 : index
    %get3A_154 = tpu.vector_load %arg5[%get3A_151, %get3A_152, %get3A_153] {strides = array<i32>} : memref<2x1x256xi32, #tpu.memory_space<vmem>>, vector<1x1x16xi32>,
    %get3A_155 = vector.shape_cast %get3A_154 : vector<1x1x16xi32> to vector<16xi32>
    %max3A_156 = arith.constant 0 : i32
    %max3A_157 = vector.broadcast %max3A_156 : i32 to vector<16xi32>
    %max3A_158 = arith.maxsi %get3A_155, %max3A_157 : vector<16xi32>
    %min3A_159 = arith.constant 99999 : i32
    %min3A_160 = vector.broadcast %min3A_159 : i32 to vector<16xi32>
    %min3A_161 = arith.minsi %max3A_158, %min3A_160 : vector<16xi32>
    %swap3A_162 = arith.constant 0 : i32
    %swap3A_163 = arith.constant 0 : i32
    %swap3A_164 = arith.index_cast %swap3A_162 : i32 to index
    %swap3A_165 = arith.index_cast %swap3A_163 : i32 to index
    %swap3A_166 = arith.constant 80 : index
    %swap3A_167 = tpu.vector_load %arg5[%swap3A_164, %swap3A_165, %swap3A_166] {strides = array<i32>} : memref<2x1x256xi32, #tpu.memory_space<vmem>>, vector<1x1x16xi32>,
    %swap3A_168 = vector.shape_cast %swap3A_167 : vector<1x1x16xi32> to vector<16xi32>
    %swap3A_169 = vector.shape_cast %min3A_161 : vector<16xi32> to vector<1x1x16xi32>
    tpu.vector_store %arg5[%swap3A_164, %swap3A_165, %swap3A_166], %swap3A_169 {strides = array<i32>} : memref<2x1x256xi32, #tpu.memory_space<vmem>>, vector<1x1x16xi32>,
    %get3A_170 = arith.constant 0 : i32
    %get3A_171 = arith.constant 0 : i32
    %get3A_172 = arith.index_cast %get3A_170 : i32 to index
    %get3A_173 = arith.index_cast %get3A_171 : i32 to index
    %get3A_174 = arith.constant 96 : index
    %get3A_175 = tpu.vector_load %arg5[%get3A_172, %get3A_173, %get3A_174] {strides = array<i32>} : memref<2x1x256xi32, #tpu.memory_space<vmem>>, vector<1x1x16xi32>,
    %get3A_176 = vector.shape_cast %get3A_175 : vector<1x1x16xi32> to vector<16xi32>
    %max3A_177 = arith.constant 0 : i32
    %max3A_178 = vector.broadcast %max3A_177 : i32 to vector<16xi32>
    %max3A_179 = arith.maxsi %get3A_176, %max3A_178 : vector<16xi32>
    %min3A_180 = arith.constant 99999 : i32
    %min3A_181 = vector.broadcast %min3A_180 : i32 to vector<16xi32>
    %min3A_182 = arith.minsi %max3A_179, %min3A_181 : vector<16xi32>
    %swap3A_183 = arith.constant 0 : i32
    %swap3A_184 = arith.constant 0 : i32
    %swap3A_185 = arith.index_cast %swap3A_183 : i32 to index
    %swap3A_186 = arith.index_cast %swap3A_184 : i32 to index
    %swap3A_187 = arith.constant 96 : index
    %swap3A_188 = tpu.vector_load %arg5[%swap3A_185, %swap3A_186, %swap3A_187] {strides = array<i32>} : memref<2x1x256xi32, #tpu.memory_space<vmem>>, vector<1x1x16xi32>,
    %swap3A_189 = vector.shape_cast %swap3A_188 : vector<1x1x16xi32> to vector<16xi32>
    %swap3A_190 = vector.shape_cast %min3A_182 : vector<16xi32> to vector<1x1x16xi32>
    tpu.vector_store %arg5[%swap3A_185, %swap3A_186, %swap3A_187], %swap3A_190 {strides = array<i32>} : memref<2x1x256xi32, #tpu.memory_space<vmem>>, vector<1x1x16xi32>,
    %get3A_191 = arith.constant 0 : i32
    %get3A_192 = arith.constant 0 : i32
    %get3A_193 = arith.index_cast %get3A_191 : i32 to index
    %get3A_194 = arith.index_cast %get3A_192 : i32 to index
    %get3A_195 = arith.constant 112 : index
    %get3A_196 = tpu.vector_load %arg5[%get3A_193, %get3A_194, %get3A_195] {strides = array<i32>} : memref<2x1x256xi32, #tpu.memory_space<vmem>>, vector<1x1x16xi32>,
    %get3A_197 = vector.shape_cast %get3A_196 : vector<1x1x16xi32> to vector<16xi32>
    %max3A_198 = arith.constant 0 : i32
    %max3A_199 = vector.broadcast %max3A_198 : i32 to vector<16xi32>
    %max3A_200 = arith.maxsi %get3A_197, %max3A_199 : vector<16xi32>
    %min3A_201 = arith.constant 99999 : i32
    %min3A_202 = vector.broadcast %min3A_201 : i32 to vector<16xi32>
    %min3A_203 = arith.minsi %max3A_200, %min3A_202 : vector<16xi32>
    %swap3A_204 = arith.constant 0 : i32
    %swap3A_205 = arith.constant 0 : i32
    %swap3A_206 = arith.index_cast %swap3A_204 : i32 to index
    %swap3A_207 = arith.index_cast %swap3A_205 : i32 to index
    %swap3A_208 = arith.constant 112 : index
    %swap3A_209 = tpu.vector_load %arg5[%swap3A_206, %swap3A_207, %swap3A_208] {strides = array<i32>} : memref<2x1x256xi32, #tpu.memory_space<vmem>>, vector<1x1x16xi32>,
    %swap3A_210 = vector.shape_cast %swap3A_209 : vector<1x1x16xi32> to vector<16xi32>
    %swap3A_211 = vector.shape_cast %min3A_203 : vector<16xi32> to vector<1x1x16xi32>
    tpu.vector_store %arg5[%swap3A_206, %swap3A_207, %swap3A_208], %swap3A_211 {strides = array<i32>} : memref<2x1x256xi32, #tpu.memory_space<vmem>>, vector<1x1x16xi32>,
    %get3A_212 = arith.constant 0 : i32
    %get3A_213 = arith.constant 0 : i32
    %get3A_214 = arith.index_cast %get3A_212 : i32 to index
    %get3A_215 = arith.index_cast %get3A_213 : i32 to index
    %get3A_216 = arith.constant 128 : index
    %get3A_217 = tpu.vector_load %arg5[%get3A_214, %get3A_215, %get3A_216] {strides = array<i32>} : memref<2x1x256xi32, #tpu.memory_space<vmem>>, vector<1x1x16xi32>,
    %get3A_218 = vector.shape_cast %get3A_217 : vector<1x1x16xi32> to vector<16xi32>
    %max3A_219 = arith.constant 0 : i32
    %max3A_220 = vector.broadcast %max3A_219 : i32 to vector<16xi32>
    %max3A_221 = arith.maxsi %get3A_218, %max3A_220 : vector<16xi32>
    %min3A_222 = arith.constant 99999 : i32
    %min3A_223 = vector.broadcast %min3A_222 : i32 to vector<16xi32>
    %min3A_224 = arith.minsi %max3A_221, %min3A_223 : vector<16xi32>
    %swap3A_225 = arith.constant 0 : i32
    %swap3A_226 = arith.constant 0 : i32
    %swap3A_227 = arith.index_cast %swap3A_225 : i32 to index
    %swap3A_228 = arith.index_cast %swap3A_226 : i32 to index
    %swap3A_229 = arith.constant 128 : index
    %swap3A_230 = tpu.vector_load %arg5[%swap3A_227, %swap3A_228, %swap3A_229] {strides = array<i32>} : memref<2x1x256xi32, #tpu.memory_space<vmem>>, vector<1x1x16xi32>,
    %swap3A_231 = vector.shape_cast %swap3A_230 : vector<1x1x16xi32> to vector<16xi32>
    %swap3A_232 = vector.shape_cast %min3A_224 : vector<16xi32> to vector<1x1x16xi32>
    tpu.vector_store %arg5[%swap3A_227, %swap3A_228, %swap3A_229], %swap3A_232 {strides = array<i32>} : memref<2x1x256xi32, #tpu.memory_space<vmem>>, vector<1x1x16xi32>,
    %get3A_233 = arith.constant 0 : i32
    %get3A_234 = arith.constant 0 : i32
    %get3A_235 = arith.index_cast %get3A_233 : i32 to index
    %get3A_236 = arith.index_cast %get3A_234 : i32 to index
    %get3A_237 = arith.constant 144 : index
    %get3A_238 = tpu.vector_load %arg5[%get3A_235, %get3A_236, %get3A_237] {strides = array<i32>} : memref<2x1x256xi32, #tpu.memory_space<vmem>>, vector<1x1x16xi32>,
    %get3A_239 = vector.shape_cast %get3A_238 : vector<1x1x16xi32> to vector<16xi32>
    %max3A_240 = arith.constant 0 : i32
    %max3A_241 = vector.broadcast %max3A_240 : i32 to vector<16xi32>
    %max3A_242 = arith.maxsi %get3A_239, %max3A_241 : vector<16xi32>
    %min3A_243 = arith.constant 99999 : i32
    %min3A_244 = vector.broadcast %min3A_243 : i32 to vector<16xi32>
    %min3A_245 = arith.minsi %max3A_242, %min3A_244 : vector<16xi32>
    %swap3A_246 = arith.constant 0 : i32
    %swap3A_247 = arith.constant 0 : i32
    %swap3A_248 = arith.index_cast %swap3A_246 : i32 to index
    %swap3A_249 = arith.index_cast %swap3A_247 : i32 to index
    %swap3A_250 = arith.constant 144 : index
    %swap3A_251 = tpu.vector_load %arg5[%swap3A_248, %swap3A_249, %swap3A_250] {strides = array<i32>} : memref<2x1x256xi32, #tpu.memory_space<vmem>>, vector<1x1x16xi32>,
    %swap3A_252 = vector.shape_cast %swap3A_251 : vector<1x1x16xi32> to vector<16xi32>
    %swap3A_253 = vector.shape_cast %min3A_245 : vector<16xi32> to vector<1x1x16xi32>
    tpu.vector_store %arg5[%swap3A_248, %swap3A_249, %swap3A_250], %swap3A_253 {strides = array<i32>} : memref<2x1x256xi32, #tpu.memory_space<vmem>>, vector<1x1x16xi32>,
    %get3A_254 = arith.constant 0 : i32
    %get3A_255 = arith.constant 0 : i32
    %get3A_256 = arith.index_cast %get3A_254 : i32 to index
    %get3A_257 = arith.index_cast %get3A_255 : i32 to index
    %get3A_258 = arith.constant 160 : index
    %get3A_259 = tpu.vector_load %arg5[%get3A_256, %get3A_257, %get3A_258] {strides = array<i32>} : memref<2x1x256xi32, #tpu.memory_space<vmem>>, vector<1x1x16xi32>,
    %get3A_260 = vector.shape_cast %get3A_259 : vector<1x1x16xi32> to vector<16xi32>
    %max3A_261 = arith.constant 0 : i32
    %max3A_262 = vector.broadcast %max3A_261 : i32 to vector<16xi32>
    %max3A_263 = arith.maxsi %get3A_260, %max3A_262 : vector<16xi32>
    %min3A_264 = arith.constant 99999 : i32
    %min3A_265 = vector.broadcast %min3A_264 : i32 to vector<16xi32>
    %min3A_266 = arith.minsi %max3A_263, %min3A_265 : vector<16xi32>
    %swap3A_267 = arith.constant 0 : i32
    %swap3A_268 = arith.constant 0 : i32
    %swap3A_269 = arith.index_cast %swap3A_267 : i32 to index
    %swap3A_270 = arith.index_cast %swap3A_268 : i32 to index
    %swap3A_271 = arith.constant 160 : index
    %swap3A_272 = tpu.vector_load %arg5[%swap3A_269, %swap3A_270, %swap3A_271] {strides = array<i32>} : memref<2x1x256xi32, #tpu.memory_space<vmem>>, vector<1x1x16xi32>,
    %swap3A_273 = vector.shape_cast %swap3A_272 : vector<1x1x16xi32> to vector<16xi32>
    %swap3A_274 = vector.shape_cast %min3A_266 : vector<16xi32> to vector<1x1x16xi32>
    tpu.vector_store %arg5[%swap3A_269, %swap3A_270, %swap3A_271], %swap3A_274 {strides = array<i32>} : memref<2x1x256xi32, #tpu.memory_space<vmem>>, vector<1x1x16xi32>,
    %get3A_275 = arith.constant 0 : i32
    %get3A_276 = arith.constant 0 : i32
    %get3A_277 = arith.index_cast %get3A_275 : i32 to index
    %get3A_278 = arith.index_cast %get3A_276 : i32 to index
    %get3A_279 = arith.constant 176 : index
    %get3A_280 = tpu.vector_load %arg5[%get3A_277, %get3A_278, %get3A_279] {strides = array<i32>} : memref<2x1x256xi32, #tpu.memory_space<vmem>>, vector<1x1x16xi32>,
    %get3A_281 = vector.shape_cast %get3A_280 : vector<1x1x16xi32> to vector<16xi32>
    %max3A_282 = arith.constant 0 : i32
    %max3A_283 = vector.broadcast %max3A_282 : i32 to vector<16xi32>
    %max3A_284 = arith.maxsi %get3A_281, %max3A_283 : vector<16xi32>
    %min3A_285 = arith.constant 99999 : i32
    %min3A_286 = vector.broadcast %min3A_285 : i32 to vector<16xi32>
    %min3A_287 = arith.minsi %max3A_284, %min3A_286 : vector<16xi32>
    %swap3A_288 = arith.constant 0 : i32
    %swap3A_289 = arith.constant 0 : i32
    %swap3A_290 = arith.index_cast %swap3A_288 : i32 to index
    %swap3A_291 = arith.index_cast %swap3A_289 : i32 to index
    %swap3A_292 = arith.constant 176 : index
    %swap3A_293 = tpu.vector_load %arg5[%swap3A_290, %swap3A_291, %swap3A_292] {strides = array<i32>} : memref<2x1x256xi32, #tpu.memory_space<vmem>>, vector<1x1x16xi32>,
    %swap3A_294 = vector.shape_cast %swap3A_293 : vector<1x1x16xi32> to vector<16xi32>
    %swap3A_295 = vector.shape_cast %min3A_287 : vector<16xi32> to vector<1x1x16xi32>
    tpu.vector_store %arg5[%swap3A_290, %swap3A_291, %swap3A_292], %swap3A_295 {strides = array<i32>} : memref<2x1x256xi32, #tpu.memory_space<vmem>>, vector<1x1x16xi32>,
    %get3A_296 = arith.constant 0 : i32
    %get3A_297 = arith.constant 0 : i32
    %get3A_298 = arith.index_cast %get3A_296 : i32 to index
    %get3A_299 = arith.index_cast %get3A_297 : i32 to index
    %get3A_300 = arith.constant 192 : index
    %get3A_301 = tpu.vector_load %arg5[%get3A_298, %get3A_299, %get3A_300] {strides = array<i32>} : memref<2x1x256xi32, #tpu.memory_space<vmem>>, vector<1x1x16xi32>,
    %get3A_302 = vector.shape_cast %get3A_301 : vector<1x1x16xi32> to vector<16xi32>
    %max3A_303 = arith.constant 0 : i32
    %max3A_304 = vector.broadcast %max3A_303 : i32 to vector<16xi32>
    %max3A_305 = arith.maxsi %get3A_302, %max3A_304 : vector<16xi32>
    %min3A_306 = arith.constant 99999 : i32
    %min3A_307 = vector.broadcast %min3A_306 : i32 to vector<16xi32>
    %min3A_308 = arith.minsi %max3A_305, %min3A_307 : vector<16xi32>
    %swap3A_309 = arith.constant 0 : i32
    %swap3A_310 = arith.constant 0 : i32
    %swap3A_311 = arith.index_cast %swap3A_309 : i32 to index
    %swap3A_312 = arith.index_cast %swap3A_310 : i32 to index
    %swap3A_313 = arith.constant 192 : index
    %swap3A_314 = tpu.vector_load %arg5[%swap3A_311, %swap3A_312, %swap3A_313] {strides = array<i32>} : memref<2x1x256xi32, #tpu.memory_space<vmem>>, vector<1x1x16xi32>,
    %swap3A_315 = vector.shape_cast %swap3A_314 : vector<1x1x16xi32> to vector<16xi32>
    %swap3A_316 = vector.shape_cast %min3A_308 : vector<16xi32> to vector<1x1x16xi32>
    tpu.vector_store %arg5[%swap3A_311, %swap3A_312, %swap3A_313], %swap3A_316 {strides = array<i32>} : memref<2x1x256xi32, #tpu.memory_space<vmem>>, vector<1x1x16xi32>,
    %get3A_317 = arith.constant 0 : i32
    %get3A_318 = arith.constant 0 : i32
    %get3A_319 = arith.index_cast %get3A_317 : i32 to index
    %get3A_320 = arith.index_cast %get3A_318 : i32 to index
    %get3A_321 = arith.constant 208 : index
    %get3A_322 = tpu.vector_load %arg5[%get3A_319, %get3A_320, %get3A_321] {strides = array<i32>} : memref<2x1x256xi32, #tpu.memory_space<vmem>>, vector<1x1x16xi32>,
    %get3A_323 = vector.shape_cast %get3A_322 : vector<1x1x16xi32> to vector<16xi32>
    %max3A_324 = arith.constant 0 : i32
    %max3A_325 = vector.broadcast %max3A_324 : i32 to vector<16xi32>
    %max3A_326 = arith.maxsi %get3A_323, %max3A_325 : vector<16xi32>
    %min3A_327 = arith.constant 99999 : i32
    %min3A_328 = vector.broadcast %min3A_327 : i32 to vector<16xi32>
    %min3A_329 = arith.minsi %max3A_326, %min3A_328 : vector<16xi32>
    %swap3A_330 = arith.constant 0 : i32
    %swap3A_331 = arith.constant 0 : i32
    %swap3A_332 = arith.index_cast %swap3A_330 : i32 to index
    %swap3A_333 = arith.index_cast %swap3A_331 : i32 to index
    %swap3A_334 = arith.constant 208 : index
    %swap3A_335 = tpu.vector_load %arg5[%swap3A_332, %swap3A_333, %swap3A_334] {strides = array<i32>} : memref<2x1x256xi32, #tpu.memory_space<vmem>>, vector<1x1x16xi32>,
    %swap3A_336 = vector.shape_cast %swap3A_335 : vector<1x1x16xi32> to vector<16xi32>
    %swap3A_337 = vector.shape_cast %min3A_329 : vector<16xi32> to vector<1x1x16xi32>
    tpu.vector_store %arg5[%swap3A_332, %swap3A_333, %swap3A_334], %swap3A_337 {strides = array<i32>} : memref<2x1x256xi32, #tpu.memory_space<vmem>>, vector<1x1x16xi32>,
    %get3A_338 = arith.constant 0 : i32
    %get3A_339 = arith.constant 0 : i32
    %get3A_340 = arith.index_cast %get3A_338 : i32 to index
    %get3A_341 = arith.index_cast %get3A_339 : i32 to index
    %get3A_342 = arith.constant 224 : index
    %get3A_343 = tpu.vector_load %arg5[%get3A_340, %get3A_341, %get3A_342] {strides = array<i32>} : memref<2x1x256xi32, #tpu.memory_space<vmem>>, vector<1x1x16xi32>,
    %get3A_344 = vector.shape_cast %get3A_343 : vector<1x1x16xi32> to vector<16xi32>
    %max3A_345 = arith.constant 0 : i32
    %max3A_346 = vector.broadcast %max3A_345 : i32 to vector<16xi32>
    %max3A_347 = arith.maxsi %get3A_344, %max3A_346 : vector<16xi32>
    %min3A_348 = arith.constant 99999 : i32
    %min3A_349 = vector.broadcast %min3A_348 : i32 to vector<16xi32>
    %min3A_350 = arith.minsi %max3A_347, %min3A_349 : vector<16xi32>
    %swap3A_351 = arith.constant 0 : i32
    %swap3A_352 = arith.constant 0 : i32
    %swap3A_353 = arith.index_cast %swap3A_351 : i32 to index
    %swap3A_354 = arith.index_cast %swap3A_352 : i32 to index
    %swap3A_355 = arith.constant 224 : index
    %swap3A_356 = tpu.vector_load %arg5[%swap3A_353, %swap3A_354, %swap3A_355] {strides = array<i32>} : memref<2x1x256xi32, #tpu.memory_space<vmem>>, vector<1x1x16xi32>,
    %swap3A_357 = vector.shape_cast %swap3A_356 : vector<1x1x16xi32> to vector<16xi32>
    %swap3A_358 = vector.shape_cast %min3A_350 : vector<16xi32> to vector<1x1x16xi32>
    tpu.vector_store %arg5[%swap3A_353, %swap3A_354, %swap3A_355], %swap3A_358 {strides = array<i32>} : memref<2x1x256xi32, #tpu.memory_space<vmem>>, vector<1x1x16xi32>,
    %get3A_359 = arith.constant 0 : i32
    %get3A_360 = arith.constant 0 : i32
    %get3A_361 = arith.index_cast %get3A_359 : i32 to index
    %get3A_362 = arith.index_cast %get3A_360 : i32 to index
    %get3A_363 = arith.constant 240 : index
    %get3A_364 = tpu.vector_load %arg5[%get3A_361, %get3A_362, %get3A_363] {strides = array<i32>} : memref<2x1x256xi32, #tpu.memory_space<vmem>>, vector<1x1x16xi32>,
    %get3A_365 = vector.shape_cast %get3A_364 : vector<1x1x16xi32> to vector<16xi32>
    %max3A_366 = arith.constant 0 : i32
    %max3A_367 = vector.broadcast %max3A_366 : i32 to vector<16xi32>
    %max3A_368 = arith.maxsi %get3A_365, %max3A_367 : vector<16xi32>
    %min3A_369 = arith.constant 99999 : i32
    %min3A_370 = vector.broadcast %min3A_369 : i32 to vector<16xi32>
    %min3A_371 = arith.minsi %max3A_368, %min3A_370 : vector<16xi32>
    %swap3A_372 = arith.constant 0 : i32
    %swap3A_373 = arith.constant 0 : i32
    %swap3A_374 = arith.index_cast %swap3A_372 : i32 to index
    %swap3A_375 = arith.index_cast %swap3A_373 : i32 to index
    %swap3A_376 = arith.constant 240 : index
    %swap3A_377 = tpu.vector_load %arg5[%swap3A_374, %swap3A_375, %swap3A_376] {strides = array<i32>} : memref<2x1x256xi32, #tpu.memory_space<vmem>>, vector<1x1x16xi32>,
    %swap3A_378 = vector.shape_cast %swap3A_377 : vector<1x1x16xi32> to vector<16xi32>
    %swap3A_379 = vector.shape_cast %min3A_371 : vector<16xi32> to vector<1x1x16xi32>
    tpu.vector_store %arg5[%swap3A_374, %swap3A_375, %swap3A_376], %swap3A_379 {strides = array<i32>} : memref<2x1x256xi32, #tpu.memory_space<vmem>>, vector<1x1x16xi32>,
    %dma_start3A_380 = arith.constant 0 : i32
    %dma_start3A_381 = arith.constant 0 : i32
    %dma_start3A_382 = arith.constant 0 : i32
    %dma_start3A_383 = arith.constant 0 : i32
    %dma_start3A_384 = arith.constant 0 : i32
    %dma_start3A_385 = tpu.memref_slice %arg6[%dma_start3A_382, %dma_start3A_383, %dma_start3A_384] : memref<2x256x128xf32, #tpu.memory_space<vmem>> -> memref<1x256x128xf32, #tpu.memory_space<vmem>>
    %dma_start3A_386 = tpu.memref_squeeze %dma_start3A_385 : memref<1x256x128xf32, #tpu.memory_space<vmem>> -> memref<256x128xf32, #tpu.memory_space<vmem>>
    %dma_start3A_387 = arith.constant 0 : i32
    %dma_start3A_388 = tpu.memref_slice %arg5[%dma_start3A_380, %dma_start3A_381, %dma_start3A_387] : memref<2x1x256xi32, #tpu.memory_space<vmem>> -> memref<1x1x256xi32, #tpu.memory_space<vmem>>
    %dma_start3A_389 = tpu.memref_squeeze %dma_start3A_388 : memref<1x1x256xi32, #tpu.memory_space<vmem>> -> memref<256xi32, #tpu.memory_space<vmem>>
    %dma_start3A_390 = arith.constant 0 : i32
    %dma_start3A_391 = arith.constant 0 : i32
    %dma_start3A_392 = tpu.memref_slice %arg3[%dma_start3A_390, %dma_start3A_391] : memref<100000x128xf32, #tpu.memory_space<hbm>> -> memref<100000x128xf32, #tpu.memory_space<hbm>>
    tpu.enqueue_indirect_dma source(%dma_start3A_392 : memref<100000x128xf32, #tpu.memory_space<hbm>>) target(%dma_start3A_386 : memref<256x128xf32, #tpu.memory_space<vmem>>) offsets(%dma_start3A_389 : memref<256xi32, #tpu.memory_space<vmem>>) semaphore(%arg9 : memref<!tpu.dma_semaphore, #tpu.memory_space<semaphore_mem>>)
    %add3A_393 = arith.constant 1 : i32
    %add3A_394 = arith.addi %mul3A_4, %add3A_393 : i32
    %dma_wait3A_395 = arith.constant 1 : i32
    %dma_wait3A_396 = arith.constant 0 : i32
    %dma_wait3A_397 = arith.constant 0 : i32
    %dma_wait3A_398 = tpu.memref_slice %arg5[%dma_wait3A_395, %dma_wait3A_396, %dma_wait3A_397] : memref<2x1x256xi32, #tpu.memory_space<vmem>> -> memref<1x1x256xi32, #tpu.memory_space<vmem>>
    %dma_wait3A_399 = tpu.memref_squeeze %dma_wait3A_398 : memref<1x1x256xi32, #tpu.memory_space<vmem>> -> memref<1x256xi32, #tpu.memory_space<vmem>>
    %dma_wait3A_400 = arith.constant 0 : i32
    %dma_wait3A_401 = tpu.memref_slice %arg2[%add3A_394, %dma_wait3A_400] : memref<12800x256xi32, #tpu.memory_space<hbm>> -> memref<1x256xi32, #tpu.memory_space<hbm>>
    %dma_wait3A_402 = arith.constant 0 : i32
    %dma_wait3A_403 = arith.constant 0 : i32
    %dma_wait3A_404 = tpu.memref_slice %arg5[%dma_wait3A_395, %dma_wait3A_402, %dma_wait3A_403] : memref<2x1x256xi32, #tpu.memory_space<vmem>> -> memref<1x1x256xi32, #tpu.memory_space<vmem>>
    %dma_wait3A_405 = tpu.memref_squeeze %dma_wait3A_404 : memref<1x1x256xi32, #tpu.memory_space<vmem>> -> memref<1x256xi32, #tpu.memory_space<vmem>>
    %dma_wait3A_406 = arith.constant 0 : i32
    %dma_wait3A_407 = tpu.memref_slice %arg2[%add3A_394, %dma_wait3A_406] : memref<12800x256xi32, #tpu.memory_space<hbm>> -> memref<1x256xi32, #tpu.memory_space<hbm>>
    tpu.wait_dma2 semaphore(%arg8 : memref<!tpu.dma_semaphore, #tpu.memory_space<semaphore_mem>>) src(%dma_wait3A_407 : memref<1x256xi32, #tpu.memory_space<hbm>>) dst(%dma_wait3A_405 : memref<1x256xi32, #tpu.memory_space<vmem>>)
    %get3A_408 = arith.constant 1 : i32
    %get3A_409 = arith.constant 0 : i32
    %get3A_410 = arith.index_cast %get3A_408 : i32 to index
    %get3A_411 = arith.index_cast %get3A_409 : i32 to index
    %get3A_412 = arith.constant 0 : index
    %get3A_413 = tpu.vector_load %arg5[%get3A_410, %get3A_411, %get3A_412] {strides = array<i32>} : memref<2x1x256xi32, #tpu.memory_space<vmem>>, vector<1x1x16xi32>,
    %get3A_414 = vector.shape_cast %get3A_413 : vector<1x1x16xi32> to vector<16xi32>
    %max3A_415 = arith.constant 0 : i32
    %max3A_416 = vector.broadcast %max3A_415 : i32 to vector<16xi32>
    %max3A_417 = arith.maxsi %get3A_414, %max3A_416 : vector<16xi32>
    %min3A_418 = arith.constant 99999 : i32
    %min3A_419 = vector.broadcast %min3A_418 : i32 to vector<16xi32>
    %min3A_420 = arith.minsi %max3A_417, %min3A_419 : vector<16xi32>
    %swap3A_421 = arith.constant 1 : i32
    %swap3A_422 = arith.constant 0 : i32
    %swap3A_423 = arith.index_cast %swap3A_421 : i32 to index
    %swap3A_424 = arith.index_cast %swap3A_422 : i32 to index
    %swap3A_425 = arith.constant 0 : index
    %swap3A_426 = tpu.vector_load %arg5[%swap3A_423, %swap3A_424, %swap3A_425] {strides = array<i32>} : memref<2x1x256xi32, #tpu.memory_space<vmem>>, vector<1x1x16xi32>,
    %swap3A_427 = vector.shape_cast %swap3A_426 : vector<1x1x16xi32> to vector<16xi32>
    %swap3A_428 = vector.shape_cast %min3A_420 : vector<16xi32> to vector<1x1x16xi32>
    tpu.vector_store %arg5[%swap3A_423, %swap3A_424, %swap3A_425], %swap3A_428 {strides = array<i32>} : memref<2x1x256xi32, #tpu.memory_space<vmem>>, vector<1x1x16xi32>,
    %get3A_429 = arith.constant 1 : i32
    %get3A_430 = arith.constant 0 : i32
    %get3A_431 = arith.index_cast %get3A_429 : i32 to index
    %get3A_432 = arith.index_cast %get3A_430 : i32 to index
    %get3A_433 = arith.constant 16 : index
    %get3A_434 = tpu.vector_load %arg5[%get3A_431, %get3A_432, %get3A_433] {strides = array<i32>} : memref<2x1x256xi32, #tpu.memory_space<vmem>>, vector<1x1x16xi32>,
    %get3A_435 = vector.shape_cast %get3A_434 : vector<1x1x16xi32> to vector<16xi32>
    %max3A_436 = arith.constant 0 : i32
    %max3A_437 = vector.broadcast %max3A_436 : i32 to vector<16xi32>
    %max3A_438 = arith.maxsi %get3A_435, %max3A_437 : vector<16xi32>
    %min3A_439 = arith.constant 99999 : i32
    %min3A_440 = vector.broadcast %min3A_439 : i32 to vector<16xi32>
    %min3A_441 = arith.minsi %max3A_438, %min3A_440 : vector<16xi32>
    %swap3A_442 = arith.constant 1 : i32
    %swap3A_443 = arith.constant 0 : i32
    %swap3A_444 = arith.index_cast %swap3A_442 : i32 to index
    %swap3A_445 = arith.index_cast %swap3A_443 : i32 to index
    %swap3A_446 = arith.constant 16 : index
    %swap3A_447 = tpu.vector_load %arg5[%swap3A_444, %swap3A_445, %swap3A_446] {strides = array<i32>} : memref<2x1x256xi32, #tpu.memory_space<vmem>>, vector<1x1x16xi32>,
    %swap3A_448 = vector.shape_cast %swap3A_447 : vector<1x1x16xi32> to vector<16xi32>
    %swap3A_449 = vector.shape_cast %min3A_441 : vector<16xi32> to vector<1x1x16xi32>
    tpu.vector_store %arg5[%swap3A_444, %swap3A_445, %swap3A_446], %swap3A_449 {strides = array<i32>} : memref<2x1x256xi32, #tpu.memory_space<vmem>>, vector<1x1x16xi32>,
    %get3A_450 = arith.constant 1 : i32
    %get3A_451 = arith.constant 0 : i32
    %get3A_452 = arith.index_cast %get3A_450 : i32 to index
    %get3A_453 = arith.index_cast %get3A_451 : i32 to index
    %get3A_454 = arith.constant 32 : index
    %get3A_455 = tpu.vector_load %arg5[%get3A_452, %get3A_453, %get3A_454] {strides = array<i32>} : memref<2x1x256xi32, #tpu.memory_space<vmem>>, vector<1x1x16xi32>,
    %get3A_456 = vector.shape_cast %get3A_455 : vector<1x1x16xi32> to vector<16xi32>
    %max3A_457 = arith.constant 0 : i32
    %max3A_458 = vector.broadcast %max3A_457 : i32 to vector<16xi32>
    %max3A_459 = arith.maxsi %get3A_456, %max3A_458 : vector<16xi32>
    %min3A_460 = arith.constant 99999 : i32
    %min3A_461 = vector.broadcast %min3A_460 : i32 to vector<16xi32>
    %min3A_462 = arith.minsi %max3A_459, %min3A_461 : vector<16xi32>
    %swap3A_463 = arith.constant 1 : i32
    %swap3A_464 = arith.constant 0 : i32
    %swap3A_465 = arith.index_cast %swap3A_463 : i32 to index
    %swap3A_466 = arith.index_cast %swap3A_464 : i32 to index
    %swap3A_467 = arith.constant 32 : index
    %swap3A_468 = tpu.vector_load %arg5[%swap3A_465, %swap3A_466, %swap3A_467] {strides = array<i32>} : memref<2x1x256xi32, #tpu.memory_space<vmem>>, vector<1x1x16xi32>,
    %swap3A_469 = vector.shape_cast %swap3A_468 : vector<1x1x16xi32> to vector<16xi32>
    %swap3A_470 = vector.shape_cast %min3A_462 : vector<16xi32> to vector<1x1x16xi32>
    tpu.vector_store %arg5[%swap3A_465, %swap3A_466, %swap3A_467], %swap3A_470 {strides = array<i32>} : memref<2x1x256xi32, #tpu.memory_space<vmem>>, vector<1x1x16xi32>,
    %get3A_471 = arith.constant 1 : i32
    %get3A_472 = arith.constant 0 : i32
    %get3A_473 = arith.index_cast %get3A_471 : i32 to index
    %get3A_474 = arith.index_cast %get3A_472 : i32 to index
    %get3A_475 = arith.constant 48 : index
    %get3A_476 = tpu.vector_load %arg5[%get3A_473, %get3A_474, %get3A_475] {strides = array<i32>} : memref<2x1x256xi32, #tpu.memory_space<vmem>>, vector<1x1x16xi32>,
    %get3A_477 = vector.shape_cast %get3A_476 : vector<1x1x16xi32> to vector<16xi32>
    %max3A_478 = arith.constant 0 : i32
    %max3A_479 = vector.broadcast %max3A_478 : i32 to vector<16xi32>
    %max3A_480 = arith.maxsi %get3A_477, %max3A_479 : vector<16xi32>
    %min3A_481 = arith.constant 99999 : i32
    %min3A_482 = vector.broadcast %min3A_481 : i32 to vector<16xi32>
    %min3A_483 = arith.minsi %max3A_480, %min3A_482 : vector<16xi32>
    %swap3A_484 = arith.constant 1 : i32
    %swap3A_485 = arith.constant 0 : i32
    %swap3A_486 = arith.index_cast %swap3A_484 : i32 to index
    %swap3A_487 = arith.index_cast %swap3A_485 : i32 to index
    %swap3A_488 = arith.constant 48 : index
    %swap3A_489 = tpu.vector_load %arg5[%swap3A_486, %swap3A_487, %swap3A_488] {strides = array<i32>} : memref<2x1x256xi32, #tpu.memory_space<vmem>>, vector<1x1x16xi32>,
    %swap3A_490 = vector.shape_cast %swap3A_489 : vector<1x1x16xi32> to vector<16xi32>
    %swap3A_491 = vector.shape_cast %min3A_483 : vector<16xi32> to vector<1x1x16xi32>
    tpu.vector_store %arg5[%swap3A_486, %swap3A_487, %swap3A_488], %swap3A_491 {strides = array<i32>} : memref<2x1x256xi32, #tpu.memory_space<vmem>>, vector<1x1x16xi32>,
    %get3A_492 = arith.constant 1 : i32
    %get3A_493 = arith.constant 0 : i32
    %get3A_494 = arith.index_cast %get3A_492 : i32 to index
    %get3A_495 = arith.index_cast %get3A_493 : i32 to index
    %get3A_496 = arith.constant 64 : index
    %get3A_497 = tpu.vector_load %arg5[%get3A_494, %get3A_495, %get3A_496] {strides = array<i32>} : memref<2x1x256xi32, #tpu.memory_space<vmem>>, vector<1x1x16xi32>,
    %get3A_498 = vector.shape_cast %get3A_497 : vector<1x1x16xi32> to vector<16xi32>
    %max3A_499 = arith.constant 0 : i32
    %max3A_500 = vector.broadcast %max3A_499 : i32 to vector<16xi32>
    %max3A_501 = arith.maxsi %get3A_498, %max3A_500 : vector<16xi32>
    %min3A_502 = arith.constant 99999 : i32
    %min3A_503 = vector.broadcast %min3A_502 : i32 to vector<16xi32>
    %min3A_504 = arith.minsi %max3A_501, %min3A_503 : vector<16xi32>
    %swap3A_505 = arith.constant 1 : i32
    %swap3A_506 = arith.constant 0 : i32
    %swap3A_507 = arith.index_cast %swap3A_505 : i32 to index
    %swap3A_508 = arith.index_cast %swap3A_506 : i32 to index
    %swap3A_509 = arith.constant 64 : index
    %swap3A_510 = tpu.vector_load %arg5[%swap3A_507, %swap3A_508, %swap3A_509] {strides = array<i32>} : memref<2x1x256xi32, #tpu.memory_space<vmem>>, vector<1x1x16xi32>,
    %swap3A_511 = vector.shape_cast %swap3A_510 : vector<1x1x16xi32> to vector<16xi32>
    %swap3A_512 = vector.shape_cast %min3A_504 : vector<16xi32> to vector<1x1x16xi32>
    tpu.vector_store %arg5[%swap3A_507, %swap3A_508, %swap3A_509], %swap3A_512 {strides = array<i32>} : memref<2x1x256xi32, #tpu.memory_space<vmem>>, vector<1x1x16xi32>,
    %get3A_513 = arith.constant 1 : i32
    %get3A_514 = arith.constant 0 : i32
    %get3A_515 = arith.index_cast %get3A_513 : i32 to index
    %get3A_516 = arith.index_cast %get3A_514 : i32 to index
    %get3A_517 = arith.constant 80 : index
    %get3A_518 = tpu.vector_load %arg5[%get3A_515, %get3A_516, %get3A_517] {strides = array<i32>} : memref<2x1x256xi32, #tpu.memory_space<vmem>>, vector<1x1x16xi32>,
    %get3A_519 = vector.shape_cast %get3A_518 : vector<1x1x16xi32> to vector<16xi32>
    %max3A_520 = arith.constant 0 : i32
    %max3A_521 = vector.broadcast %max3A_520 : i32 to vector<16xi32>
    %max3A_522 = arith.maxsi %get3A_519, %max3A_521 : vector<16xi32>
    %min3A_523 = arith.constant 99999 : i32
    %min3A_524 = vector.broadcast %min3A_523 : i32 to vector<16xi32>
    %min3A_525 = arith.minsi %max3A_522, %min3A_524 : vector<16xi32>
    %swap3A_526 = arith.constant 1 : i32
    %swap3A_527 = arith.constant 0 : i32
    %swap3A_528 = arith.index_cast %swap3A_526 : i32 to index
    %swap3A_529 = arith.index_cast %swap3A_527 : i32 to index
    %swap3A_530 = arith.constant 80 : index
    %swap3A_531 = tpu.vector_load %arg5[%swap3A_528, %swap3A_529, %swap3A_530] {strides = array<i32>} : memref<2x1x256xi32, #tpu.memory_space<vmem>>, vector<1x1x16xi32>,
    %swap3A_532 = vector.shape_cast %swap3A_531 : vector<1x1x16xi32> to vector<16xi32>
    %swap3A_533 = vector.shape_cast %min3A_525 : vector<16xi32> to vector<1x1x16xi32>
    tpu.vector_store %arg5[%swap3A_528, %swap3A_529, %swap3A_530], %swap3A_533 {strides = array<i32>} : memref<2x1x256xi32, #tpu.memory_space<vmem>>, vector<1x1x16xi32>,
    %get3A_534 = arith.constant 1 : i32
    %get3A_535 = arith.constant 0 : i32
    %get3A_536 = arith.index_cast %get3A_534 : i32 to index
    %get3A_537 = arith.index_cast %get3A_535 : i32 to index
    %get3A_538 = arith.constant 96 : index
    %get3A_539 = tpu.vector_load %arg5[%get3A_536, %get3A_537, %get3A_538] {strides = array<i32>} : memref<2x1x256xi32, #tpu.memory_space<vmem>>, vector<1x1x16xi32>,
    %get3A_540 = vector.shape_cast %get3A_539 : vector<1x1x16xi32> to vector<16xi32>
    %max3A_541 = arith.constant 0 : i32
    %max3A_542 = vector.broadcast %max3A_541 : i32 to vector<16xi32>
    %max3A_543 = arith.maxsi %get3A_540, %max3A_542 : vector<16xi32>
    %min3A_544 = arith.constant 99999 : i32
    %min3A_545 = vector.broadcast %min3A_544 : i32 to vector<16xi32>
    %min3A_546 = arith.minsi %max3A_543, %min3A_545 : vector<16xi32>
    %swap3A_547 = arith.constant 1 : i32
    %swap3A_548 = arith.constant 0 : i32
    %swap3A_549 = arith.index_cast %swap3A_547 : i32 to index
    %swap3A_550 = arith.index_cast %swap3A_548 : i32 to index
    %swap3A_551 = arith.constant 96 : index
    %swap3A_552 = tpu.vector_load %arg5[%swap3A_549, %swap3A_550, %swap3A_551] {strides = array<i32>} : memref<2x1x256xi32, #tpu.memory_space<vmem>>, vector<1x1x16xi32>,
    %swap3A_553 = vector.shape_cast %swap3A_552 : vector<1x1x16xi32> to vector<16xi32>
    %swap3A_554 = vector.shape_cast %min3A_546 : vector<16xi32> to vector<1x1x16xi32>
    tpu.vector_store %arg5[%swap3A_549, %swap3A_550, %swap3A_551], %swap3A_554 {strides = array<i32>} : memref<2x1x256xi32, #tpu.memory_space<vmem>>, vector<1x1x16xi32>,
    %get3A_555 = arith.constant 1 : i32
    %get3A_556 = arith.constant 0 : i32
    %get3A_557 = arith.index_cast %get3A_555 : i32 to index
    %get3A_558 = arith.index_cast %get3A_556 : i32 to index
    %get3A_559 = arith.constant 112 : index
    %get3A_560 = tpu.vector_load %arg5[%get3A_557, %get3A_558, %get3A_559] {strides = array<i32>} : memref<2x1x256xi32, #tpu.memory_space<vmem>>, vector<1x1x16xi32>,
    %get3A_561 = vector.shape_cast %get3A_560 : vector<1x1x16xi32> to vector<16xi32>
    %max3A_562 = arith.constant 0 : i32
    %max3A_563 = vector.broadcast %max3A_562 : i32 to vector<16xi32>
    %max3A_564 = arith.maxsi %get3A_561, %max3A_563 : vector<16xi32>
    %min3A_565 = arith.constant 99999 : i32
    %min3A_566 = vector.broadcast %min3A_565 : i32 to vector<16xi32>
    %min3A_567 = arith.minsi %max3A_564, %min3A_566 : vector<16xi32>
    %swap3A_568 = arith.constant 1 : i32
    %swap3A_569 = arith.constant 0 : i32
    %swap3A_570 = arith.index_cast %swap3A_568 : i32 to index
    %swap3A_571 = arith.index_cast %swap3A_569 : i32 to index
    %swap3A_572 = arith.constant 112 : index
    %swap3A_573 = tpu.vector_load %arg5[%swap3A_570, %swap3A_571, %swap3A_572] {strides = array<i32>} : memref<2x1x256xi32, #tpu.memory_space<vmem>>, vector<1x1x16xi32>,
    %swap3A_574 = vector.shape_cast %swap3A_573 : vector<1x1x16xi32> to vector<16xi32>
    %swap3A_575 = vector.shape_cast %min3A_567 : vector<16xi32> to vector<1x1x16xi32>
    tpu.vector_store %arg5[%swap3A_570, %swap3A_571, %swap3A_572], %swap3A_575 {strides = array<i32>} : memref<2x1x256xi32, #tpu.memory_space<vmem>>, vector<1x1x16xi32>,
    %get3A_576 = arith.constant 1 : i32
    %get3A_577 = arith.constant 0 : i32
    %get3A_578 = arith.index_cast %get3A_576 : i32 to index
    %get3A_579 = arith.index_cast %get3A_577 : i32 to index
    %get3A_580 = arith.constant 128 : index
    %get3A_581 = tpu.vector_load %arg5[%get3A_578, %get3A_579, %get3A_580] {strides = array<i32>} : memref<2x1x256xi32, #tpu.memory_space<vmem>>, vector<1x1x16xi32>,
    %get3A_582 = vector.shape_cast %get3A_581 : vector<1x1x16xi32> to vector<16xi32>
    %max3A_583 = arith.constant 0 : i32
    %max3A_584 = vector.broadcast %max3A_583 : i32 to vector<16xi32>
    %max3A_585 = arith.maxsi %get3A_582, %max3A_584 : vector<16xi32>
    %min3A_586 = arith.constant 99999 : i32
    %min3A_587 = vector.broadcast %min3A_586 : i32 to vector<16xi32>
    %min3A_588 = arith.minsi %max3A_585, %min3A_587 : vector<16xi32>
    %swap3A_589 = arith.constant 1 : i32
    %swap3A_590 = arith.constant 0 : i32
    %swap3A_591 = arith.index_cast %swap3A_589 : i32 to index
    %swap3A_592 = arith.index_cast %swap3A_590 : i32 to index
    %swap3A_593 = arith.constant 128 : index
    %swap3A_594 = tpu.vector_load %arg5[%swap3A_591, %swap3A_592, %swap3A_593] {strides = array<i32>} : memref<2x1x256xi32, #tpu.memory_space<vmem>>, vector<1x1x16xi32>,
    %swap3A_595 = vector.shape_cast %swap3A_594 : vector<1x1x16xi32> to vector<16xi32>
    %swap3A_596 = vector.shape_cast %min3A_588 : vector<16xi32> to vector<1x1x16xi32>
    tpu.vector_store %arg5[%swap3A_591, %swap3A_592, %swap3A_593], %swap3A_596 {strides = array<i32>} : memref<2x1x256xi32, #tpu.memory_space<vmem>>, vector<1x1x16xi32>,
    %get3A_597 = arith.constant 1 : i32
    %get3A_598 = arith.constant 0 : i32
    %get3A_599 = arith.index_cast %get3A_597 : i32 to index
    %get3A_600 = arith.index_cast %get3A_598 : i32 to index
    %get3A_601 = arith.constant 144 : index
    %get3A_602 = tpu.vector_load %arg5[%get3A_599, %get3A_600, %get3A_601] {strides = array<i32>} : memref<2x1x256xi32, #tpu.memory_space<vmem>>, vector<1x1x16xi32>,
    %get3A_603 = vector.shape_cast %get3A_602 : vector<1x1x16xi32> to vector<16xi32>
    %max3A_604 = arith.constant 0 : i32
    %max3A_605 = vector.broadcast %max3A_604 : i32 to vector<16xi32>
    %max3A_606 = arith.maxsi %get3A_603, %max3A_605 : vector<16xi32>
    %min3A_607 = arith.constant 99999 : i32
    %min3A_608 = vector.broadcast %min3A_607 : i32 to vector<16xi32>
    %min3A_609 = arith.minsi %max3A_606, %min3A_608 : vector<16xi32>
    %swap3A_610 = arith.constant 1 : i32
    %swap3A_611 = arith.constant 0 : i32
    %swap3A_612 = arith.index_cast %swap3A_610 : i32 to index
    %swap3A_613 = arith.index_cast %swap3A_611 : i32 to index
    %swap3A_614 = arith.constant 144 : index
    %swap3A_615 = tpu.vector_load %arg5[%swap3A_612, %swap3A_613, %swap3A_614] {strides = array<i32>} : memref<2x1x256xi32, #tpu.memory_space<vmem>>, vector<1x1x16xi32>,
    %swap3A_616 = vector.shape_cast %swap3A_615 : vector<1x1x16xi32> to vector<16xi32>
    %swap3A_617 = vector.shape_cast %min3A_609 : vector<16xi32> to vector<1x1x16xi32>
    tpu.vector_store %arg5[%swap3A_612, %swap3A_613, %swap3A_614], %swap3A_617 {strides = array<i32>} : memref<2x1x256xi32, #tpu.memory_space<vmem>>, vector<1x1x16xi32>,
    %get3A_618 = arith.constant 1 : i32
    %get3A_619 = arith.constant 0 : i32
    %get3A_620 = arith.index_cast %get3A_618 : i32 to index
    %get3A_621 = arith.index_cast %get3A_619 : i32 to index
    %get3A_622 = arith.constant 160 : index
    %get3A_623 = tpu.vector_load %arg5[%get3A_620, %get3A_621, %get3A_622] {strides = array<i32>} : memref<2x1x256xi32, #tpu.memory_space<vmem>>, vector<1x1x16xi32>,
    %get3A_624 = vector.shape_cast %get3A_623 : vector<1x1x16xi32> to vector<16xi32>
    %max3A_625 = arith.constant 0 : i32
    %max3A_626 = vector.broadcast %max3A_625 : i32 to vector<16xi32>
    %max3A_627 = arith.maxsi %get3A_624, %max3A_626 : vector<16xi32>
    %min3A_628 = arith.constant 99999 : i32
    %min3A_629 = vector.broadcast %min3A_628 : i32 to vector<16xi32>
    %min3A_630 = arith.minsi %max3A_627, %min3A_629 : vector<16xi32>
    %swap3A_631 = arith.constant 1 : i32
    %swap3A_632 = arith.constant 0 : i32
    %swap3A_633 = arith.index_cast %swap3A_631 : i32 to index
    %swap3A_634 = arith.index_cast %swap3A_632 : i32 to index
    %swap3A_635 = arith.constant 160 : index
    %swap3A_636 = tpu.vector_load %arg5[%swap3A_633, %swap3A_634, %swap3A_635] {strides = array<i32>} : memref<2x1x256xi32, #tpu.memory_space<vmem>>, vector<1x1x16xi32>,
    %swap3A_637 = vector.shape_cast %swap3A_636 : vector<1x1x16xi32> to vector<16xi32>
    %swap3A_638 = vector.shape_cast %min3A_630 : vector<16xi32> to vector<1x1x16xi32>
    tpu.vector_store %arg5[%swap3A_633, %swap3A_634, %swap3A_635], %swap3A_638 {strides = array<i32>} : memref<2x1x256xi32, #tpu.memory_space<vmem>>, vector<1x1x16xi32>,
    %get3A_639 = arith.constant 1 : i32
    %get3A_640 = arith.constant 0 : i32
    %get3A_641 = arith.index_cast %get3A_639 : i32 to index
    %get3A_642 = arith.index_cast %get3A_640 : i32 to index
    %get3A_643 = arith.constant 176 : index
    %get3A_644 = tpu.vector_load %arg5[%get3A_641, %get3A_642, %get3A_643] {strides = array<i32>} : memref<2x1x256xi32, #tpu.memory_space<vmem>>, vector<1x1x16xi32>,
    %get3A_645 = vector.shape_cast %get3A_644 : vector<1x1x16xi32> to vector<16xi32>
    %max3A_646 = arith.constant 0 : i32
    %max3A_647 = vector.broadcast %max3A_646 : i32 to vector<16xi32>
    %max3A_648 = arith.maxsi %get3A_645, %max3A_647 : vector<16xi32>
    %min3A_649 = arith.constant 99999 : i32
    %min3A_650 = vector.broadcast %min3A_649 : i32 to vector<16xi32>
    %min3A_651 = arith.minsi %max3A_648, %min3A_650 : vector<16xi32>
    %swap3A_652 = arith.constant 1 : i32
    %swap3A_653 = arith.constant 0 : i32
    %swap3A_654 = arith.index_cast %swap3A_652 : i32 to index
    %swap3A_655 = arith.index_cast %swap3A_653 : i32 to index
    %swap3A_656 = arith.constant 176 : index
    %swap3A_657 = tpu.vector_load %arg5[%swap3A_654, %swap3A_655, %swap3A_656] {strides = array<i32>} : memref<2x1x256xi32, #tpu.memory_space<vmem>>, vector<1x1x16xi32>,
    %swap3A_658 = vector.shape_cast %swap3A_657 : vector<1x1x16xi32> to vector<16xi32>
    %swap3A_659 = vector.shape_cast %min3A_651 : vector<16xi32> to vector<1x1x16xi32>
    tpu.vector_store %arg5[%swap3A_654, %swap3A_655, %swap3A_656], %swap3A_659 {strides = array<i32>} : memref<2x1x256xi32, #tpu.memory_space<vmem>>, vector<1x1x16xi32>,
    %get3A_660 = arith.constant 1 : i32
    %get3A_661 = arith.constant 0 : i32
    %get3A_662 = arith.index_cast %get3A_660 : i32 to index
    %get3A_663 = arith.index_cast %get3A_661 : i32 to index
    %get3A_664 = arith.constant 192 : index
    %get3A_665 = tpu.vector_load %arg5[%get3A_662, %get3A_663, %get3A_664] {strides = array<i32>} : memref<2x1x256xi32, #tpu.memory_space<vmem>>, vector<1x1x16xi32>,
    %get3A_666 = vector.shape_cast %get3A_665 : vector<1x1x16xi32> to vector<16xi32>
    %max3A_667 = arith.constant 0 : i32
    %max3A_668 = vector.broadcast %max3A_667 : i32 to vector<16xi32>
    %max3A_669 = arith.maxsi %get3A_666, %max3A_668 : vector<16xi32>
    %min3A_670 = arith.constant 99999 : i32
    %min3A_671 = vector.broadcast %min3A_670 : i32 to vector<16xi32>
    %min3A_672 = arith.minsi %max3A_669, %min3A_671 : vector<16xi32>
    %swap3A_673 = arith.constant 1 : i32
    %swap3A_674 = arith.constant 0 : i32
    %swap3A_675 = arith.index_cast %swap3A_673 : i32 to index
    %swap3A_676 = arith.index_cast %swap3A_674 : i32 to index
    %swap3A_677 = arith.constant 192 : index
    %swap3A_678 = tpu.vector_load %arg5[%swap3A_675, %swap3A_676, %swap3A_677] {strides = array<i32>} : memref<2x1x256xi32, #tpu.memory_space<vmem>>, vector<1x1x16xi32>,
    %swap3A_679 = vector.shape_cast %swap3A_678 : vector<1x1x16xi32> to vector<16xi32>
    %swap3A_680 = vector.shape_cast %min3A_672 : vector<16xi32> to vector<1x1x16xi32>
    tpu.vector_store %arg5[%swap3A_675, %swap3A_676, %swap3A_677], %swap3A_680 {strides = array<i32>} : memref<2x1x256xi32, #tpu.memory_space<vmem>>, vector<1x1x16xi32>,
    %get3A_681 = arith.constant 1 : i32
    %get3A_682 = arith.constant 0 : i32
    %get3A_683 = arith.index_cast %get3A_681 : i32 to index
    %get3A_684 = arith.index_cast %get3A_682 : i32 to index
    %get3A_685 = arith.constant 208 : index
    %get3A_686 = tpu.vector_load %arg5[%get3A_683, %get3A_684, %get3A_685] {strides = array<i32>} : memref<2x1x256xi32, #tpu.memory_space<vmem>>, vector<1x1x16xi32>,
    %get3A_687 = vector.shape_cast %get3A_686 : vector<1x1x16xi32> to vector<16xi32>
    %max3A_688 = arith.constant 0 : i32
    %max3A_689 = vector.broadcast %max3A_688 : i32 to vector<16xi32>
    %max3A_690 = arith.maxsi %get3A_687, %max3A_689 : vector<16xi32>
    %min3A_691 = arith.constant 99999 : i32
    %min3A_692 = vector.broadcast %min3A_691 : i32 to vector<16xi32>
    %min3A_693 = arith.minsi %max3A_690, %min3A_692 : vector<16xi32>
    %swap3A_694 = arith.constant 1 : i32
    %swap3A_695 = arith.constant 0 : i32
    %swap3A_696 = arith.index_cast %swap3A_694 : i32 to index
    %swap3A_697 = arith.index_cast %swap3A_695 : i32 to index
    %swap3A_698 = arith.constant 208 : index
    %swap3A_699 = tpu.vector_load %arg5[%swap3A_696, %swap3A_697, %swap3A_698] {strides = array<i32>} : memref<2x1x256xi32, #tpu.memory_space<vmem>>, vector<1x1x16xi32>,
    %swap3A_700 = vector.shape_cast %swap3A_699 : vector<1x1x16xi32> to vector<16xi32>
    %swap3A_701 = vector.shape_cast %min3A_693 : vector<16xi32> to vector<1x1x16xi32>
    tpu.vector_store %arg5[%swap3A_696, %swap3A_697, %swap3A_698], %swap3A_701 {strides = array<i32>} : memref<2x1x256xi32, #tpu.memory_space<vmem>>, vector<1x1x16xi32>,
    %get3A_702 = arith.constant 1 : i32
    %get3A_703 = arith.constant 0 : i32
    %get3A_704 = arith.index_cast %get3A_702 : i32 to index
    %get3A_705 = arith.index_cast %get3A_703 : i32 to index
    %get3A_706 = arith.constant 224 : index
    %get3A_707 = tpu.vector_load %arg5[%get3A_704, %get3A_705, %get3A_706] {strides = array<i32>} : memref<2x1x256xi32, #tpu.memory_space<vmem>>, vector<1x1x16xi32>,
    %get3A_708 = vector.shape_cast %get3A_707 : vector<1x1x16xi32> to vector<16xi32>
    %max3A_709 = arith.constant 0 : i32
    %max3A_710 = vector.broadcast %max3A_709 : i32 to vector<16xi32>
    %max3A_711 = arith.maxsi %get3A_708, %max3A_710 : vector<16xi32>
    %min3A_712 = arith.constant 99999 : i32
    %min3A_713 = vector.broadcast %min3A_712 : i32 to vector<16xi32>
    %min3A_714 = arith.minsi %max3A_711, %min3A_713 : vector<16xi32>
    %swap3A_715 = arith.constant 1 : i32
    %swap3A_716 = arith.constant 0 : i32
    %swap3A_717 = arith.index_cast %swap3A_715 : i32 to index
    %swap3A_718 = arith.index_cast %swap3A_716 : i32 to index
    %swap3A_719 = arith.constant 224 : index
    %swap3A_720 = tpu.vector_load %arg5[%swap3A_717, %swap3A_718, %swap3A_719] {strides = array<i32>} : memref<2x1x256xi32, #tpu.memory_space<vmem>>, vector<1x1x16xi32>,
    %swap3A_721 = vector.shape_cast %swap3A_720 : vector<1x1x16xi32> to vector<16xi32>
    %swap3A_722 = vector.shape_cast %min3A_714 : vector<16xi32> to vector<1x1x16xi32>
    tpu.vector_store %arg5[%swap3A_717, %swap3A_718, %swap3A_719], %swap3A_722 {strides = array<i32>} : memref<2x1x256xi32, #tpu.memory_space<vmem>>, vector<1x1x16xi32>,
    %get3A_723 = arith.constant 1 : i32
    %get3A_724 = arith.constant 0 : i32
    %get3A_725 = arith.index_cast %get3A_723 : i32 to index
    %get3A_726 = arith.index_cast %get3A_724 : i32 to index
    %get3A_727 = arith.constant 240 : index
    %get3A_728 = tpu.vector_load %arg5[%get3A_725, %get3A_726, %get3A_727] {strides = array<i32>} : memref<2x1x256xi32, #tpu.memory_space<vmem>>, vector<1x1x16xi32>,
    %get3A_729 = vector.shape_cast %get3A_728 : vector<1x1x16xi32> to vector<16xi32>
    %max3A_730 = arith.constant 0 : i32
    %max3A_731 = vector.broadcast %max3A_730 : i32 to vector<16xi32>
    %max3A_732 = arith.maxsi %get3A_729, %max3A_731 : vector<16xi32>
    %min3A_733 = arith.constant 99999 : i32
    %min3A_734 = vector.broadcast %min3A_733 : i32 to vector<16xi32>
    %min3A_735 = arith.minsi %max3A_732, %min3A_734 : vector<16xi32>
    %swap3A_736 = arith.constant 1 : i32
    %swap3A_737 = arith.constant 0 : i32
    %swap3A_738 = arith.index_cast %swap3A_736 : i32 to index
    %swap3A_739 = arith.index_cast %swap3A_737 : i32 to index
    %swap3A_740 = arith.constant 240 : index
    %swap3A_741 = tpu.vector_load %arg5[%swap3A_738, %swap3A_739, %swap3A_740] {strides = array<i32>} : memref<2x1x256xi32, #tpu.memory_space<vmem>>, vector<1x1x16xi32>,
    %swap3A_742 = vector.shape_cast %swap3A_741 : vector<1x1x16xi32> to vector<16xi32>
    %swap3A_743 = vector.shape_cast %min3A_735 : vector<16xi32> to vector<1x1x16xi32>
    tpu.vector_store %arg5[%swap3A_738, %swap3A_739, %swap3A_740], %swap3A_743 {strides = array<i32>} : memref<2x1x256xi32, #tpu.memory_space<vmem>>, vector<1x1x16xi32>,
    %dma_start3A_744 = arith.constant 1 : i32
    %dma_start3A_745 = arith.constant 0 : i32
    %dma_start3A_746 = arith.constant 1 : i32
    %dma_start3A_747 = arith.constant 0 : i32
    %dma_start3A_748 = arith.constant 0 : i32
    %dma_start3A_749 = tpu.memref_slice %arg6[%dma_start3A_746, %dma_start3A_747, %dma_start3A_748] : memref<2x256x128xf32, #tpu.memory_space<vmem>> -> memref<1x256x128xf32, #tpu.memory_space<vmem>>
    %dma_start3A_750 = tpu.memref_squeeze %dma_start3A_749 : memref<1x256x128xf32, #tpu.memory_space<vmem>> -> memref<256x128xf32, #tpu.memory_space<vmem>>
    %dma_start3A_751 = arith.constant 0 : i32
    %dma_start3A_752 = tpu.memref_slice %arg5[%dma_start3A_744, %dma_start3A_745, %dma_start3A_751] : memref<2x1x256xi32, #tpu.memory_space<vmem>> -> memref<1x1x256xi32, #tpu.memory_space<vmem>>
    %dma_start3A_753 = tpu.memref_squeeze %dma_start3A_752 : memref<1x1x256xi32, #tpu.memory_space<vmem>> -> memref<256xi32, #tpu.memory_space<vmem>>
    %dma_start3A_754 = arith.constant 0 : i32
    %dma_start3A_755 = arith.constant 0 : i32
    %dma_start3A_756 = tpu.memref_slice %arg3[%dma_start3A_754, %dma_start3A_755] : memref<100000x128xf32, #tpu.memory_space<hbm>> -> memref<100000x128xf32, #tpu.memory_space<hbm>>
    tpu.enqueue_indirect_dma source(%dma_start3A_756 : memref<100000x128xf32, #tpu.memory_space<hbm>>) target(%dma_start3A_750 : memref<256x128xf32, #tpu.memory_space<vmem>>) offsets(%dma_start3A_753 : memref<256xi32, #tpu.memory_space<vmem>>) semaphore(%arg10 : memref<!tpu.dma_semaphore, #tpu.memory_space<semaphore_mem>>)
    %dma_wait3A_757 = arith.constant 0 : i32
    %dma_wait3A_758 = arith.constant 0 : i32
    %dma_wait3A_759 = arith.constant 0 : i32
    %dma_wait3A_760 = tpu.memref_slice %arg6[%dma_wait3A_757, %dma_wait3A_758, %dma_wait3A_759] : memref<2x256x128xf32, #tpu.memory_space<vmem>> -> memref<1x256x128xf32, #tpu.memory_space<vmem>>
    %dma_wait3A_761 = tpu.memref_squeeze %dma_wait3A_760 : memref<1x256x128xf32, #tpu.memory_space<vmem>> -> memref<256x128xf32, #tpu.memory_space<vmem>>
    %dma_wait3A_762 = arith.constant 0 : i32
    %dma_wait3A_763 = arith.constant 0 : i32
    %dma_wait3A_764 = tpu.memref_slice %arg3[%dma_wait3A_762, %dma_wait3A_763] : memref<100000x128xf32, #tpu.memory_space<hbm>> -> memref<256x128xf32, #tpu.memory_space<hbm>>
    %dma_wait3A_765 = arith.constant 0 : i32
    %dma_wait3A_766 = arith.constant 0 : i32
    %dma_wait3A_767 = tpu.memref_slice %arg6[%dma_wait3A_757, %dma_wait3A_765, %dma_wait3A_766] : memref<2x256x128xf32, #tpu.memory_space<vmem>> -> memref<1x256x128xf32, #tpu.memory_space<vmem>>
    %dma_wait3A_768 = tpu.memref_squeeze %dma_wait3A_767 : memref<1x256x128xf32, #tpu.memory_space<vmem>> -> memref<256x128xf32, #tpu.memory_space<vmem>>
    %dma_wait3A_769 = arith.constant 0 : i32
    %dma_wait3A_770 = arith.constant 0 : i32
    %dma_wait3A_771 = tpu.memref_slice %arg3[%dma_wait3A_769, %dma_wait3A_770] : memref<100000x128xf32, #tpu.memory_space<hbm>> -> memref<256x128xf32, #tpu.memory_space<hbm>>
    tpu.wait_dma2 semaphore(%arg9 : memref<!tpu.dma_semaphore, #tpu.memory_space<semaphore_mem>>) src(%dma_wait3A_771 : memref<256x128xf32, #tpu.memory_space<hbm>>) dst(%dma_wait3A_768 : memref<256x128xf32, #tpu.memory_space<vmem>>)
    %add3A_772 = arith.constant 0 : i32
    %add3A_773 = arith.addi %mul3A_2, %add3A_772 : i32
    %dma_start3A_774 = arith.constant 0 : i32
    %dma_start3A_775 = arith.constant 0 : i32
    %dma_start3A_776 = arith.constant 0 : i32
    %dma_start3A_777 = tpu.memref_slice %arg6[%dma_start3A_774, %dma_start3A_775, %dma_start3A_776] : memref<2x256x128xf32, #tpu.memory_space<vmem>> -> memref<1x256x128xf32, #tpu.memory_space<vmem>>
    %dma_start3A_778 = tpu.memref_squeeze %dma_start3A_777 : memref<1x256x128xf32, #tpu.memory_space<vmem>> -> memref<256x128xf32, #tpu.memory_space<vmem>>
    %dma_start3A_779 = arith.constant 0 : i32
    %dma_start3A_780 = tpu.memref_slice %arg4[%add3A_773, %dma_start3A_779] : memref<3276800x128xf32, #tpu.memory_space<hbm>> -> memref<256x128xf32, #tpu.memory_space<hbm>>
    %dma_start3A_781 = arith.constant 0 : i32
    %dma_start3A_782 = tpu.memref_slice %arg4[%add3A_773, %dma_start3A_781] : memref<3276800x128xf32, #tpu.memory_space<hbm>> -> memref<256x128xf32, #tpu.memory_space<hbm>>
    %dma_start3A_783 = arith.constant 0 : i32
    %dma_start3A_784 = arith.constant 0 : i32
    %dma_start3A_785 = tpu.memref_slice %arg6[%dma_start3A_774, %dma_start3A_783, %dma_start3A_784] : memref<2x256x128xf32, #tpu.memory_space<vmem>> -> memref<1x256x128xf32, #tpu.memory_space<vmem>>
    %dma_start3A_786 = tpu.memref_squeeze %dma_start3A_785 : memref<1x256x128xf32, #tpu.memory_space<vmem>> -> memref<256x128xf32, #tpu.memory_space<vmem>>
    tpu.enqueue_dma source(%dma_start3A_786 : memref<256x128xf32, #tpu.memory_space<vmem>>) target(%dma_start3A_782 : memref<256x128xf32, #tpu.memory_space<hbm>>) target_semaphore(%arg11 : memref<!tpu.dma_semaphore, #tpu.memory_space<semaphore_mem>>)
    %add3A_787 = arith.constant 2 : i32
    %add3A_788 = arith.addi %mul3A_4, %add3A_787 : i32
    %dma_start3A_789 = arith.constant 0 : i32
    %dma_start3A_790 = arith.constant 0 : i32
    %dma_start3A_791 = arith.constant 0 : i32
    %dma_start3A_792 = tpu.memref_slice %arg5[%dma_start3A_789, %dma_start3A_790, %dma_start3A_791] : memref<2x1x256xi32, #tpu.memory_space<vmem>> -> memref<1x1x256xi32, #tpu.memory_space<vmem>>
    %dma_start3A_793 = tpu.memref_squeeze %dma_start3A_792 : memref<1x1x256xi32, #tpu.memory_space<vmem>> -> memref<1x256xi32, #tpu.memory_space<vmem>>
    %dma_start3A_794 = arith.constant 0 : i32
    %dma_start3A_795 = tpu.memref_slice %arg2[%add3A_788, %dma_start3A_794] : memref<12800x256xi32, #tpu.memory_space<hbm>> -> memref<1x256xi32, #tpu.memory_space<hbm>>
    %dma_start3A_796 = arith.constant 0 : i32
    %dma_start3A_797 = arith.constant 0 : i32
    %dma_start3A_798 = tpu.memref_slice %arg5[%dma_start3A_789, %dma_start3A_796, %dma_start3A_797] : memref<2x1x256xi32, #tpu.memory_space<vmem>> -> memref<1x1x256xi32, #tpu.memory_space<vmem>>
    %dma_start3A_799 = tpu.memref_squeeze %dma_start3A_798 : memref<1x1x256xi32, #tpu.memory_space<vmem>> -> memref<1x256xi32, #tpu.memory_space<vmem>>
    %dma_start3A_800 = arith.constant 0 : i32
    %dma_start3A_801 = tpu.memref_slice %arg2[%add3A_788, %dma_start3A_800] : memref<12800x256xi32, #tpu.memory_space<hbm>> -> memref<1x256xi32, #tpu.memory_space<hbm>>
    tpu.enqueue_dma source(%dma_start3A_801 : memref<1x256xi32, #tpu.memory_space<hbm>>) target(%dma_start3A_799 : memref<1x256xi32, #tpu.memory_space<vmem>>) target_semaphore(%arg7 : memref<!tpu.dma_semaphore, #tpu.memory_space<semaphore_mem>>)
    %scan3A = arith.constant 0 : i32
    %scan3A_802 = arith.constant 1 : i32
    %scan3A_803 = arith.constant 198 : i32
    %scan3A_804 = arith.addi %scan3A_802, %scan3A_803 : i32
    %scan3A_805 = arith.constant 1 : i32
    scf.for %scan3A_1700 = %scan3A_802 to %scan3A_804 step %scan3A_805  : i32 {
      %mul3A_1701 = arith.constant 2 : i32
      %mul3A_1702 = arith.muli %mul3A_1701, %scan3A_1700 : i32
      %add3A_1703 = arith.addi %mul3A_4, %mul3A_1702 : i32
      %dma_wait3A_1704 = arith.constant 0 : i32
      %dma_wait3A_1705 = arith.constant 0 : i32
      %dma_wait3A_1706 = arith.constant 0 : i32
      %dma_wait3A_1707 = tpu.memref_slice %arg5[%dma_wait3A_1704, %dma_wait3A_1705, %dma_wait3A_1706] : memref<2x1x256xi32, #tpu.memory_space<vmem>> -> memref<1x1x256xi32, #tpu.memory_space<vmem>>
      %dma_wait3A_1708 = tpu.memref_squeeze %dma_wait3A_1707 : memref<1x1x256xi32, #tpu.memory_space<vmem>> -> memref<1x256xi32, #tpu.memory_space<vmem>>
      %dma_wait3A_1709 = arith.constant 0 : i32
      %dma_wait3A_1710 = tpu.memref_slice %arg2[%add3A_1703, %dma_wait3A_1709] : memref<12800x256xi32, #tpu.memory_space<hbm>> -> memref<1x256xi32, #tpu.memory_space<hbm>>
      %dma_wait3A_1711 = arith.constant 0 : i32
      %dma_wait3A_1712 = arith.constant 0 : i32
      %dma_wait3A_1713 = tpu.memref_slice %arg5[%dma_wait3A_1704, %dma_wait3A_1711, %dma_wait3A_1712] : memref<2x1x256xi32, #tpu.memory_space<vmem>> -> memref<1x1x256xi32, #tpu.memory_space<vmem>>
      %dma_wait3A_1714 = tpu.memref_squeeze %dma_wait3A_1713 : memref<1x1x256xi32, #tpu.memory_space<vmem>> -> memref<1x256xi32, #tpu.memory_space<vmem>>
      %dma_wait3A_1715 = arith.constant 0 : i32
      %dma_wait3A_1716 = tpu.memref_slice %arg2[%add3A_1703, %dma_wait3A_1715] : memref<12800x256xi32, #tpu.memory_space<hbm>> -> memref<1x256xi32, #tpu.memory_space<hbm>>
      tpu.wait_dma2 semaphore(%arg7 : memref<!tpu.dma_semaphore, #tpu.memory_space<semaphore_mem>>) src(%dma_wait3A_1716 : memref<1x256xi32, #tpu.memory_space<hbm>>) dst(%dma_wait3A_1714 : memref<1x256xi32, #tpu.memory_space<vmem>>)
      %get3A_1717 = arith.constant 0 : i32
      %get3A_1718 = arith.constant 0 : i32
      %get3A_1719 = arith.index_cast %get3A_1717 : i32 to index
      %get3A_1720 = arith.index_cast %get3A_1718 : i32 to index
      %get3A_1721 = arith.constant 0 : index
      %get3A_1722 = tpu.vector_load %arg5[%get3A_1719, %get3A_1720, %get3A_1721] {strides = array<i32>} : memref<2x1x256xi32, #tpu.memory_space<vmem>>, vector<1x1x16xi32>,
      %get3A_1723 = vector.shape_cast %get3A_1722 : vector<1x1x16xi32> to vector<16xi32>
      %max3A_1724 = arith.constant 0 : i32
      %max3A_1725 = vector.broadcast %max3A_1724 : i32 to vector<16xi32>
      %max3A_1726 = arith.maxsi %get3A_1723, %max3A_1725 : vector<16xi32>
      %min3A_1727 = arith.constant 99999 : i32
      %min3A_1728 = vector.broadcast %min3A_1727 : i32 to vector<16xi32>
      %min3A_1729 = arith.minsi %max3A_1726, %min3A_1728 : vector<16xi32>
      %swap3A_1730 = arith.constant 0 : i32
      %swap3A_1731 = arith.constant 0 : i32
      %swap3A_1732 = arith.index_cast %swap3A_1730 : i32 to index
      %swap3A_1733 = arith.index_cast %swap3A_1731 : i32 to index
      %swap3A_1734 = arith.constant 0 : index
      %swap3A_1735 = tpu.vector_load %arg5[%swap3A_1732, %swap3A_1733, %swap3A_1734] {strides = array<i32>} : memref<2x1x256xi32, #tpu.memory_space<vmem>>, vector<1x1x16xi32>,
      %swap3A_1736 = vector.shape_cast %swap3A_1735 : vector<1x1x16xi32> to vector<16xi32>
      %swap3A_1737 = vector.shape_cast %min3A_1729 : vector<16xi32> to vector<1x1x16xi32>
      tpu.vector_store %arg5[%swap3A_1732, %swap3A_1733, %swap3A_1734], %swap3A_1737 {strides = array<i32>} : memref<2x1x256xi32, #tpu.memory_space<vmem>>, vector<1x1x16xi32>,
      %get3A_1738 = arith.constant 0 : i32
      %get3A_1739 = arith.constant 0 : i32
      %get3A_1740 = arith.index_cast %get3A_1738 : i32 to index
      %get3A_1741 = arith.index_cast %get3A_1739 : i32 to index
      %get3A_1742 = arith.constant 16 : index
      %get3A_1743 = tpu.vector_load %arg5[%get3A_1740, %get3A_1741, %get3A_1742] {strides = array<i32>} : memref<2x1x256xi32, #tpu.memory_space<vmem>>, vector<1x1x16xi32>,
      %get3A_1744 = vector.shape_cast %get3A_1743 : vector<1x1x16xi32> to vector<16xi32>
      %max3A_1745 = arith.constant 0 : i32
      %max3A_1746 = vector.broadcast %max3A_1745 : i32 to vector<16xi32>
      %max3A_1747 = arith.maxsi %get3A_1744, %max3A_1746 : vector<16xi32>
      %min3A_1748 = arith.constant 99999 : i32
      %min3A_1749 = vector.broadcast %min3A_1748 : i32 to vector<16xi32>
      %min3A_1750 = arith.minsi %max3A_1747, %min3A_1749 : vector<16xi32>
      %swap3A_1751 = arith.constant 0 : i32
      %swap3A_1752 = arith.constant 0 : i32
      %swap3A_1753 = arith.index_cast %swap3A_1751 : i32 to index
      %swap3A_1754 = arith.index_cast %swap3A_1752 : i32 to index
      %swap3A_1755 = arith.constant 16 : index
      %swap3A_1756 = tpu.vector_load %arg5[%swap3A_1753, %swap3A_1754, %swap3A_1755] {strides = array<i32>} : memref<2x1x256xi32, #tpu.memory_space<vmem>>, vector<1x1x16xi32>,
      %swap3A_1757 = vector.shape_cast %swap3A_1756 : vector<1x1x16xi32> to vector<16xi32>
      %swap3A_1758 = vector.shape_cast %min3A_1750 : vector<16xi32> to vector<1x1x16xi32>
      tpu.vector_store %arg5[%swap3A_1753, %swap3A_1754, %swap3A_1755], %swap3A_1758 {strides = array<i32>} : memref<2x1x256xi32, #tpu.memory_space<vmem>>, vector<1x1x16xi32>,
      %get3A_1759 = arith.constant 0 : i32
      %get3A_1760 = arith.constant 0 : i32
      %get3A_1761 = arith.index_cast %get3A_1759 : i32 to index
      %get3A_1762 = arith.index_cast %get3A_1760 : i32 to index
      %get3A_1763 = arith.constant 32 : index
      %get3A_1764 = tpu.vector_load %arg5[%get3A_1761, %get3A_1762, %get3A_1763] {strides = array<i32>} : memref<2x1x256xi32, #tpu.memory_space<vmem>>, vector<1x1x16xi32>,
      %get3A_1765 = vector.shape_cast %get3A_1764 : vector<1x1x16xi32> to vector<16xi32>
      %max3A_1766 = arith.constant 0 : i32
      %max3A_1767 = vector.broadcast %max3A_1766 : i32 to vector<16xi32>
      %max3A_1768 = arith.maxsi %get3A_1765, %max3A_1767 : vector<16xi32>
      %min3A_1769 = arith.constant 99999 : i32
      %min3A_1770 = vector.broadcast %min3A_1769 : i32 to vector<16xi32>
      %min3A_1771 = arith.minsi %max3A_1768, %min3A_1770 : vector<16xi32>
      %swap3A_1772 = arith.constant 0 : i32
      %swap3A_1773 = arith.constant 0 : i32
      %swap3A_1774 = arith.index_cast %swap3A_1772 : i32 to index
      %swap3A_1775 = arith.index_cast %swap3A_1773 : i32 to index
      %swap3A_1776 = arith.constant 32 : index
      %swap3A_1777 = tpu.vector_load %arg5[%swap3A_1774, %swap3A_1775, %swap3A_1776] {strides = array<i32>} : memref<2x1x256xi32, #tpu.memory_space<vmem>>, vector<1x1x16xi32>,
      %swap3A_1778 = vector.shape_cast %swap3A_1777 : vector<1x1x16xi32> to vector<16xi32>
      %swap3A_1779 = vector.shape_cast %min3A_1771 : vector<16xi32> to vector<1x1x16xi32>
      tpu.vector_store %arg5[%swap3A_1774, %swap3A_1775, %swap3A_1776], %swap3A_1779 {strides = array<i32>} : memref<2x1x256xi32, #tpu.memory_space<vmem>>, vector<1x1x16xi32>,
      %get3A_1780 = arith.constant 0 : i32
      %get3A_1781 = arith.constant 0 : i32
      %get3A_1782 = arith.index_cast %get3A_1780 : i32 to index
      %get3A_1783 = arith.index_cast %get3A_1781 : i32 to index
      %get3A_1784 = arith.constant 48 : index
      %get3A_1785 = tpu.vector_load %arg5[%get3A_1782, %get3A_1783, %get3A_1784] {strides = array<i32>} : memref<2x1x256xi32, #tpu.memory_space<vmem>>, vector<1x1x16xi32>,
      %get3A_1786 = vector.shape_cast %get3A_1785 : vector<1x1x16xi32> to vector<16xi32>
      %max3A_1787 = arith.constant 0 : i32
      %max3A_1788 = vector.broadcast %max3A_1787 : i32 to vector<16xi32>
      %max3A_1789 = arith.maxsi %get3A_1786, %max3A_1788 : vector<16xi32>
      %min3A_1790 = arith.constant 99999 : i32
      %min3A_1791 = vector.broadcast %min3A_1790 : i32 to vector<16xi32>
      %min3A_1792 = arith.minsi %max3A_1789, %min3A_1791 : vector<16xi32>
      %swap3A_1793 = arith.constant 0 : i32
      %swap3A_1794 = arith.constant 0 : i32
      %swap3A_1795 = arith.index_cast %swap3A_1793 : i32 to index
      %swap3A_1796 = arith.index_cast %swap3A_1794 : i32 to index
      %swap3A_1797 = arith.constant 48 : index
      %swap3A_1798 = tpu.vector_load %arg5[%swap3A_1795, %swap3A_1796, %swap3A_1797] {strides = array<i32>} : memref<2x1x256xi32, #tpu.memory_space<vmem>>, vector<1x1x16xi32>,
      %swap3A_1799 = vector.shape_cast %swap3A_1798 : vector<1x1x16xi32> to vector<16xi32>
      %swap3A_1800 = vector.shape_cast %min3A_1792 : vector<16xi32> to vector<1x1x16xi32>
      tpu.vector_store %arg5[%swap3A_1795, %swap3A_1796, %swap3A_1797], %swap3A_1800 {strides = array<i32>} : memref<2x1x256xi32, #tpu.memory_space<vmem>>, vector<1x1x16xi32>,
      %get3A_1801 = arith.constant 0 : i32
      %get3A_1802 = arith.constant 0 : i32
      %get3A_1803 = arith.index_cast %get3A_1801 : i32 to index
      %get3A_1804 = arith.index_cast %get3A_1802 : i32 to index
      %get3A_1805 = arith.constant 64 : index
      %get3A_1806 = tpu.vector_load %arg5[%get3A_1803, %get3A_1804, %get3A_1805] {strides = array<i32>} : memref<2x1x256xi32, #tpu.memory_space<vmem>>, vector<1x1x16xi32>,
      %get3A_1807 = vector.shape_cast %get3A_1806 : vector<1x1x16xi32> to vector<16xi32>
      %max3A_1808 = arith.constant 0 : i32
      %max3A_1809 = vector.broadcast %max3A_1808 : i32 to vector<16xi32>
      %max3A_1810 = arith.maxsi %get3A_1807, %max3A_1809 : vector<16xi32>
      %min3A_1811 = arith.constant 99999 : i32
      %min3A_1812 = vector.broadcast %min3A_1811 : i32 to vector<16xi32>
      %min3A_1813 = arith.minsi %max3A_1810, %min3A_1812 : vector<16xi32>
      %swap3A_1814 = arith.constant 0 : i32
      %swap3A_1815 = arith.constant 0 : i32
      %swap3A_1816 = arith.index_cast %swap3A_1814 : i32 to index
      %swap3A_1817 = arith.index_cast %swap3A_1815 : i32 to index
      %swap3A_1818 = arith.constant 64 : index
      %swap3A_1819 = tpu.vector_load %arg5[%swap3A_1816, %swap3A_1817, %swap3A_1818] {strides = array<i32>} : memref<2x1x256xi32, #tpu.memory_space<vmem>>, vector<1x1x16xi32>,
      %swap3A_1820 = vector.shape_cast %swap3A_1819 : vector<1x1x16xi32> to vector<16xi32>
      %swap3A_1821 = vector.shape_cast %min3A_1813 : vector<16xi32> to vector<1x1x16xi32>
      tpu.vector_store %arg5[%swap3A_1816, %swap3A_1817, %swap3A_1818], %swap3A_1821 {strides = array<i32>} : memref<2x1x256xi32, #tpu.memory_space<vmem>>, vector<1x1x16xi32>,
      %get3A_1822 = arith.constant 0 : i32
      %get3A_1823 = arith.constant 0 : i32
      %get3A_1824 = arith.index_cast %get3A_1822 : i32 to index
      %get3A_1825 = arith.index_cast %get3A_1823 : i32 to index
      %get3A_1826 = arith.constant 80 : index
      %get3A_1827 = tpu.vector_load %arg5[%get3A_1824, %get3A_1825, %get3A_1826] {strides = array<i32>} : memref<2x1x256xi32, #tpu.memory_space<vmem>>, vector<1x1x16xi32>,
      %get3A_1828 = vector.shape_cast %get3A_1827 : vector<1x1x16xi32> to vector<16xi32>
      %max3A_1829 = arith.constant 0 : i32
      %max3A_1830 = vector.broadcast %max3A_1829 : i32 to vector<16xi32>
      %max3A_1831 = arith.maxsi %get3A_1828, %max3A_1830 : vector<16xi32>
      %min3A_1832 = arith.constant 99999 : i32
      %min3A_1833 = vector.broadcast %min3A_1832 : i32 to vector<16xi32>
      %min3A_1834 = arith.minsi %max3A_1831, %min3A_1833 : vector<16xi32>
      %swap3A_1835 = arith.constant 0 : i32
      %swap3A_1836 = arith.constant 0 : i32
      %swap3A_1837 = arith.index_cast %swap3A_1835 : i32 to index
      %swap3A_1838 = arith.index_cast %swap3A_1836 : i32 to index
      %swap3A_1839 = arith.constant 80 : index
      %swap3A_1840 = tpu.vector_load %arg5[%swap3A_1837, %swap3A_1838, %swap3A_1839] {strides = array<i32>} : memref<2x1x256xi32, #tpu.memory_space<vmem>>, vector<1x1x16xi32>,
      %swap3A_1841 = vector.shape_cast %swap3A_1840 : vector<1x1x16xi32> to vector<16xi32>
      %swap3A_1842 = vector.shape_cast %min3A_1834 : vector<16xi32> to vector<1x1x16xi32>
      tpu.vector_store %arg5[%swap3A_1837, %swap3A_1838, %swap3A_1839], %swap3A_1842 {strides = array<i32>} : memref<2x1x256xi32, #tpu.memory_space<vmem>>, vector<1x1x16xi32>,
      %get3A_1843 = arith.constant 0 : i32
      %get3A_1844 = arith.constant 0 : i32
      %get3A_1845 = arith.index_cast %get3A_1843 : i32 to index
      %get3A_1846 = arith.index_cast %get3A_1844 : i32 to index
      %get3A_1847 = arith.constant 96 : index
      %get3A_1848 = tpu.vector_load %arg5[%get3A_1845, %get3A_1846, %get3A_1847] {strides = array<i32>} : memref<2x1x256xi32, #tpu.memory_space<vmem>>, vector<1x1x16xi32>,
      %get3A_1849 = vector.shape_cast %get3A_1848 : vector<1x1x16xi32> to vector<16xi32>
      %max3A_1850 = arith.constant 0 : i32
      %max3A_1851 = vector.broadcast %max3A_1850 : i32 to vector<16xi32>
      %max3A_1852 = arith.maxsi %get3A_1849, %max3A_1851 : vector<16xi32>
      %min3A_1853 = arith.constant 99999 : i32
      %min3A_1854 = vector.broadcast %min3A_1853 : i32 to vector<16xi32>
      %min3A_1855 = arith.minsi %max3A_1852, %min3A_1854 : vector<16xi32>
      %swap3A_1856 = arith.constant 0 : i32
      %swap3A_1857 = arith.constant 0 : i32
      %swap3A_1858 = arith.index_cast %swap3A_1856 : i32 to index
      %swap3A_1859 = arith.index_cast %swap3A_1857 : i32 to index
      %swap3A_1860 = arith.constant 96 : index
      %swap3A_1861 = tpu.vector_load %arg5[%swap3A_1858, %swap3A_1859, %swap3A_1860] {strides = array<i32>} : memref<2x1x256xi32, #tpu.memory_space<vmem>>, vector<1x1x16xi32>,
      %swap3A_1862 = vector.shape_cast %swap3A_1861 : vector<1x1x16xi32> to vector<16xi32>
      %swap3A_1863 = vector.shape_cast %min3A_1855 : vector<16xi32> to vector<1x1x16xi32>
      tpu.vector_store %arg5[%swap3A_1858, %swap3A_1859, %swap3A_1860], %swap3A_1863 {strides = array<i32>} : memref<2x1x256xi32, #tpu.memory_space<vmem>>, vector<1x1x16xi32>,
      %get3A_1864 = arith.constant 0 : i32
      %get3A_1865 = arith.constant 0 : i32
      %get3A_1866 = arith.index_cast %get3A_1864 : i32 to index
      %get3A_1867 = arith.index_cast %get3A_1865 : i32 to index
      %get3A_1868 = arith.constant 112 : index
      %get3A_1869 = tpu.vector_load %arg5[%get3A_1866, %get3A_1867, %get3A_1868] {strides = array<i32>} : memref<2x1x256xi32, #tpu.memory_space<vmem>>, vector<1x1x16xi32>,
      %get3A_1870 = vector.shape_cast %get3A_1869 : vector<1x1x16xi32> to vector<16xi32>
      %max3A_1871 = arith.constant 0 : i32
      %max3A_1872 = vector.broadcast %max3A_1871 : i32 to vector<16xi32>
      %max3A_1873 = arith.maxsi %get3A_1870, %max3A_1872 : vector<16xi32>
      %min3A_1874 = arith.constant 99999 : i32
      %min3A_1875 = vector.broadcast %min3A_1874 : i32 to vector<16xi32>
      %min3A_1876 = arith.minsi %max3A_1873, %min3A_1875 : vector<16xi32>
      %swap3A_1877 = arith.constant 0 : i32
      %swap3A_1878 = arith.constant 0 : i32
      %swap3A_1879 = arith.index_cast %swap3A_1877 : i32 to index
      %swap3A_1880 = arith.index_cast %swap3A_1878 : i32 to index
      %swap3A_1881 = arith.constant 112 : index
      %swap3A_1882 = tpu.vector_load %arg5[%swap3A_1879, %swap3A_1880, %swap3A_1881] {strides = array<i32>} : memref<2x1x256xi32, #tpu.memory_space<vmem>>, vector<1x1x16xi32>,
      %swap3A_1883 = vector.shape_cast %swap3A_1882 : vector<1x1x16xi32> to vector<16xi32>
      %swap3A_1884 = vector.shape_cast %min3A_1876 : vector<16xi32> to vector<1x1x16xi32>
      tpu.vector_store %arg5[%swap3A_1879, %swap3A_1880, %swap3A_1881], %swap3A_1884 {strides = array<i32>} : memref<2x1x256xi32, #tpu.memory_space<vmem>>, vector<1x1x16xi32>,
      %get3A_1885 = arith.constant 0 : i32
      %get3A_1886 = arith.constant 0 : i32
      %get3A_1887 = arith.index_cast %get3A_1885 : i32 to index
      %get3A_1888 = arith.index_cast %get3A_1886 : i32 to index
      %get3A_1889 = arith.constant 128 : index
      %get3A_1890 = tpu.vector_load %arg5[%get3A_1887, %get3A_1888, %get3A_1889] {strides = array<i32>} : memref<2x1x256xi32, #tpu.memory_space<vmem>>, vector<1x1x16xi32>,
      %get3A_1891 = vector.shape_cast %get3A_1890 : vector<1x1x16xi32> to vector<16xi32>
      %max3A_1892 = arith.constant 0 : i32
      %max3A_1893 = vector.broadcast %max3A_1892 : i32 to vector<16xi32>
      %max3A_1894 = arith.maxsi %get3A_1891, %max3A_1893 : vector<16xi32>
      %min3A_1895 = arith.constant 99999 : i32
      %min3A_1896 = vector.broadcast %min3A_1895 : i32 to vector<16xi32>
      %min3A_1897 = arith.minsi %max3A_1894, %min3A_1896 : vector<16xi32>
      %swap3A_1898 = arith.constant 0 : i32
      %swap3A_1899 = arith.constant 0 : i32
      %swap3A_1900 = arith.index_cast %swap3A_1898 : i32 to index
      %swap3A_1901 = arith.index_cast %swap3A_1899 : i32 to index
      %swap3A_1902 = arith.constant 128 : index
      %swap3A_1903 = tpu.vector_load %arg5[%swap3A_1900, %swap3A_1901, %swap3A_1902] {strides = array<i32>} : memref<2x1x256xi32, #tpu.memory_space<vmem>>, vector<1x1x16xi32>,
      %swap3A_1904 = vector.shape_cast %swap3A_1903 : vector<1x1x16xi32> to vector<16xi32>
      %swap3A_1905 = vector.shape_cast %min3A_1897 : vector<16xi32> to vector<1x1x16xi32>
      tpu.vector_store %arg5[%swap3A_1900, %swap3A_1901, %swap3A_1902], %swap3A_1905 {strides = array<i32>} : memref<2x1x256xi32, #tpu.memory_space<vmem>>, vector<1x1x16xi32>,
      %get3A_1906 = arith.constant 0 : i32
      %get3A_1907 = arith.constant 0 : i32
      %get3A_1908 = arith.index_cast %get3A_1906 : i32 to index
      %get3A_1909 = arith.index_cast %get3A_1907 : i32 to index
      %get3A_1910 = arith.constant 144 : index
      %get3A_1911 = tpu.vector_load %arg5[%get3A_1908, %get3A_1909, %get3A_1910] {strides = array<i32>} : memref<2x1x256xi32, #tpu.memory_space<vmem>>, vector<1x1x16xi32>,
      %get3A_1912 = vector.shape_cast %get3A_1911 : vector<1x1x16xi32> to vector<16xi32>
      %max3A_1913 = arith.constant 0 : i32
      %max3A_1914 = vector.broadcast %max3A_1913 : i32 to vector<16xi32>
      %max3A_1915 = arith.maxsi %get3A_1912, %max3A_1914 : vector<16xi32>
      %min3A_1916 = arith.constant 99999 : i32
      %min3A_1917 = vector.broadcast %min3A_1916 : i32 to vector<16xi32>
      %min3A_1918 = arith.minsi %max3A_1915, %min3A_1917 : vector<16xi32>
      %swap3A_1919 = arith.constant 0 : i32
      %swap3A_1920 = arith.constant 0 : i32
      %swap3A_1921 = arith.index_cast %swap3A_1919 : i32 to index
      %swap3A_1922 = arith.index_cast %swap3A_1920 : i32 to index
      %swap3A_1923 = arith.constant 144 : index
      %swap3A_1924 = tpu.vector_load %arg5[%swap3A_1921, %swap3A_1922, %swap3A_1923] {strides = array<i32>} : memref<2x1x256xi32, #tpu.memory_space<vmem>>, vector<1x1x16xi32>,
      %swap3A_1925 = vector.shape_cast %swap3A_1924 : vector<1x1x16xi32> to vector<16xi32>
      %swap3A_1926 = vector.shape_cast %min3A_1918 : vector<16xi32> to vector<1x1x16xi32>
      tpu.vector_store %arg5[%swap3A_1921, %swap3A_1922, %swap3A_1923], %swap3A_1926 {strides = array<i32>} : memref<2x1x256xi32, #tpu.memory_space<vmem>>, vector<1x1x16xi32>,
      %get3A_1927 = arith.constant 0 : i32
      %get3A_1928 = arith.constant 0 : i32
      %get3A_1929 = arith.index_cast %get3A_1927 : i32 to index
      %get3A_1930 = arith.index_cast %get3A_1928 : i32 to index
      %get3A_1931 = arith.constant 160 : index
      %get3A_1932 = tpu.vector_load %arg5[%get3A_1929, %get3A_1930, %get3A_1931] {strides = array<i32>} : memref<2x1x256xi32, #tpu.memory_space<vmem>>, vector<1x1x16xi32>,
      %get3A_1933 = vector.shape_cast %get3A_1932 : vector<1x1x16xi32> to vector<16xi32>
      %max3A_1934 = arith.constant 0 : i32
      %max3A_1935 = vector.broadcast %max3A_1934 : i32 to vector<16xi32>
      %max3A_1936 = arith.maxsi %get3A_1933, %max3A_1935 : vector<16xi32>
      %min3A_1937 = arith.constant 99999 : i32
      %min3A_1938 = vector.broadcast %min3A_1937 : i32 to vector<16xi32>
      %min3A_1939 = arith.minsi %max3A_1936, %min3A_1938 : vector<16xi32>
      %swap3A_1940 = arith.constant 0 : i32
      %swap3A_1941 = arith.constant 0 : i32
      %swap3A_1942 = arith.index_cast %swap3A_1940 : i32 to index
      %swap3A_1943 = arith.index_cast %swap3A_1941 : i32 to index
      %swap3A_1944 = arith.constant 160 : index
      %swap3A_1945 = tpu.vector_load %arg5[%swap3A_1942, %swap3A_1943, %swap3A_1944] {strides = array<i32>} : memref<2x1x256xi32, #tpu.memory_space<vmem>>, vector<1x1x16xi32>,
      %swap3A_1946 = vector.shape_cast %swap3A_1945 : vector<1x1x16xi32> to vector<16xi32>
      %swap3A_1947 = vector.shape_cast %min3A_1939 : vector<16xi32> to vector<1x1x16xi32>
      tpu.vector_store %arg5[%swap3A_1942, %swap3A_1943, %swap3A_1944], %swap3A_1947 {strides = array<i32>} : memref<2x1x256xi32, #tpu.memory_space<vmem>>, vector<1x1x16xi32>,
      %get3A_1948 = arith.constant 0 : i32
      %get3A_1949 = arith.constant 0 : i32
      %get3A_1950 = arith.index_cast %get3A_1948 : i32 to index
      %get3A_1951 = arith.index_cast %get3A_1949 : i32 to index
      %get3A_1952 = arith.constant 176 : index
      %get3A_1953 = tpu.vector_load %arg5[%get3A_1950, %get3A_1951, %get3A_1952] {strides = array<i32>} : memref<2x1x256xi32, #tpu.memory_space<vmem>>, vector<1x1x16xi32>,
      %get3A_1954 = vector.shape_cast %get3A_1953 : vector<1x1x16xi32> to vector<16xi32>
      %max3A_1955 = arith.constant 0 : i32
      %max3A_1956 = vector.broadcast %max3A_1955 : i32 to vector<16xi32>
      %max3A_1957 = arith.maxsi %get3A_1954, %max3A_1956 : vector<16xi32>
      %min3A_1958 = arith.constant 99999 : i32
      %min3A_1959 = vector.broadcast %min3A_1958 : i32 to vector<16xi32>
      %min3A_1960 = arith.minsi %max3A_1957, %min3A_1959 : vector<16xi32>
      %swap3A_1961 = arith.constant 0 : i32
      %swap3A_1962 = arith.constant 0 : i32
      %swap3A_1963 = arith.index_cast %swap3A_1961 : i32 to index
      %swap3A_1964 = arith.index_cast %swap3A_1962 : i32 to index
      %swap3A_1965 = arith.constant 176 : index
      %swap3A_1966 = tpu.vector_load %arg5[%swap3A_1963, %swap3A_1964, %swap3A_1965] {strides = array<i32>} : memref<2x1x256xi32, #tpu.memory_space<vmem>>, vector<1x1x16xi32>,
      %swap3A_1967 = vector.shape_cast %swap3A_1966 : vector<1x1x16xi32> to vector<16xi32>
      %swap3A_1968 = vector.shape_cast %min3A_1960 : vector<16xi32> to vector<1x1x16xi32>
      tpu.vector_store %arg5[%swap3A_1963, %swap3A_1964, %swap3A_1965], %swap3A_1968 {strides = array<i32>} : memref<2x1x256xi32, #tpu.memory_space<vmem>>, vector<1x1x16xi32>,
      %get3A_1969 = arith.constant 0 : i32
      %get3A_1970 = arith.constant 0 : i32
      %get3A_1971 = arith.index_cast %get3A_1969 : i32 to index
      %get3A_1972 = arith.index_cast %get3A_1970 : i32 to index
      %get3A_1973 = arith.constant 192 : index
      %get3A_1974 = tpu.vector_load %arg5[%get3A_1971, %get3A_1972, %get3A_1973] {strides = array<i32>} : memref<2x1x256xi32, #tpu.memory_space<vmem>>, vector<1x1x16xi32>,
      %get3A_1975 = vector.shape_cast %get3A_1974 : vector<1x1x16xi32> to vector<16xi32>
      %max3A_1976 = arith.constant 0 : i32
      %max3A_1977 = vector.broadcast %max3A_1976 : i32 to vector<16xi32>
      %max3A_1978 = arith.maxsi %get3A_1975, %max3A_1977 : vector<16xi32>
      %min3A_1979 = arith.constant 99999 : i32
      %min3A_1980 = vector.broadcast %min3A_1979 : i32 to vector<16xi32>
      %min3A_1981 = arith.minsi %max3A_1978, %min3A_1980 : vector<16xi32>
      %swap3A_1982 = arith.constant 0 : i32
      %swap3A_1983 = arith.constant 0 : i32
      %swap3A_1984 = arith.index_cast %swap3A_1982 : i32 to index
      %swap3A_1985 = arith.index_cast %swap3A_1983 : i32 to index
      %swap3A_1986 = arith.constant 192 : index
      %swap3A_1987 = tpu.vector_load %arg5[%swap3A_1984, %swap3A_1985, %swap3A_1986] {strides = array<i32>} : memref<2x1x256xi32, #tpu.memory_space<vmem>>, vector<1x1x16xi32>,
      %swap3A_1988 = vector.shape_cast %swap3A_1987 : vector<1x1x16xi32> to vector<16xi32>
      %swap3A_1989 = vector.shape_cast %min3A_1981 : vector<16xi32> to vector<1x1x16xi32>
      tpu.vector_store %arg5[%swap3A_1984, %swap3A_1985, %swap3A_1986], %swap3A_1989 {strides = array<i32>} : memref<2x1x256xi32, #tpu.memory_space<vmem>>, vector<1x1x16xi32>,
      %get3A_1990 = arith.constant 0 : i32
      %get3A_1991 = arith.constant 0 : i32
      %get3A_1992 = arith.index_cast %get3A_1990 : i32 to index
      %get3A_1993 = arith.index_cast %get3A_1991 : i32 to index
      %get3A_1994 = arith.constant 208 : index
      %get3A_1995 = tpu.vector_load %arg5[%get3A_1992, %get3A_1993, %get3A_1994] {strides = array<i32>} : memref<2x1x256xi32, #tpu.memory_space<vmem>>, vector<1x1x16xi32>,
      %get3A_1996 = vector.shape_cast %get3A_1995 : vector<1x1x16xi32> to vector<16xi32>
      %max3A_1997 = arith.constant 0 : i32
      %max3A_1998 = vector.broadcast %max3A_1997 : i32 to vector<16xi32>
      %max3A_1999 = arith.maxsi %get3A_1996, %max3A_1998 : vector<16xi32>
      %min3A_2000 = arith.constant 99999 : i32
      %min3A_2001 = vector.broadcast %min3A_2000 : i32 to vector<16xi32>
      %min3A_2002 = arith.minsi %max3A_1999, %min3A_2001 : vector<16xi32>
      %swap3A_2003 = arith.constant 0 : i32
      %swap3A_2004 = arith.constant 0 : i32
      %swap3A_2005 = arith.index_cast %swap3A_2003 : i32 to index
      %swap3A_2006 = arith.index_cast %swap3A_2004 : i32 to index
      %swap3A_2007 = arith.constant 208 : index
      %swap3A_2008 = tpu.vector_load %arg5[%swap3A_2005, %swap3A_2006, %swap3A_2007] {strides = array<i32>} : memref<2x1x256xi32, #tpu.memory_space<vmem>>, vector<1x1x16xi32>,
      %swap3A_2009 = vector.shape_cast %swap3A_2008 : vector<1x1x16xi32> to vector<16xi32>
      %swap3A_2010 = vector.shape_cast %min3A_2002 : vector<16xi32> to vector<1x1x16xi32>
      tpu.vector_store %arg5[%swap3A_2005, %swap3A_2006, %swap3A_2007], %swap3A_2010 {strides = array<i32>} : memref<2x1x256xi32, #tpu.memory_space<vmem>>, vector<1x1x16xi32>,
      %get3A_2011 = arith.constant 0 : i32
      %get3A_2012 = arith.constant 0 : i32
      %get3A_2013 = arith.index_cast %get3A_2011 : i32 to index
      %get3A_2014 = arith.index_cast %get3A_2012 : i32 to index
      %get3A_2015 = arith.constant 224 : index
      %get3A_2016 = tpu.vector_load %arg5[%get3A_2013, %get3A_2014, %get3A_2015] {strides = array<i32>} : memref<2x1x256xi32, #tpu.memory_space<vmem>>, vector<1x1x16xi32>,
      %get3A_2017 = vector.shape_cast %get3A_2016 : vector<1x1x16xi32> to vector<16xi32>
      %max3A_2018 = arith.constant 0 : i32
      %max3A_2019 = vector.broadcast %max3A_2018 : i32 to vector<16xi32>
      %max3A_2020 = arith.maxsi %get3A_2017, %max3A_2019 : vector<16xi32>
      %min3A_2021 = arith.constant 99999 : i32
      %min3A_2022 = vector.broadcast %min3A_2021 : i32 to vector<16xi32>
      %min3A_2023 = arith.minsi %max3A_2020, %min3A_2022 : vector<16xi32>
      %swap3A_2024 = arith.constant 0 : i32
      %swap3A_2025 = arith.constant 0 : i32
      %swap3A_2026 = arith.index_cast %swap3A_2024 : i32 to index
      %swap3A_2027 = arith.index_cast %swap3A_2025 : i32 to index
      %swap3A_2028 = arith.constant 224 : index
      %swap3A_2029 = tpu.vector_load %arg5[%swap3A_2026, %swap3A_2027, %swap3A_2028] {strides = array<i32>} : memref<2x1x256xi32, #tpu.memory_space<vmem>>, vector<1x1x16xi32>,
      %swap3A_2030 = vector.shape_cast %swap3A_2029 : vector<1x1x16xi32> to vector<16xi32>
      %swap3A_2031 = vector.shape_cast %min3A_2023 : vector<16xi32> to vector<1x1x16xi32>
      tpu.vector_store %arg5[%swap3A_2026, %swap3A_2027, %swap3A_2028], %swap3A_2031 {strides = array<i32>} : memref<2x1x256xi32, #tpu.memory_space<vmem>>, vector<1x1x16xi32>,
      %get3A_2032 = arith.constant 0 : i32
      %get3A_2033 = arith.constant 0 : i32
      %get3A_2034 = arith.index_cast %get3A_2032 : i32 to index
      %get3A_2035 = arith.index_cast %get3A_2033 : i32 to index
      %get3A_2036 = arith.constant 240 : index
      %get3A_2037 = tpu.vector_load %arg5[%get3A_2034, %get3A_2035, %get3A_2036] {strides = array<i32>} : memref<2x1x256xi32, #tpu.memory_space<vmem>>, vector<1x1x16xi32>,
      %get3A_2038 = vector.shape_cast %get3A_2037 : vector<1x1x16xi32> to vector<16xi32>
      %max3A_2039 = arith.constant 0 : i32
      %max3A_2040 = vector.broadcast %max3A_2039 : i32 to vector<16xi32>
      %max3A_2041 = arith.maxsi %get3A_2038, %max3A_2040 : vector<16xi32>
      %min3A_2042 = arith.constant 99999 : i32
      %min3A_2043 = vector.broadcast %min3A_2042 : i32 to vector<16xi32>
      %min3A_2044 = arith.minsi %max3A_2041, %min3A_2043 : vector<16xi32>
      %swap3A_2045 = arith.constant 0 : i32
      %swap3A_2046 = arith.constant 0 : i32
      %swap3A_2047 = arith.index_cast %swap3A_2045 : i32 to index
      %swap3A_2048 = arith.index_cast %swap3A_2046 : i32 to index
      %swap3A_2049 = arith.constant 240 : index
      %swap3A_2050 = tpu.vector_load %arg5[%swap3A_2047, %swap3A_2048, %swap3A_2049] {strides = array<i32>} : memref<2x1x256xi32, #tpu.memory_space<vmem>>, vector<1x1x16xi32>,
      %swap3A_2051 = vector.shape_cast %swap3A_2050 : vector<1x1x16xi32> to vector<16xi32>
      %swap3A_2052 = vector.shape_cast %min3A_2044 : vector<16xi32> to vector<1x1x16xi32>
      tpu.vector_store %arg5[%swap3A_2047, %swap3A_2048, %swap3A_2049], %swap3A_2052 {strides = array<i32>} : memref<2x1x256xi32, #tpu.memory_space<vmem>>, vector<1x1x16xi32>,
      %sub3A = arith.constant 2 : i32
      %sub3A_2053 = arith.subi %mul3A_1702, %sub3A : i32
      %mul3A_2054 = arith.constant 256 : i32
      %mul3A_2055 = arith.muli %sub3A_2053, %mul3A_2054 : i32
      %add3A_2056 = arith.addi %mul3A_2, %mul3A_2055 : i32
      %dma_wait3A_2057 = arith.constant 0 : i32
      %dma_wait3A_2058 = arith.constant 0 : i32
      %dma_wait3A_2059 = arith.constant 0 : i32
      %dma_wait3A_2060 = tpu.memref_slice %arg6[%dma_wait3A_2057, %dma_wait3A_2058, %dma_wait3A_2059] : memref<2x256x128xf32, #tpu.memory_space<vmem>> -> memref<1x256x128xf32, #tpu.memory_space<vmem>>
      %dma_wait3A_2061 = tpu.memref_squeeze %dma_wait3A_2060 : memref<1x256x128xf32, #tpu.memory_space<vmem>> -> memref<256x128xf32, #tpu.memory_space<vmem>>
      %dma_wait3A_2062 = arith.constant 0 : i32
      %dma_wait3A_2063 = tpu.memref_slice %arg4[%add3A_2056, %dma_wait3A_2062] : memref<3276800x128xf32, #tpu.memory_space<hbm>> -> memref<256x128xf32, #tpu.memory_space<hbm>>
      %dma_wait3A_2064 = arith.constant 0 : i32
      %dma_wait3A_2065 = tpu.memref_slice %arg4[%add3A_2056, %dma_wait3A_2064] : memref<3276800x128xf32, #tpu.memory_space<hbm>> -> memref<256x128xf32, #tpu.memory_space<hbm>>
      %dma_wait3A_2066 = arith.constant 0 : i32
      %dma_wait3A_2067 = arith.constant 0 : i32
      %dma_wait3A_2068 = tpu.memref_slice %arg6[%dma_wait3A_2057, %dma_wait3A_2066, %dma_wait3A_2067] : memref<2x256x128xf32, #tpu.memory_space<vmem>> -> memref<1x256x128xf32, #tpu.memory_space<vmem>>
      %dma_wait3A_2069 = tpu.memref_squeeze %dma_wait3A_2068 : memref<1x256x128xf32, #tpu.memory_space<vmem>> -> memref<256x128xf32, #tpu.memory_space<vmem>>
      tpu.wait_dma2 semaphore(%arg11 : memref<!tpu.dma_semaphore, #tpu.memory_space<semaphore_mem>>) src(%dma_wait3A_2069 : memref<256x128xf32, #tpu.memory_space<vmem>>) dst(%dma_wait3A_2065 : memref<256x128xf32, #tpu.memory_space<hbm>>)
      %dma_start3A_2070 = arith.constant 0 : i32
      %dma_start3A_2071 = arith.constant 0 : i32
      %dma_start3A_2072 = arith.constant 0 : i32
      %dma_start3A_2073 = arith.constant 0 : i32
      %dma_start3A_2074 = arith.constant 0 : i32
      %dma_start3A_2075 = tpu.memref_slice %arg6[%dma_start3A_2072, %dma_start3A_2073, %dma_start3A_2074] : memref<2x256x128xf32, #tpu.memory_space<vmem>> -> memref<1x256x128xf32, #tpu.memory_space<vmem>>
      %dma_start3A_2076 = tpu.memref_squeeze %dma_start3A_2075 : memref<1x256x128xf32, #tpu.memory_space<vmem>> -> memref<256x128xf32, #tpu.memory_space<vmem>>
      %dma_start3A_2077 = arith.constant 0 : i32
      %dma_start3A_2078 = tpu.memref_slice %arg5[%dma_start3A_2070, %dma_start3A_2071, %dma_start3A_2077] : memref<2x1x256xi32, #tpu.memory_space<vmem>> -> memref<1x1x256xi32, #tpu.memory_space<vmem>>
      %dma_start3A_2079 = tpu.memref_squeeze %dma_start3A_2078 : memref<1x1x256xi32, #tpu.memory_space<vmem>> -> memref<256xi32, #tpu.memory_space<vmem>>
      %dma_start3A_2080 = arith.constant 0 : i32
      %dma_start3A_2081 = arith.constant 0 : i32
      %dma_start3A_2082 = tpu.memref_slice %arg3[%dma_start3A_2080, %dma_start3A_2081] : memref<100000x128xf32, #tpu.memory_space<hbm>> -> memref<100000x128xf32, #tpu.memory_space<hbm>>
      tpu.enqueue_indirect_dma source(%dma_start3A_2082 : memref<100000x128xf32, #tpu.memory_space<hbm>>) target(%dma_start3A_2076 : memref<256x128xf32, #tpu.memory_space<vmem>>) offsets(%dma_start3A_2079 : memref<256xi32, #tpu.memory_space<vmem>>) semaphore(%arg9 : memref<!tpu.dma_semaphore, #tpu.memory_space<semaphore_mem>>)
      %dma_wait3A_2083 = arith.constant 1 : i32
      %dma_wait3A_2084 = arith.constant 0 : i32
      %dma_wait3A_2085 = arith.constant 0 : i32
      %dma_wait3A_2086 = tpu.memref_slice %arg6[%dma_wait3A_2083, %dma_wait3A_2084, %dma_wait3A_2085] : memref<2x256x128xf32, #tpu.memory_space<vmem>> -> memref<1x256x128xf32, #tpu.memory_space<vmem>>
      %dma_wait3A_2087 = tpu.memref_squeeze %dma_wait3A_2086 : memref<1x256x128xf32, #tpu.memory_space<vmem>> -> memref<256x128xf32, #tpu.memory_space<vmem>>
      %dma_wait3A_2088 = arith.constant 0 : i32
      %dma_wait3A_2089 = arith.constant 0 : i32
      %dma_wait3A_2090 = tpu.memref_slice %arg3[%dma_wait3A_2088, %dma_wait3A_2089] : memref<100000x128xf32, #tpu.memory_space<hbm>> -> memref<256x128xf32, #tpu.memory_space<hbm>>
      %dma_wait3A_2091 = arith.constant 0 : i32
      %dma_wait3A_2092 = arith.constant 0 : i32
      %dma_wait3A_2093 = tpu.memref_slice %arg6[%dma_wait3A_2083, %dma_wait3A_2091, %dma_wait3A_2092] : memref<2x256x128xf32, #tpu.memory_space<vmem>> -> memref<1x256x128xf32, #tpu.memory_space<vmem>>
      %dma_wait3A_2094 = tpu.memref_squeeze %dma_wait3A_2093 : memref<1x256x128xf32, #tpu.memory_space<vmem>> -> memref<256x128xf32, #tpu.memory_space<vmem>>
      %dma_wait3A_2095 = arith.constant 0 : i32
      %dma_wait3A_2096 = arith.constant 0 : i32
      %dma_wait3A_2097 = tpu.memref_slice %arg3[%dma_wait3A_2095, %dma_wait3A_2096] : memref<100000x128xf32, #tpu.memory_space<hbm>> -> memref<256x128xf32, #tpu.memory_space<hbm>>
      tpu.wait_dma2 semaphore(%arg10 : memref<!tpu.dma_semaphore, #tpu.memory_space<semaphore_mem>>) src(%dma_wait3A_2097 : memref<256x128xf32, #tpu.memory_space<hbm>>) dst(%dma_wait3A_2094 : memref<256x128xf32, #tpu.memory_space<vmem>>)
      %sub3A_2098 = arith.constant 1 : i32
      %sub3A_2099 = arith.subi %mul3A_1702, %sub3A_2098 : i32
      %mul3A_2100 = arith.constant 256 : i32
      %mul3A_2101 = arith.muli %sub3A_2099, %mul3A_2100 : i32
      %add3A_2102 = arith.addi %mul3A_2, %mul3A_2101 : i32
      %dma_start3A_2103 = arith.constant 1 : i32
      %dma_start3A_2104 = arith.constant 0 : i32
      %dma_start3A_2105 = arith.constant 0 : i32
      %dma_start3A_2106 = tpu.memref_slice %arg6[%dma_start3A_2103, %dma_start3A_2104, %dma_start3A_2105] : memref<2x256x128xf32, #tpu.memory_space<vmem>> -> memref<1x256x128xf32, #tpu.memory_space<vmem>>
      %dma_start3A_2107 = tpu.memref_squeeze %dma_start3A_2106 : memref<1x256x128xf32, #tpu.memory_space<vmem>> -> memref<256x128xf32, #tpu.memory_space<vmem>>
      %dma_start3A_2108 = arith.constant 0 : i32
      %dma_start3A_2109 = tpu.memref_slice %arg4[%add3A_2102, %dma_start3A_2108] : memref<3276800x128xf32, #tpu.memory_space<hbm>> -> memref<256x128xf32, #tpu.memory_space<hbm>>
      %dma_start3A_2110 = arith.constant 0 : i32
      %dma_start3A_2111 = tpu.memref_slice %arg4[%add3A_2102, %dma_start3A_2110] : memref<3276800x128xf32, #tpu.memory_space<hbm>> -> memref<256x128xf32, #tpu.memory_space<hbm>>
      %dma_start3A_2112 = arith.constant 0 : i32
      %dma_start3A_2113 = arith.constant 0 : i32
      %dma_start3A_2114 = tpu.memref_slice %arg6[%dma_start3A_2103, %dma_start3A_2112, %dma_start3A_2113] : memref<2x256x128xf32, #tpu.memory_space<vmem>> -> memref<1x256x128xf32, #tpu.memory_space<vmem>>
      %dma_start3A_2115 = tpu.memref_squeeze %dma_start3A_2114 : memref<1x256x128xf32, #tpu.memory_space<vmem>> -> memref<256x128xf32, #tpu.memory_space<vmem>>
      tpu.enqueue_dma source(%dma_start3A_2115 : memref<256x128xf32, #tpu.memory_space<vmem>>) target(%dma_start3A_2111 : memref<256x128xf32, #tpu.memory_space<hbm>>) target_semaphore(%arg12 : memref<!tpu.dma_semaphore, #tpu.memory_space<semaphore_mem>>)
      %add3A_2116 = arith.constant 1 : i32
      %add3A_2117 = arith.addi %mul3A_1702, %add3A_2116 : i32
      %add3A_2118 = arith.addi %mul3A_4, %add3A_2117 : i32
      %dma_start3A_2119 = arith.constant 1 : i32
      %dma_start3A_2120 = arith.constant 0 : i32
      %dma_start3A_2121 = arith.constant 0 : i32
      %dma_start3A_2122 = tpu.memref_slice %arg5[%dma_start3A_2119, %dma_start3A_2120, %dma_start3A_2121] : memref<2x1x256xi32, #tpu.memory_space<vmem>> -> memref<1x1x256xi32, #tpu.memory_space<vmem>>
      %dma_start3A_2123 = tpu.memref_squeeze %dma_start3A_2122 : memref<1x1x256xi32, #tpu.memory_space<vmem>> -> memref<1x256xi32, #tpu.memory_space<vmem>>
      %dma_start3A_2124 = arith.constant 0 : i32
      %dma_start3A_2125 = tpu.memref_slice %arg2[%add3A_2118, %dma_start3A_2124] : memref<12800x256xi32, #tpu.memory_space<hbm>> -> memref<1x256xi32, #tpu.memory_space<hbm>>
      %dma_start3A_2126 = arith.constant 0 : i32
      %dma_start3A_2127 = arith.constant 0 : i32
      %dma_start3A_2128 = tpu.memref_slice %arg5[%dma_start3A_2119, %dma_start3A_2126, %dma_start3A_2127] : memref<2x1x256xi32, #tpu.memory_space<vmem>> -> memref<1x1x256xi32, #tpu.memory_space<vmem>>
      %dma_start3A_2129 = tpu.memref_squeeze %dma_start3A_2128 : memref<1x1x256xi32, #tpu.memory_space<vmem>> -> memref<1x256xi32, #tpu.memory_space<vmem>>
      %dma_start3A_2130 = arith.constant 0 : i32
      %dma_start3A_2131 = tpu.memref_slice %arg2[%add3A_2118, %dma_start3A_2130] : memref<12800x256xi32, #tpu.memory_space<hbm>> -> memref<1x256xi32, #tpu.memory_space<hbm>>
      tpu.enqueue_dma source(%dma_start3A_2131 : memref<1x256xi32, #tpu.memory_space<hbm>>) target(%dma_start3A_2129 : memref<1x256xi32, #tpu.memory_space<vmem>>) target_semaphore(%arg8 : memref<!tpu.dma_semaphore, #tpu.memory_space<semaphore_mem>>)
      %add3A_2132 = arith.constant 1 : i32
      %add3A_2133 = arith.addi %mul3A_1702, %add3A_2132 : i32
      %add3A_2134 = arith.addi %mul3A_4, %add3A_2133 : i32
      %dma_wait3A_2135 = arith.constant 1 : i32
      %dma_wait3A_2136 = arith.constant 0 : i32
      %dma_wait3A_2137 = arith.constant 0 : i32
      %dma_wait3A_2138 = tpu.memref_slice %arg5[%dma_wait3A_2135, %dma_wait3A_2136, %dma_wait3A_2137] : memref<2x1x256xi32, #tpu.memory_space<vmem>> -> memref<1x1x256xi32, #tpu.memory_space<vmem>>
      %dma_wait3A_2139 = tpu.memref_squeeze %dma_wait3A_2138 : memref<1x1x256xi32, #tpu.memory_space<vmem>> -> memref<1x256xi32, #tpu.memory_space<vmem>>
      %dma_wait3A_2140 = arith.constant 0 : i32
      %dma_wait3A_2141 = tpu.memref_slice %arg2[%add3A_2134, %dma_wait3A_2140] : memref<12800x256xi32, #tpu.memory_space<hbm>> -> memref<1x256xi32, #tpu.memory_space<hbm>>
      %dma_wait3A_2142 = arith.constant 0 : i32
      %dma_wait3A_2143 = arith.constant 0 : i32
      %dma_wait3A_2144 = tpu.memref_slice %arg5[%dma_wait3A_2135, %dma_wait3A_2142, %dma_wait3A_2143] : memref<2x1x256xi32, #tpu.memory_space<vmem>> -> memref<1x1x256xi32, #tpu.memory_space<vmem>>
      %dma_wait3A_2145 = tpu.memref_squeeze %dma_wait3A_2144 : memref<1x1x256xi32, #tpu.memory_space<vmem>> -> memref<1x256xi32, #tpu.memory_space<vmem>>
      %dma_wait3A_2146 = arith.constant 0 : i32
      %dma_wait3A_2147 = tpu.memref_slice %arg2[%add3A_2134, %dma_wait3A_2146] : memref<12800x256xi32, #tpu.memory_space<hbm>> -> memref<1x256xi32, #tpu.memory_space<hbm>>
      tpu.wait_dma2 semaphore(%arg8 : memref<!tpu.dma_semaphore, #tpu.memory_space<semaphore_mem>>) src(%dma_wait3A_2147 : memref<1x256xi32, #tpu.memory_space<hbm>>) dst(%dma_wait3A_2145 : memref<1x256xi32, #tpu.memory_space<vmem>>)
      %get3A_2148 = arith.constant 1 : i32
      %get3A_2149 = arith.constant 0 : i32
      %get3A_2150 = arith.index_cast %get3A_2148 : i32 to index
      %get3A_2151 = arith.index_cast %get3A_2149 : i32 to index
      %get3A_2152 = arith.constant 0 : index
      %get3A_2153 = tpu.vector_load %arg5[%get3A_2150, %get3A_2151, %get3A_2152] {strides = array<i32>} : memref<2x1x256xi32, #tpu.memory_space<vmem>>, vector<1x1x16xi32>,
      %get3A_2154 = vector.shape_cast %get3A_2153 : vector<1x1x16xi32> to vector<16xi32>
      %max3A_2155 = arith.constant 0 : i32
      %max3A_2156 = vector.broadcast %max3A_2155 : i32 to vector<16xi32>
      %max3A_2157 = arith.maxsi %get3A_2154, %max3A_2156 : vector<16xi32>
      %min3A_2158 = arith.constant 99999 : i32
      %min3A_2159 = vector.broadcast %min3A_2158 : i32 to vector<16xi32>
      %min3A_2160 = arith.minsi %max3A_2157, %min3A_2159 : vector<16xi32>
      %swap3A_2161 = arith.constant 1 : i32
      %swap3A_2162 = arith.constant 0 : i32
      %swap3A_2163 = arith.index_cast %swap3A_2161 : i32 to index
      %swap3A_2164 = arith.index_cast %swap3A_2162 : i32 to index
      %swap3A_2165 = arith.constant 0 : index
      %swap3A_2166 = tpu.vector_load %arg5[%swap3A_2163, %swap3A_2164, %swap3A_2165] {strides = array<i32>} : memref<2x1x256xi32, #tpu.memory_space<vmem>>, vector<1x1x16xi32>,
      %swap3A_2167 = vector.shape_cast %swap3A_2166 : vector<1x1x16xi32> to vector<16xi32>
      %swap3A_2168 = vector.shape_cast %min3A_2160 : vector<16xi32> to vector<1x1x16xi32>
      tpu.vector_store %arg5[%swap3A_2163, %swap3A_2164, %swap3A_2165], %swap3A_2168 {strides = array<i32>} : memref<2x1x256xi32, #tpu.memory_space<vmem>>, vector<1x1x16xi32>,
      %get3A_2169 = arith.constant 1 : i32
      %get3A_2170 = arith.constant 0 : i32
      %get3A_2171 = arith.index_cast %get3A_2169 : i32 to index
      %get3A_2172 = arith.index_cast %get3A_2170 : i32 to index
      %get3A_2173 = arith.constant 16 : index
      %get3A_2174 = tpu.vector_load %arg5[%get3A_2171, %get3A_2172, %get3A_2173] {strides = array<i32>} : memref<2x1x256xi32, #tpu.memory_space<vmem>>, vector<1x1x16xi32>,
      %get3A_2175 = vector.shape_cast %get3A_2174 : vector<1x1x16xi32> to vector<16xi32>
      %max3A_2176 = arith.constant 0 : i32
      %max3A_2177 = vector.broadcast %max3A_2176 : i32 to vector<16xi32>
      %max3A_2178 = arith.maxsi %get3A_2175, %max3A_2177 : vector<16xi32>
      %min3A_2179 = arith.constant 99999 : i32
      %min3A_2180 = vector.broadcast %min3A_2179 : i32 to vector<16xi32>
      %min3A_2181 = arith.minsi %max3A_2178, %min3A_2180 : vector<16xi32>
      %swap3A_2182 = arith.constant 1 : i32
      %swap3A_2183 = arith.constant 0 : i32
      %swap3A_2184 = arith.index_cast %swap3A_2182 : i32 to index
      %swap3A_2185 = arith.index_cast %swap3A_2183 : i32 to index
      %swap3A_2186 = arith.constant 16 : index
      %swap3A_2187 = tpu.vector_load %arg5[%swap3A_2184, %swap3A_2185, %swap3A_2186] {strides = array<i32>} : memref<2x1x256xi32, #tpu.memory_space<vmem>>, vector<1x1x16xi32>,
      %swap3A_2188 = vector.shape_cast %swap3A_2187 : vector<1x1x16xi32> to vector<16xi32>
      %swap3A_2189 = vector.shape_cast %min3A_2181 : vector<16xi32> to vector<1x1x16xi32>
      tpu.vector_store %arg5[%swap3A_2184, %swap3A_2185, %swap3A_2186], %swap3A_2189 {strides = array<i32>} : memref<2x1x256xi32, #tpu.memory_space<vmem>>, vector<1x1x16xi32>,
      %get3A_2190 = arith.constant 1 : i32
      %get3A_2191 = arith.constant 0 : i32
      %get3A_2192 = arith.index_cast %get3A_2190 : i32 to index
      %get3A_2193 = arith.index_cast %get3A_2191 : i32 to index
      %get3A_2194 = arith.constant 32 : index
      %get3A_2195 = tpu.vector_load %arg5[%get3A_2192, %get3A_2193, %get3A_2194] {strides = array<i32>} : memref<2x1x256xi32, #tpu.memory_space<vmem>>, vector<1x1x16xi32>,
      %get3A_2196 = vector.shape_cast %get3A_2195 : vector<1x1x16xi32> to vector<16xi32>
      %max3A_2197 = arith.constant 0 : i32
      %max3A_2198 = vector.broadcast %max3A_2197 : i32 to vector<16xi32>
      %max3A_2199 = arith.maxsi %get3A_2196, %max3A_2198 : vector<16xi32>
      %min3A_2200 = arith.constant 99999 : i32
      %min3A_2201 = vector.broadcast %min3A_2200 : i32 to vector<16xi32>
      %min3A_2202 = arith.minsi %max3A_2199, %min3A_2201 : vector<16xi32>
      %swap3A_2203 = arith.constant 1 : i32
      %swap3A_2204 = arith.constant 0 : i32
      %swap3A_2205 = arith.index_cast %swap3A_2203 : i32 to index
      %swap3A_2206 = arith.index_cast %swap3A_2204 : i32 to index
      %swap3A_2207 = arith.constant 32 : index
      %swap3A_2208 = tpu.vector_load %arg5[%swap3A_2205, %swap3A_2206, %swap3A_2207] {strides = array<i32>} : memref<2x1x256xi32, #tpu.memory_space<vmem>>, vector<1x1x16xi32>,
      %swap3A_2209 = vector.shape_cast %swap3A_2208 : vector<1x1x16xi32> to vector<16xi32>
      %swap3A_2210 = vector.shape_cast %min3A_2202 : vector<16xi32> to vector<1x1x16xi32>
      tpu.vector_store %arg5[%swap3A_2205, %swap3A_2206, %swap3A_2207], %swap3A_2210 {strides = array<i32>} : memref<2x1x256xi32, #tpu.memory_space<vmem>>, vector<1x1x16xi32>,
      %get3A_2211 = arith.constant 1 : i32
      %get3A_2212 = arith.constant 0 : i32
      %get3A_2213 = arith.index_cast %get3A_2211 : i32 to index
      %get3A_2214 = arith.index_cast %get3A_2212 : i32 to index
      %get3A_2215 = arith.constant 48 : index
      %get3A_2216 = tpu.vector_load %arg5[%get3A_2213, %get3A_2214, %get3A_2215] {strides = array<i32>} : memref<2x1x256xi32, #tpu.memory_space<vmem>>, vector<1x1x16xi32>,
      %get3A_2217 = vector.shape_cast %get3A_2216 : vector<1x1x16xi32> to vector<16xi32>
      %max3A_2218 = arith.constant 0 : i32
      %max3A_2219 = vector.broadcast %max3A_2218 : i32 to vector<16xi32>
      %max3A_2220 = arith.maxsi %get3A_2217, %max3A_2219 : vector<16xi32>
      %min3A_2221 = arith.constant 99999 : i32
      %min3A_2222 = vector.broadcast %min3A_2221 : i32 to vector<16xi32>
      %min3A_2223 = arith.minsi %max3A_2220, %min3A_2222 : vector<16xi32>
      %swap3A_2224 = arith.constant 1 : i32
      %swap3A_2225 = arith.constant 0 : i32
      %swap3A_2226 = arith.index_cast %swap3A_2224 : i32 to index
      %swap3A_2227 = arith.index_cast %swap3A_2225 : i32 to index
      %swap3A_2228 = arith.constant 48 : index
      %swap3A_2229 = tpu.vector_load %arg5[%swap3A_2226, %swap3A_2227, %swap3A_2228] {strides = array<i32>} : memref<2x1x256xi32, #tpu.memory_space<vmem>>, vector<1x1x16xi32>,
      %swap3A_2230 = vector.shape_cast %swap3A_2229 : vector<1x1x16xi32> to vector<16xi32>
      %swap3A_2231 = vector.shape_cast %min3A_2223 : vector<16xi32> to vector<1x1x16xi32>
      tpu.vector_store %arg5[%swap3A_2226, %swap3A_2227, %swap3A_2228], %swap3A_2231 {strides = array<i32>} : memref<2x1x256xi32, #tpu.memory_space<vmem>>, vector<1x1x16xi32>,
      %get3A_2232 = arith.constant 1 : i32
      %get3A_2233 = arith.constant 0 : i32
      %get3A_2234 = arith.index_cast %get3A_2232 : i32 to index
      %get3A_2235 = arith.index_cast %get3A_2233 : i32 to index
      %get3A_2236 = arith.constant 64 : index
      %get3A_2237 = tpu.vector_load %arg5[%get3A_2234, %get3A_2235, %get3A_2236] {strides = array<i32>} : memref<2x1x256xi32, #tpu.memory_space<vmem>>, vector<1x1x16xi32>,
      %get3A_2238 = vector.shape_cast %get3A_2237 : vector<1x1x16xi32> to vector<16xi32>
      %max3A_2239 = arith.constant 0 : i32
      %max3A_2240 = vector.broadcast %max3A_2239 : i32 to vector<16xi32>
      %max3A_2241 = arith.maxsi %get3A_2238, %max3A_2240 : vector<16xi32>
      %min3A_2242 = arith.constant 99999 : i32
      %min3A_2243 = vector.broadcast %min3A_2242 : i32 to vector<16xi32>
      %min3A_2244 = arith.minsi %max3A_2241, %min3A_2243 : vector<16xi32>
      %swap3A_2245 = arith.constant 1 : i32
      %swap3A_2246 = arith.constant 0 : i32
      %swap3A_2247 = arith.index_cast %swap3A_2245 : i32 to index
      %swap3A_2248 = arith.index_cast %swap3A_2246 : i32 to index
      %swap3A_2249 = arith.constant 64 : index
      %swap3A_2250 = tpu.vector_load %arg5[%swap3A_2247, %swap3A_2248, %swap3A_2249] {strides = array<i32>} : memref<2x1x256xi32, #tpu.memory_space<vmem>>, vector<1x1x16xi32>,
      %swap3A_2251 = vector.shape_cast %swap3A_2250 : vector<1x1x16xi32> to vector<16xi32>
      %swap3A_2252 = vector.shape_cast %min3A_2244 : vector<16xi32> to vector<1x1x16xi32>
      tpu.vector_store %arg5[%swap3A_2247, %swap3A_2248, %swap3A_2249], %swap3A_2252 {strides = array<i32>} : memref<2x1x256xi32, #tpu.memory_space<vmem>>, vector<1x1x16xi32>,
      %get3A_2253 = arith.constant 1 : i32
      %get3A_2254 = arith.constant 0 : i32
      %get3A_2255 = arith.index_cast %get3A_2253 : i32 to index
      %get3A_2256 = arith.index_cast %get3A_2254 : i32 to index
      %get3A_2257 = arith.constant 80 : index
      %get3A_2258 = tpu.vector_load %arg5[%get3A_2255, %get3A_2256, %get3A_2257] {strides = array<i32>} : memref<2x1x256xi32, #tpu.memory_space<vmem>>, vector<1x1x16xi32>,
      %get3A_2259 = vector.shape_cast %get3A_2258 : vector<1x1x16xi32> to vector<16xi32>
      %max3A_2260 = arith.constant 0 : i32
      %max3A_2261 = vector.broadcast %max3A_2260 : i32 to vector<16xi32>
      %max3A_2262 = arith.maxsi %get3A_2259, %max3A_2261 : vector<16xi32>
      %min3A_2263 = arith.constant 99999 : i32
      %min3A_2264 = vector.broadcast %min3A_2263 : i32 to vector<16xi32>
      %min3A_2265 = arith.minsi %max3A_2262, %min3A_2264 : vector<16xi32>
      %swap3A_2266 = arith.constant 1 : i32
      %swap3A_2267 = arith.constant 0 : i32
      %swap3A_2268 = arith.index_cast %swap3A_2266 : i32 to index
      %swap3A_2269 = arith.index_cast %swap3A_2267 : i32 to index
      %swap3A_2270 = arith.constant 80 : index
      %swap3A_2271 = tpu.vector_load %arg5[%swap3A_2268, %swap3A_2269, %swap3A_2270] {strides = array<i32>} : memref<2x1x256xi32, #tpu.memory_space<vmem>>, vector<1x1x16xi32>,
      %swap3A_2272 = vector.shape_cast %swap3A_2271 : vector<1x1x16xi32> to vector<16xi32>
      %swap3A_2273 = vector.shape_cast %min3A_2265 : vector<16xi32> to vector<1x1x16xi32>
      tpu.vector_store %arg5[%swap3A_2268, %swap3A_2269, %swap3A_2270], %swap3A_2273 {strides = array<i32>} : memref<2x1x256xi32, #tpu.memory_space<vmem>>, vector<1x1x16xi32>,
      %get3A_2274 = arith.constant 1 : i32
      %get3A_2275 = arith.constant 0 : i32
      %get3A_2276 = arith.index_cast %get3A_2274 : i32 to index
      %get3A_2277 = arith.index_cast %get3A_2275 : i32 to index
      %get3A_2278 = arith.constant 96 : index
      %get3A_2279 = tpu.vector_load %arg5[%get3A_2276, %get3A_2277, %get3A_2278] {strides = array<i32>} : memref<2x1x256xi32, #tpu.memory_space<vmem>>, vector<1x1x16xi32>,
      %get3A_2280 = vector.shape_cast %get3A_2279 : vector<1x1x16xi32> to vector<16xi32>
      %max3A_2281 = arith.constant 0 : i32
      %max3A_2282 = vector.broadcast %max3A_2281 : i32 to vector<16xi32>
      %max3A_2283 = arith.maxsi %get3A_2280, %max3A_2282 : vector<16xi32>
      %min3A_2284 = arith.constant 99999 : i32
      %min3A_2285 = vector.broadcast %min3A_2284 : i32 to vector<16xi32>
      %min3A_2286 = arith.minsi %max3A_2283, %min3A_2285 : vector<16xi32>
      %swap3A_2287 = arith.constant 1 : i32
      %swap3A_2288 = arith.constant 0 : i32
      %swap3A_2289 = arith.index_cast %swap3A_2287 : i32 to index
      %swap3A_2290 = arith.index_cast %swap3A_2288 : i32 to index
      %swap3A_2291 = arith.constant 96 : index
      %swap3A_2292 = tpu.vector_load %arg5[%swap3A_2289, %swap3A_2290, %swap3A_2291] {strides = array<i32>} : memref<2x1x256xi32, #tpu.memory_space<vmem>>, vector<1x1x16xi32>,
      %swap3A_2293 = vector.shape_cast %swap3A_2292 : vector<1x1x16xi32> to vector<16xi32>
      %swap3A_2294 = vector.shape_cast %min3A_2286 : vector<16xi32> to vector<1x1x16xi32>
      tpu.vector_store %arg5[%swap3A_2289, %swap3A_2290, %swap3A_2291], %swap3A_2294 {strides = array<i32>} : memref<2x1x256xi32, #tpu.memory_space<vmem>>, vector<1x1x16xi32>,
      %get3A_2295 = arith.constant 1 : i32
      %get3A_2296 = arith.constant 0 : i32
      %get3A_2297 = arith.index_cast %get3A_2295 : i32 to index
      %get3A_2298 = arith.index_cast %get3A_2296 : i32 to index
      %get3A_2299 = arith.constant 112 : index
      %get3A_2300 = tpu.vector_load %arg5[%get3A_2297, %get3A_2298, %get3A_2299] {strides = array<i32>} : memref<2x1x256xi32, #tpu.memory_space<vmem>>, vector<1x1x16xi32>,
      %get3A_2301 = vector.shape_cast %get3A_2300 : vector<1x1x16xi32> to vector<16xi32>
      %max3A_2302 = arith.constant 0 : i32
      %max3A_2303 = vector.broadcast %max3A_2302 : i32 to vector<16xi32>
      %max3A_2304 = arith.maxsi %get3A_2301, %max3A_2303 : vector<16xi32>
      %min3A_2305 = arith.constant 99999 : i32
      %min3A_2306 = vector.broadcast %min3A_2305 : i32 to vector<16xi32>
      %min3A_2307 = arith.minsi %max3A_2304, %min3A_2306 : vector<16xi32>
      %swap3A_2308 = arith.constant 1 : i32
      %swap3A_2309 = arith.constant 0 : i32
      %swap3A_2310 = arith.index_cast %swap3A_2308 : i32 to index
      %swap3A_2311 = arith.index_cast %swap3A_2309 : i32 to index
      %swap3A_2312 = arith.constant 112 : index
      %swap3A_2313 = tpu.vector_load %arg5[%swap3A_2310, %swap3A_2311, %swap3A_2312] {strides = array<i32>} : memref<2x1x256xi32, #tpu.memory_space<vmem>>, vector<1x1x16xi32>,
      %swap3A_2314 = vector.shape_cast %swap3A_2313 : vector<1x1x16xi32> to vector<16xi32>
      %swap3A_2315 = vector.shape_cast %min3A_2307 : vector<16xi32> to vector<1x1x16xi32>
      tpu.vector_store %arg5[%swap3A_2310, %swap3A_2311, %swap3A_2312], %swap3A_2315 {strides = array<i32>} : memref<2x1x256xi32, #tpu.memory_space<vmem>>, vector<1x1x16xi32>,
      %get3A_2316 = arith.constant 1 : i32
      %get3A_2317 = arith.constant 0 : i32
      %get3A_2318 = arith.index_cast %get3A_2316 : i32 to index
      %get3A_2319 = arith.index_cast %get3A_2317 : i32 to index
      %get3A_2320 = arith.constant 128 : index
      %get3A_2321 = tpu.vector_load %arg5[%get3A_2318, %get3A_2319, %get3A_2320] {strides = array<i32>} : memref<2x1x256xi32, #tpu.memory_space<vmem>>, vector<1x1x16xi32>,
      %get3A_2322 = vector.shape_cast %get3A_2321 : vector<1x1x16xi32> to vector<16xi32>
      %max3A_2323 = arith.constant 0 : i32
      %max3A_2324 = vector.broadcast %max3A_2323 : i32 to vector<16xi32>
      %max3A_2325 = arith.maxsi %get3A_2322, %max3A_2324 : vector<16xi32>
      %min3A_2326 = arith.constant 99999 : i32
      %min3A_2327 = vector.broadcast %min3A_2326 : i32 to vector<16xi32>
      %min3A_2328 = arith.minsi %max3A_2325, %min3A_2327 : vector<16xi32>
      %swap3A_2329 = arith.constant 1 : i32
      %swap3A_2330 = arith.constant 0 : i32
      %swap3A_2331 = arith.index_cast %swap3A_2329 : i32 to index
      %swap3A_2332 = arith.index_cast %swap3A_2330 : i32 to index
      %swap3A_2333 = arith.constant 128 : index
      %swap3A_2334 = tpu.vector_load %arg5[%swap3A_2331, %swap3A_2332, %swap3A_2333] {strides = array<i32>} : memref<2x1x256xi32, #tpu.memory_space<vmem>>, vector<1x1x16xi32>,
      %swap3A_2335 = vector.shape_cast %swap3A_2334 : vector<1x1x16xi32> to vector<16xi32>
      %swap3A_2336 = vector.shape_cast %min3A_2328 : vector<16xi32> to vector<1x1x16xi32>
      tpu.vector_store %arg5[%swap3A_2331, %swap3A_2332, %swap3A_2333], %swap3A_2336 {strides = array<i32>} : memref<2x1x256xi32, #tpu.memory_space<vmem>>, vector<1x1x16xi32>,
      %get3A_2337 = arith.constant 1 : i32
      %get3A_2338 = arith.constant 0 : i32
      %get3A_2339 = arith.index_cast %get3A_2337 : i32 to index
      %get3A_2340 = arith.index_cast %get3A_2338 : i32 to index
      %get3A_2341 = arith.constant 144 : index
      %get3A_2342 = tpu.vector_load %arg5[%get3A_2339, %get3A_2340, %get3A_2341] {strides = array<i32>} : memref<2x1x256xi32, #tpu.memory_space<vmem>>, vector<1x1x16xi32>,
      %get3A_2343 = vector.shape_cast %get3A_2342 : vector<1x1x16xi32> to vector<16xi32>
      %max3A_2344 = arith.constant 0 : i32
      %max3A_2345 = vector.broadcast %max3A_2344 : i32 to vector<16xi32>
      %max3A_2346 = arith.maxsi %get3A_2343, %max3A_2345 : vector<16xi32>
      %min3A_2347 = arith.constant 99999 : i32
      %min3A_2348 = vector.broadcast %min3A_2347 : i32 to vector<16xi32>
      %min3A_2349 = arith.minsi %max3A_2346, %min3A_2348 : vector<16xi32>
      %swap3A_2350 = arith.constant 1 : i32
      %swap3A_2351 = arith.constant 0 : i32
      %swap3A_2352 = arith.index_cast %swap3A_2350 : i32 to index
      %swap3A_2353 = arith.index_cast %swap3A_2351 : i32 to index
      %swap3A_2354 = arith.constant 144 : index
      %swap3A_2355 = tpu.vector_load %arg5[%swap3A_2352, %swap3A_2353, %swap3A_2354] {strides = array<i32>} : memref<2x1x256xi32, #tpu.memory_space<vmem>>, vector<1x1x16xi32>,
      %swap3A_2356 = vector.shape_cast %swap3A_2355 : vector<1x1x16xi32> to vector<16xi32>
      %swap3A_2357 = vector.shape_cast %min3A_2349 : vector<16xi32> to vector<1x1x16xi32>
      tpu.vector_store %arg5[%swap3A_2352, %swap3A_2353, %swap3A_2354], %swap3A_2357 {strides = array<i32>} : memref<2x1x256xi32, #tpu.memory_space<vmem>>, vector<1x1x16xi32>,
      %get3A_2358 = arith.constant 1 : i32
      %get3A_2359 = arith.constant 0 : i32
      %get3A_2360 = arith.index_cast %get3A_2358 : i32 to index
      %get3A_2361 = arith.index_cast %get3A_2359 : i32 to index
      %get3A_2362 = arith.constant 160 : index
      %get3A_2363 = tpu.vector_load %arg5[%get3A_2360, %get3A_2361, %get3A_2362] {strides = array<i32>} : memref<2x1x256xi32, #tpu.memory_space<vmem>>, vector<1x1x16xi32>,
      %get3A_2364 = vector.shape_cast %get3A_2363 : vector<1x1x16xi32> to vector<16xi32>
      %max3A_2365 = arith.constant 0 : i32
      %max3A_2366 = vector.broadcast %max3A_2365 : i32 to vector<16xi32>
      %max3A_2367 = arith.maxsi %get3A_2364, %max3A_2366 : vector<16xi32>
      %min3A_2368 = arith.constant 99999 : i32
      %min3A_2369 = vector.broadcast %min3A_2368 : i32 to vector<16xi32>
      %min3A_2370 = arith.minsi %max3A_2367, %min3A_2369 : vector<16xi32>
      %swap3A_2371 = arith.constant 1 : i32
      %swap3A_2372 = arith.constant 0 : i32
      %swap3A_2373 = arith.index_cast %swap3A_2371 : i32 to index
      %swap3A_2374 = arith.index_cast %swap3A_2372 : i32 to index
      %swap3A_2375 = arith.constant 160 : index
      %swap3A_2376 = tpu.vector_load %arg5[%swap3A_2373, %swap3A_2374, %swap3A_2375] {strides = array<i32>} : memref<2x1x256xi32, #tpu.memory_space<vmem>>, vector<1x1x16xi32>,
      %swap3A_2377 = vector.shape_cast %swap3A_2376 : vector<1x1x16xi32> to vector<16xi32>
      %swap3A_2378 = vector.shape_cast %min3A_2370 : vector<16xi32> to vector<1x1x16xi32>
      tpu.vector_store %arg5[%swap3A_2373, %swap3A_2374, %swap3A_2375], %swap3A_2378 {strides = array<i32>} : memref<2x1x256xi32, #tpu.memory_space<vmem>>, vector<1x1x16xi32>,
      %get3A_2379 = arith.constant 1 : i32
      %get3A_2380 = arith.constant 0 : i32
      %get3A_2381 = arith.index_cast %get3A_2379 : i32 to index
      %get3A_2382 = arith.index_cast %get3A_2380 : i32 to index
      %get3A_2383 = arith.constant 176 : index
      %get3A_2384 = tpu.vector_load %arg5[%get3A_2381, %get3A_2382, %get3A_2383] {strides = array<i32>} : memref<2x1x256xi32, #tpu.memory_space<vmem>>, vector<1x1x16xi32>,
      %get3A_2385 = vector.shape_cast %get3A_2384 : vector<1x1x16xi32> to vector<16xi32>
      %max3A_2386 = arith.constant 0 : i32
      %max3A_2387 = vector.broadcast %max3A_2386 : i32 to vector<16xi32>
      %max3A_2388 = arith.maxsi %get3A_2385, %max3A_2387 : vector<16xi32>
      %min3A_2389 = arith.constant 99999 : i32
      %min3A_2390 = vector.broadcast %min3A_2389 : i32 to vector<16xi32>
      %min3A_2391 = arith.minsi %max3A_2388, %min3A_2390 : vector<16xi32>
      %swap3A_2392 = arith.constant 1 : i32
      %swap3A_2393 = arith.constant 0 : i32
      %swap3A_2394 = arith.index_cast %swap3A_2392 : i32 to index
      %swap3A_2395 = arith.index_cast %swap3A_2393 : i32 to index
      %swap3A_2396 = arith.constant 176 : index
      %swap3A_2397 = tpu.vector_load %arg5[%swap3A_2394, %swap3A_2395, %swap3A_2396] {strides = array<i32>} : memref<2x1x256xi32, #tpu.memory_space<vmem>>, vector<1x1x16xi32>,
      %swap3A_2398 = vector.shape_cast %swap3A_2397 : vector<1x1x16xi32> to vector<16xi32>
      %swap3A_2399 = vector.shape_cast %min3A_2391 : vector<16xi32> to vector<1x1x16xi32>
      tpu.vector_store %arg5[%swap3A_2394, %swap3A_2395, %swap3A_2396], %swap3A_2399 {strides = array<i32>} : memref<2x1x256xi32, #tpu.memory_space<vmem>>, vector<1x1x16xi32>,
      %get3A_2400 = arith.constant 1 : i32
      %get3A_2401 = arith.constant 0 : i32
      %get3A_2402 = arith.index_cast %get3A_2400 : i32 to index
      %get3A_2403 = arith.index_cast %get3A_2401 : i32 to index
      %get3A_2404 = arith.constant 192 : index
      %get3A_2405 = tpu.vector_load %arg5[%get3A_2402, %get3A_2403, %get3A_2404] {strides = array<i32>} : memref<2x1x256xi32, #tpu.memory_space<vmem>>, vector<1x1x16xi32>,
      %get3A_2406 = vector.shape_cast %get3A_2405 : vector<1x1x16xi32> to vector<16xi32>
      %max3A_2407 = arith.constant 0 : i32
      %max3A_2408 = vector.broadcast %max3A_2407 : i32 to vector<16xi32>
      %max3A_2409 = arith.maxsi %get3A_2406, %max3A_2408 : vector<16xi32>
      %min3A_2410 = arith.constant 99999 : i32
      %min3A_2411 = vector.broadcast %min3A_2410 : i32 to vector<16xi32>
      %min3A_2412 = arith.minsi %max3A_2409, %min3A_2411 : vector<16xi32>
      %swap3A_2413 = arith.constant 1 : i32
      %swap3A_2414 = arith.constant 0 : i32
      %swap3A_2415 = arith.index_cast %swap3A_2413 : i32 to index
      %swap3A_2416 = arith.index_cast %swap3A_2414 : i32 to index
      %swap3A_2417 = arith.constant 192 : index
      %swap3A_2418 = tpu.vector_load %arg5[%swap3A_2415, %swap3A_2416, %swap3A_2417] {strides = array<i32>} : memref<2x1x256xi32, #tpu.memory_space<vmem>>, vector<1x1x16xi32>,
      %swap3A_2419 = vector.shape_cast %swap3A_2418 : vector<1x1x16xi32> to vector<16xi32>
      %swap3A_2420 = vector.shape_cast %min3A_2412 : vector<16xi32> to vector<1x1x16xi32>
      tpu.vector_store %arg5[%swap3A_2415, %swap3A_2416, %swap3A_2417], %swap3A_2420 {strides = array<i32>} : memref<2x1x256xi32, #tpu.memory_space<vmem>>, vector<1x1x16xi32>,
      %get3A_2421 = arith.constant 1 : i32
      %get3A_2422 = arith.constant 0 : i32
      %get3A_2423 = arith.index_cast %get3A_2421 : i32 to index
      %get3A_2424 = arith.index_cast %get3A_2422 : i32 to index
      %get3A_2425 = arith.constant 208 : index
      %get3A_2426 = tpu.vector_load %arg5[%get3A_2423, %get3A_2424, %get3A_2425] {strides = array<i32>} : memref<2x1x256xi32, #tpu.memory_space<vmem>>, vector<1x1x16xi32>,
      %get3A_2427 = vector.shape_cast %get3A_2426 : vector<1x1x16xi32> to vector<16xi32>
      %max3A_2428 = arith.constant 0 : i32
      %max3A_2429 = vector.broadcast %max3A_2428 : i32 to vector<16xi32>
      %max3A_2430 = arith.maxsi %get3A_2427, %max3A_2429 : vector<16xi32>
      %min3A_2431 = arith.constant 99999 : i32
      %min3A_2432 = vector.broadcast %min3A_2431 : i32 to vector<16xi32>
      %min3A_2433 = arith.minsi %max3A_2430, %min3A_2432 : vector<16xi32>
      %swap3A_2434 = arith.constant 1 : i32
      %swap3A_2435 = arith.constant 0 : i32
      %swap3A_2436 = arith.index_cast %swap3A_2434 : i32 to index
      %swap3A_2437 = arith.index_cast %swap3A_2435 : i32 to index
      %swap3A_2438 = arith.constant 208 : index
      %swap3A_2439 = tpu.vector_load %arg5[%swap3A_2436, %swap3A_2437, %swap3A_2438] {strides = array<i32>} : memref<2x1x256xi32, #tpu.memory_space<vmem>>, vector<1x1x16xi32>,
      %swap3A_2440 = vector.shape_cast %swap3A_2439 : vector<1x1x16xi32> to vector<16xi32>
      %swap3A_2441 = vector.shape_cast %min3A_2433 : vector<16xi32> to vector<1x1x16xi32>
      tpu.vector_store %arg5[%swap3A_2436, %swap3A_2437, %swap3A_2438], %swap3A_2441 {strides = array<i32>} : memref<2x1x256xi32, #tpu.memory_space<vmem>>, vector<1x1x16xi32>,
      %get3A_2442 = arith.constant 1 : i32
      %get3A_2443 = arith.constant 0 : i32
      %get3A_2444 = arith.index_cast %get3A_2442 : i32 to index
      %get3A_2445 = arith.index_cast %get3A_2443 : i32 to index
      %get3A_2446 = arith.constant 224 : index
      %get3A_2447 = tpu.vector_load %arg5[%get3A_2444, %get3A_2445, %get3A_2446] {strides = array<i32>} : memref<2x1x256xi32, #tpu.memory_space<vmem>>, vector<1x1x16xi32>,
      %get3A_2448 = vector.shape_cast %get3A_2447 : vector<1x1x16xi32> to vector<16xi32>
      %max3A_2449 = arith.constant 0 : i32
      %max3A_2450 = vector.broadcast %max3A_2449 : i32 to vector<16xi32>
      %max3A_2451 = arith.maxsi %get3A_2448, %max3A_2450 : vector<16xi32>
      %min3A_2452 = arith.constant 99999 : i32
      %min3A_2453 = vector.broadcast %min3A_2452 : i32 to vector<16xi32>
      %min3A_2454 = arith.minsi %max3A_2451, %min3A_2453 : vector<16xi32>
      %swap3A_2455 = arith.constant 1 : i32
      %swap3A_2456 = arith.constant 0 : i32
      %swap3A_2457 = arith.index_cast %swap3A_2455 : i32 to index
      %swap3A_2458 = arith.index_cast %swap3A_2456 : i32 to index
      %swap3A_2459 = arith.constant 224 : index
      %swap3A_2460 = tpu.vector_load %arg5[%swap3A_2457, %swap3A_2458, %swap3A_2459] {strides = array<i32>} : memref<2x1x256xi32, #tpu.memory_space<vmem>>, vector<1x1x16xi32>,
      %swap3A_2461 = vector.shape_cast %swap3A_2460 : vector<1x1x16xi32> to vector<16xi32>
      %swap3A_2462 = vector.shape_cast %min3A_2454 : vector<16xi32> to vector<1x1x16xi32>
      tpu.vector_store %arg5[%swap3A_2457, %swap3A_2458, %swap3A_2459], %swap3A_2462 {strides = array<i32>} : memref<2x1x256xi32, #tpu.memory_space<vmem>>, vector<1x1x16xi32>,
      %get3A_2463 = arith.constant 1 : i32
      %get3A_2464 = arith.constant 0 : i32
      %get3A_2465 = arith.index_cast %get3A_2463 : i32 to index
      %get3A_2466 = arith.index_cast %get3A_2464 : i32 to index
      %get3A_2467 = arith.constant 240 : index
      %get3A_2468 = tpu.vector_load %arg5[%get3A_2465, %get3A_2466, %get3A_2467] {strides = array<i32>} : memref<2x1x256xi32, #tpu.memory_space<vmem>>, vector<1x1x16xi32>,
      %get3A_2469 = vector.shape_cast %get3A_2468 : vector<1x1x16xi32> to vector<16xi32>
      %max3A_2470 = arith.constant 0 : i32
      %max3A_2471 = vector.broadcast %max3A_2470 : i32 to vector<16xi32>
      %max3A_2472 = arith.maxsi %get3A_2469, %max3A_2471 : vector<16xi32>
      %min3A_2473 = arith.constant 99999 : i32
      %min3A_2474 = vector.broadcast %min3A_2473 : i32 to vector<16xi32>
      %min3A_2475 = arith.minsi %max3A_2472, %min3A_2474 : vector<16xi32>
      %swap3A_2476 = arith.constant 1 : i32
      %swap3A_2477 = arith.constant 0 : i32
      %swap3A_2478 = arith.index_cast %swap3A_2476 : i32 to index
      %swap3A_2479 = arith.index_cast %swap3A_2477 : i32 to index
      %swap3A_2480 = arith.constant 240 : index
      %swap3A_2481 = tpu.vector_load %arg5[%swap3A_2478, %swap3A_2479, %swap3A_2480] {strides = array<i32>} : memref<2x1x256xi32, #tpu.memory_space<vmem>>, vector<1x1x16xi32>,
      %swap3A_2482 = vector.shape_cast %swap3A_2481 : vector<1x1x16xi32> to vector<16xi32>
      %swap3A_2483 = vector.shape_cast %min3A_2475 : vector<16xi32> to vector<1x1x16xi32>
      tpu.vector_store %arg5[%swap3A_2478, %swap3A_2479, %swap3A_2480], %swap3A_2483 {strides = array<i32>} : memref<2x1x256xi32, #tpu.memory_space<vmem>>, vector<1x1x16xi32>,
      %sub3A_2484 = arith.constant 2 : i32
      %sub3A_2485 = arith.subi %add3A_2133, %sub3A_2484 : i32
      %mul3A_2486 = arith.constant 256 : i32
      %mul3A_2487 = arith.muli %sub3A_2485, %mul3A_2486 : i32
      %add3A_2488 = arith.addi %mul3A_2, %mul3A_2487 : i32
      %dma_wait3A_2489 = arith.constant 1 : i32
      %dma_wait3A_2490 = arith.constant 0 : i32
      %dma_wait3A_2491 = arith.constant 0 : i32
      %dma_wait3A_2492 = tpu.memref_slice %arg6[%dma_wait3A_2489, %dma_wait3A_2490, %dma_wait3A_2491] : memref<2x256x128xf32, #tpu.memory_space<vmem>> -> memref<1x256x128xf32, #tpu.memory_space<vmem>>
      %dma_wait3A_2493 = tpu.memref_squeeze %dma_wait3A_2492 : memref<1x256x128xf32, #tpu.memory_space<vmem>> -> memref<256x128xf32, #tpu.memory_space<vmem>>
      %dma_wait3A_2494 = arith.constant 0 : i32
      %dma_wait3A_2495 = tpu.memref_slice %arg4[%add3A_2488, %dma_wait3A_2494] : memref<3276800x128xf32, #tpu.memory_space<hbm>> -> memref<256x128xf32, #tpu.memory_space<hbm>>
      %dma_wait3A_2496 = arith.constant 0 : i32
      %dma_wait3A_2497 = tpu.memref_slice %arg4[%add3A_2488, %dma_wait3A_2496] : memref<3276800x128xf32, #tpu.memory_space<hbm>> -> memref<256x128xf32, #tpu.memory_space<hbm>>
      %dma_wait3A_2498 = arith.constant 0 : i32
      %dma_wait3A_2499 = arith.constant 0 : i32
      %dma_wait3A_2500 = tpu.memref_slice %arg6[%dma_wait3A_2489, %dma_wait3A_2498, %dma_wait3A_2499] : memref<2x256x128xf32, #tpu.memory_space<vmem>> -> memref<1x256x128xf32, #tpu.memory_space<vmem>>
      %dma_wait3A_2501 = tpu.memref_squeeze %dma_wait3A_2500 : memref<1x256x128xf32, #tpu.memory_space<vmem>> -> memref<256x128xf32, #tpu.memory_space<vmem>>
      tpu.wait_dma2 semaphore(%arg12 : memref<!tpu.dma_semaphore, #tpu.memory_space<semaphore_mem>>) src(%dma_wait3A_2501 : memref<256x128xf32, #tpu.memory_space<vmem>>) dst(%dma_wait3A_2497 : memref<256x128xf32, #tpu.memory_space<hbm>>)
      %dma_start3A_2502 = arith.constant 1 : i32
      %dma_start3A_2503 = arith.constant 0 : i32
      %dma_start3A_2504 = arith.constant 1 : i32
      %dma_start3A_2505 = arith.constant 0 : i32
      %dma_start3A_2506 = arith.constant 0 : i32
      %dma_start3A_2507 = tpu.memref_slice %arg6[%dma_start3A_2504, %dma_start3A_2505, %dma_start3A_2506] : memref<2x256x128xf32, #tpu.memory_space<vmem>> -> memref<1x256x128xf32, #tpu.memory_space<vmem>>
      %dma_start3A_2508 = tpu.memref_squeeze %dma_start3A_2507 : memref<1x256x128xf32, #tpu.memory_space<vmem>> -> memref<256x128xf32, #tpu.memory_space<vmem>>
      %dma_start3A_2509 = arith.constant 0 : i32
      %dma_start3A_2510 = tpu.memref_slice %arg5[%dma_start3A_2502, %dma_start3A_2503, %dma_start3A_2509] : memref<2x1x256xi32, #tpu.memory_space<vmem>> -> memref<1x1x256xi32, #tpu.memory_space<vmem>>
      %dma_start3A_2511 = tpu.memref_squeeze %dma_start3A_2510 : memref<1x1x256xi32, #tpu.memory_space<vmem>> -> memref<256xi32, #tpu.memory_space<vmem>>
      %dma_start3A_2512 = arith.constant 0 : i32
      %dma_start3A_2513 = arith.constant 0 : i32
      %dma_start3A_2514 = tpu.memref_slice %arg3[%dma_start3A_2512, %dma_start3A_2513] : memref<100000x128xf32, #tpu.memory_space<hbm>> -> memref<100000x128xf32, #tpu.memory_space<hbm>>
      tpu.enqueue_indirect_dma source(%dma_start3A_2514 : memref<100000x128xf32, #tpu.memory_space<hbm>>) target(%dma_start3A_2508 : memref<256x128xf32, #tpu.memory_space<vmem>>) offsets(%dma_start3A_2511 : memref<256xi32, #tpu.memory_space<vmem>>) semaphore(%arg10 : memref<!tpu.dma_semaphore, #tpu.memory_space<semaphore_mem>>)
      %dma_wait3A_2515 = arith.constant 0 : i32
      %dma_wait3A_2516 = arith.constant 0 : i32
      %dma_wait3A_2517 = arith.constant 0 : i32
      %dma_wait3A_2518 = tpu.memref_slice %arg6[%dma_wait3A_2515, %dma_wait3A_2516, %dma_wait3A_2517] : memref<2x256x128xf32, #tpu.memory_space<vmem>> -> memref<1x256x128xf32, #tpu.memory_space<vmem>>
      %dma_wait3A_2519 = tpu.memref_squeeze %dma_wait3A_2518 : memref<1x256x128xf32, #tpu.memory_space<vmem>> -> memref<256x128xf32, #tpu.memory_space<vmem>>
      %dma_wait3A_2520 = arith.constant 0 : i32
      %dma_wait3A_2521 = arith.constant 0 : i32
      %dma_wait3A_2522 = tpu.memref_slice %arg3[%dma_wait3A_2520, %dma_wait3A_2521] : memref<100000x128xf32, #tpu.memory_space<hbm>> -> memref<256x128xf32, #tpu.memory_space<hbm>>
      %dma_wait3A_2523 = arith.constant 0 : i32
      %dma_wait3A_2524 = arith.constant 0 : i32
      %dma_wait3A_2525 = tpu.memref_slice %arg6[%dma_wait3A_2515, %dma_wait3A_2523, %dma_wait3A_2524] : memref<2x256x128xf32, #tpu.memory_space<vmem>> -> memref<1x256x128xf32, #tpu.memory_space<vmem>>
      %dma_wait3A_2526 = tpu.memref_squeeze %dma_wait3A_2525 : memref<1x256x128xf32, #tpu.memory_space<vmem>> -> memref<256x128xf32, #tpu.memory_space<vmem>>
      %dma_wait3A_2527 = arith.constant 0 : i32
      %dma_wait3A_2528 = arith.constant 0 : i32
      %dma_wait3A_2529 = tpu.memref_slice %arg3[%dma_wait3A_2527, %dma_wait3A_2528] : memref<100000x128xf32, #tpu.memory_space<hbm>> -> memref<256x128xf32, #tpu.memory_space<hbm>>
      tpu.wait_dma2 semaphore(%arg9 : memref<!tpu.dma_semaphore, #tpu.memory_space<semaphore_mem>>) src(%dma_wait3A_2529 : memref<256x128xf32, #tpu.memory_space<hbm>>) dst(%dma_wait3A_2526 : memref<256x128xf32, #tpu.memory_space<vmem>>)
      %sub3A_2530 = arith.constant 1 : i32
      %sub3A_2531 = arith.subi %add3A_2133, %sub3A_2530 : i32
      %mul3A_2532 = arith.constant 256 : i32
      %mul3A_2533 = arith.muli %sub3A_2531, %mul3A_2532 : i32
      %add3A_2534 = arith.addi %mul3A_2, %mul3A_2533 : i32
      %dma_start3A_2535 = arith.constant 0 : i32
      %dma_start3A_2536 = arith.constant 0 : i32
      %dma_start3A_2537 = arith.constant 0 : i32
      %dma_start3A_2538 = tpu.memref_slice %arg6[%dma_start3A_2535, %dma_start3A_2536, %dma_start3A_2537] : memref<2x256x128xf32, #tpu.memory_space<vmem>> -> memref<1x256x128xf32, #tpu.memory_space<vmem>>
      %dma_start3A_2539 = tpu.memref_squeeze %dma_start3A_2538 : memref<1x256x128xf32, #tpu.memory_space<vmem>> -> memref<256x128xf32, #tpu.memory_space<vmem>>
      %dma_start3A_2540 = arith.constant 0 : i32
      %dma_start3A_2541 = tpu.memref_slice %arg4[%add3A_2534, %dma_start3A_2540] : memref<3276800x128xf32, #tpu.memory_space<hbm>> -> memref<256x128xf32, #tpu.memory_space<hbm>>
      %dma_start3A_2542 = arith.constant 0 : i32
      %dma_start3A_2543 = tpu.memref_slice %arg4[%add3A_2534, %dma_start3A_2542] : memref<3276800x128xf32, #tpu.memory_space<hbm>> -> memref<256x128xf32, #tpu.memory_space<hbm>>
      %dma_start3A_2544 = arith.constant 0 : i32
      %dma_start3A_2545 = arith.constant 0 : i32
      %dma_start3A_2546 = tpu.memref_slice %arg6[%dma_start3A_2535, %dma_start3A_2544, %dma_start3A_2545] : memref<2x256x128xf32, #tpu.memory_space<vmem>> -> memref<1x256x128xf32, #tpu.memory_space<vmem>>
      %dma_start3A_2547 = tpu.memref_squeeze %dma_start3A_2546 : memref<1x256x128xf32, #tpu.memory_space<vmem>> -> memref<256x128xf32, #tpu.memory_space<vmem>>
      tpu.enqueue_dma source(%dma_start3A_2547 : memref<256x128xf32, #tpu.memory_space<vmem>>) target(%dma_start3A_2543 : memref<256x128xf32, #tpu.memory_space<hbm>>) target_semaphore(%arg11 : memref<!tpu.dma_semaphore, #tpu.memory_space<semaphore_mem>>)
      %add3A_2548 = arith.constant 1 : i32
      %add3A_2549 = arith.addi %add3A_2133, %add3A_2548 : i32
      %add3A_2550 = arith.addi %mul3A_4, %add3A_2549 : i32
      %dma_start3A_2551 = arith.constant 0 : i32
      %dma_start3A_2552 = arith.constant 0 : i32
      %dma_start3A_2553 = arith.constant 0 : i32
      %dma_start3A_2554 = tpu.memref_slice %arg5[%dma_start3A_2551, %dma_start3A_2552, %dma_start3A_2553] : memref<2x1x256xi32, #tpu.memory_space<vmem>> -> memref<1x1x256xi32, #tpu.memory_space<vmem>>
      %dma_start3A_2555 = tpu.memref_squeeze %dma_start3A_2554 : memref<1x1x256xi32, #tpu.memory_space<vmem>> -> memref<1x256xi32, #tpu.memory_space<vmem>>
      %dma_start3A_2556 = arith.constant 0 : i32
      %dma_start3A_2557 = tpu.memref_slice %arg2[%add3A_2550, %dma_start3A_2556] : memref<12800x256xi32, #tpu.memory_space<hbm>> -> memref<1x256xi32, #tpu.memory_space<hbm>>
      %dma_start3A_2558 = arith.constant 0 : i32
      %dma_start3A_2559 = arith.constant 0 : i32
      %dma_start3A_2560 = tpu.memref_slice %arg5[%dma_start3A_2551, %dma_start3A_2558, %dma_start3A_2559] : memref<2x1x256xi32, #tpu.memory_space<vmem>> -> memref<1x1x256xi32, #tpu.memory_space<vmem>>
      %dma_start3A_2561 = tpu.memref_squeeze %dma_start3A_2560 : memref<1x1x256xi32, #tpu.memory_space<vmem>> -> memref<1x256xi32, #tpu.memory_space<vmem>>
      %dma_start3A_2562 = arith.constant 0 : i32
      %dma_start3A_2563 = tpu.memref_slice %arg2[%add3A_2550, %dma_start3A_2562] : memref<12800x256xi32, #tpu.memory_space<hbm>> -> memref<1x256xi32, #tpu.memory_space<hbm>>
      tpu.enqueue_dma source(%dma_start3A_2563 : memref<1x256xi32, #tpu.memory_space<hbm>>) target(%dma_start3A_2561 : memref<1x256xi32, #tpu.memory_space<vmem>>) target_semaphore(%arg7 : memref<!tpu.dma_semaphore, #tpu.memory_space<semaphore_mem>>)
    }
    %scan3A_806 = arith.constant 198 : i32
    %add3A_807 = arith.constant 398 : i32
    %add3A_808 = arith.addi %mul3A_4, %add3A_807 : i32
    %dma_wait3A_809 = arith.constant 0 : i32
    %dma_wait3A_810 = arith.constant 0 : i32
    %dma_wait3A_811 = arith.constant 0 : i32
    %dma_wait3A_812 = tpu.memref_slice %arg5[%dma_wait3A_809, %dma_wait3A_810, %dma_wait3A_811] : memref<2x1x256xi32, #tpu.memory_space<vmem>> -> memref<1x1x256xi32, #tpu.memory_space<vmem>>
    %dma_wait3A_813 = tpu.memref_squeeze %dma_wait3A_812 : memref<1x1x256xi32, #tpu.memory_space<vmem>> -> memref<1x256xi32, #tpu.memory_space<vmem>>
    %dma_wait3A_814 = arith.constant 0 : i32
    %dma_wait3A_815 = tpu.memref_slice %arg2[%add3A_808, %dma_wait3A_814] : memref<12800x256xi32, #tpu.memory_space<hbm>> -> memref<1x256xi32, #tpu.memory_space<hbm>>
    %dma_wait3A_816 = arith.constant 0 : i32
    %dma_wait3A_817 = arith.constant 0 : i32
    %dma_wait3A_818 = tpu.memref_slice %arg5[%dma_wait3A_809, %dma_wait3A_816, %dma_wait3A_817] : memref<2x1x256xi32, #tpu.memory_space<vmem>> -> memref<1x1x256xi32, #tpu.memory_space<vmem>>
    %dma_wait3A_819 = tpu.memref_squeeze %dma_wait3A_818 : memref<1x1x256xi32, #tpu.memory_space<vmem>> -> memref<1x256xi32, #tpu.memory_space<vmem>>
    %dma_wait3A_820 = arith.constant 0 : i32
    %dma_wait3A_821 = tpu.memref_slice %arg2[%add3A_808, %dma_wait3A_820] : memref<12800x256xi32, #tpu.memory_space<hbm>> -> memref<1x256xi32, #tpu.memory_space<hbm>>
    tpu.wait_dma2 semaphore(%arg7 : memref<!tpu.dma_semaphore, #tpu.memory_space<semaphore_mem>>) src(%dma_wait3A_821 : memref<1x256xi32, #tpu.memory_space<hbm>>) dst(%dma_wait3A_819 : memref<1x256xi32, #tpu.memory_space<vmem>>)
    %get3A_822 = arith.constant 0 : i32
    %get3A_823 = arith.constant 0 : i32
    %get3A_824 = arith.index_cast %get3A_822 : i32 to index
    %get3A_825 = arith.index_cast %get3A_823 : i32 to index
    %get3A_826 = arith.constant 0 : index
    %get3A_827 = tpu.vector_load %arg5[%get3A_824, %get3A_825, %get3A_826] {strides = array<i32>} : memref<2x1x256xi32, #tpu.memory_space<vmem>>, vector<1x1x16xi32>,
    %get3A_828 = vector.shape_cast %get3A_827 : vector<1x1x16xi32> to vector<16xi32>
    %max3A_829 = arith.constant 0 : i32
    %max3A_830 = vector.broadcast %max3A_829 : i32 to vector<16xi32>
    %max3A_831 = arith.maxsi %get3A_828, %max3A_830 : vector<16xi32>
    %min3A_832 = arith.constant 99999 : i32
    %min3A_833 = vector.broadcast %min3A_832 : i32 to vector<16xi32>
    %min3A_834 = arith.minsi %max3A_831, %min3A_833 : vector<16xi32>
    %swap3A_835 = arith.constant 0 : i32
    %swap3A_836 = arith.constant 0 : i32
    %swap3A_837 = arith.index_cast %swap3A_835 : i32 to index
    %swap3A_838 = arith.index_cast %swap3A_836 : i32 to index
    %swap3A_839 = arith.constant 0 : index
    %swap3A_840 = tpu.vector_load %arg5[%swap3A_837, %swap3A_838, %swap3A_839] {strides = array<i32>} : memref<2x1x256xi32, #tpu.memory_space<vmem>>, vector<1x1x16xi32>,
    %swap3A_841 = vector.shape_cast %swap3A_840 : vector<1x1x16xi32> to vector<16xi32>
    %swap3A_842 = vector.shape_cast %min3A_834 : vector<16xi32> to vector<1x1x16xi32>
    tpu.vector_store %arg5[%swap3A_837, %swap3A_838, %swap3A_839], %swap3A_842 {strides = array<i32>} : memref<2x1x256xi32, #tpu.memory_space<vmem>>, vector<1x1x16xi32>,
    %get3A_843 = arith.constant 0 : i32
    %get3A_844 = arith.constant 0 : i32
    %get3A_845 = arith.index_cast %get3A_843 : i32 to index
    %get3A_846 = arith.index_cast %get3A_844 : i32 to index
    %get3A_847 = arith.constant 16 : index
    %get3A_848 = tpu.vector_load %arg5[%get3A_845, %get3A_846, %get3A_847] {strides = array<i32>} : memref<2x1x256xi32, #tpu.memory_space<vmem>>, vector<1x1x16xi32>,
    %get3A_849 = vector.shape_cast %get3A_848 : vector<1x1x16xi32> to vector<16xi32>
    %max3A_850 = arith.constant 0 : i32
    %max3A_851 = vector.broadcast %max3A_850 : i32 to vector<16xi32>
    %max3A_852 = arith.maxsi %get3A_849, %max3A_851 : vector<16xi32>
    %min3A_853 = arith.constant 99999 : i32
    %min3A_854 = vector.broadcast %min3A_853 : i32 to vector<16xi32>
    %min3A_855 = arith.minsi %max3A_852, %min3A_854 : vector<16xi32>
    %swap3A_856 = arith.constant 0 : i32
    %swap3A_857 = arith.constant 0 : i32
    %swap3A_858 = arith.index_cast %swap3A_856 : i32 to index
    %swap3A_859 = arith.index_cast %swap3A_857 : i32 to index
    %swap3A_860 = arith.constant 16 : index
    %swap3A_861 = tpu.vector_load %arg5[%swap3A_858, %swap3A_859, %swap3A_860] {strides = array<i32>} : memref<2x1x256xi32, #tpu.memory_space<vmem>>, vector<1x1x16xi32>,
    %swap3A_862 = vector.shape_cast %swap3A_861 : vector<1x1x16xi32> to vector<16xi32>
    %swap3A_863 = vector.shape_cast %min3A_855 : vector<16xi32> to vector<1x1x16xi32>
    tpu.vector_store %arg5[%swap3A_858, %swap3A_859, %swap3A_860], %swap3A_863 {strides = array<i32>} : memref<2x1x256xi32, #tpu.memory_space<vmem>>, vector<1x1x16xi32>,
    %get3A_864 = arith.constant 0 : i32
    %get3A_865 = arith.constant 0 : i32
    %get3A_866 = arith.index_cast %get3A_864 : i32 to index
    %get3A_867 = arith.index_cast %get3A_865 : i32 to index
    %get3A_868 = arith.constant 32 : index
    %get3A_869 = tpu.vector_load %arg5[%get3A_866, %get3A_867, %get3A_868] {strides = array<i32>} : memref<2x1x256xi32, #tpu.memory_space<vmem>>, vector<1x1x16xi32>,
    %get3A_870 = vector.shape_cast %get3A_869 : vector<1x1x16xi32> to vector<16xi32>
    %max3A_871 = arith.constant 0 : i32
    %max3A_872 = vector.broadcast %max3A_871 : i32 to vector<16xi32>
    %max3A_873 = arith.maxsi %get3A_870, %max3A_872 : vector<16xi32>
    %min3A_874 = arith.constant 99999 : i32
    %min3A_875 = vector.broadcast %min3A_874 : i32 to vector<16xi32>
    %min3A_876 = arith.minsi %max3A_873, %min3A_875 : vector<16xi32>
    %swap3A_877 = arith.constant 0 : i32
    %swap3A_878 = arith.constant 0 : i32
    %swap3A_879 = arith.index_cast %swap3A_877 : i32 to index
    %swap3A_880 = arith.index_cast %swap3A_878 : i32 to index
    %swap3A_881 = arith.constant 32 : index
    %swap3A_882 = tpu.vector_load %arg5[%swap3A_879, %swap3A_880, %swap3A_881] {strides = array<i32>} : memref<2x1x256xi32, #tpu.memory_space<vmem>>, vector<1x1x16xi32>,
    %swap3A_883 = vector.shape_cast %swap3A_882 : vector<1x1x16xi32> to vector<16xi32>
    %swap3A_884 = vector.shape_cast %min3A_876 : vector<16xi32> to vector<1x1x16xi32>
    tpu.vector_store %arg5[%swap3A_879, %swap3A_880, %swap3A_881], %swap3A_884 {strides = array<i32>} : memref<2x1x256xi32, #tpu.memory_space<vmem>>, vector<1x1x16xi32>,
    %get3A_885 = arith.constant 0 : i32
    %get3A_886 = arith.constant 0 : i32
    %get3A_887 = arith.index_cast %get3A_885 : i32 to index
    %get3A_888 = arith.index_cast %get3A_886 : i32 to index
    %get3A_889 = arith.constant 48 : index
    %get3A_890 = tpu.vector_load %arg5[%get3A_887, %get3A_888, %get3A_889] {strides = array<i32>} : memref<2x1x256xi32, #tpu.memory_space<vmem>>, vector<1x1x16xi32>,
    %get3A_891 = vector.shape_cast %get3A_890 : vector<1x1x16xi32> to vector<16xi32>
    %max3A_892 = arith.constant 0 : i32
    %max3A_893 = vector.broadcast %max3A_892 : i32 to vector<16xi32>
    %max3A_894 = arith.maxsi %get3A_891, %max3A_893 : vector<16xi32>
    %min3A_895 = arith.constant 99999 : i32
    %min3A_896 = vector.broadcast %min3A_895 : i32 to vector<16xi32>
    %min3A_897 = arith.minsi %max3A_894, %min3A_896 : vector<16xi32>
    %swap3A_898 = arith.constant 0 : i32
    %swap3A_899 = arith.constant 0 : i32
    %swap3A_900 = arith.index_cast %swap3A_898 : i32 to index
    %swap3A_901 = arith.index_cast %swap3A_899 : i32 to index
    %swap3A_902 = arith.constant 48 : index
    %swap3A_903 = tpu.vector_load %arg5[%swap3A_900, %swap3A_901, %swap3A_902] {strides = array<i32>} : memref<2x1x256xi32, #tpu.memory_space<vmem>>, vector<1x1x16xi32>,
    %swap3A_904 = vector.shape_cast %swap3A_903 : vector<1x1x16xi32> to vector<16xi32>
    %swap3A_905 = vector.shape_cast %min3A_897 : vector<16xi32> to vector<1x1x16xi32>
    tpu.vector_store %arg5[%swap3A_900, %swap3A_901, %swap3A_902], %swap3A_905 {strides = array<i32>} : memref<2x1x256xi32, #tpu.memory_space<vmem>>, vector<1x1x16xi32>,
    %get3A_906 = arith.constant 0 : i32
    %get3A_907 = arith.constant 0 : i32
    %get3A_908 = arith.index_cast %get3A_906 : i32 to index
    %get3A_909 = arith.index_cast %get3A_907 : i32 to index
    %get3A_910 = arith.constant 64 : index
    %get3A_911 = tpu.vector_load %arg5[%get3A_908, %get3A_909, %get3A_910] {strides = array<i32>} : memref<2x1x256xi32, #tpu.memory_space<vmem>>, vector<1x1x16xi32>,
    %get3A_912 = vector.shape_cast %get3A_911 : vector<1x1x16xi32> to vector<16xi32>
    %max3A_913 = arith.constant 0 : i32
    %max3A_914 = vector.broadcast %max3A_913 : i32 to vector<16xi32>
    %max3A_915 = arith.maxsi %get3A_912, %max3A_914 : vector<16xi32>
    %min3A_916 = arith.constant 99999 : i32
    %min3A_917 = vector.broadcast %min3A_916 : i32 to vector<16xi32>
    %min3A_918 = arith.minsi %max3A_915, %min3A_917 : vector<16xi32>
    %swap3A_919 = arith.constant 0 : i32
    %swap3A_920 = arith.constant 0 : i32
    %swap3A_921 = arith.index_cast %swap3A_919 : i32 to index
    %swap3A_922 = arith.index_cast %swap3A_920 : i32 to index
    %swap3A_923 = arith.constant 64 : index
    %swap3A_924 = tpu.vector_load %arg5[%swap3A_921, %swap3A_922, %swap3A_923] {strides = array<i32>} : memref<2x1x256xi32, #tpu.memory_space<vmem>>, vector<1x1x16xi32>,
    %swap3A_925 = vector.shape_cast %swap3A_924 : vector<1x1x16xi32> to vector<16xi32>
    %swap3A_926 = vector.shape_cast %min3A_918 : vector<16xi32> to vector<1x1x16xi32>
    tpu.vector_store %arg5[%swap3A_921, %swap3A_922, %swap3A_923], %swap3A_926 {strides = array<i32>} : memref<2x1x256xi32, #tpu.memory_space<vmem>>, vector<1x1x16xi32>,
    %get3A_927 = arith.constant 0 : i32
    %get3A_928 = arith.constant 0 : i32
    %get3A_929 = arith.index_cast %get3A_927 : i32 to index
    %get3A_930 = arith.index_cast %get3A_928 : i32 to index
    %get3A_931 = arith.constant 80 : index
    %get3A_932 = tpu.vector_load %arg5[%get3A_929, %get3A_930, %get3A_931] {strides = array<i32>} : memref<2x1x256xi32, #tpu.memory_space<vmem>>, vector<1x1x16xi32>,
    %get3A_933 = vector.shape_cast %get3A_932 : vector<1x1x16xi32> to vector<16xi32>
    %max3A_934 = arith.constant 0 : i32
    %max3A_935 = vector.broadcast %max3A_934 : i32 to vector<16xi32>
    %max3A_936 = arith.maxsi %get3A_933, %max3A_935 : vector<16xi32>
    %min3A_937 = arith.constant 99999 : i32
    %min3A_938 = vector.broadcast %min3A_937 : i32 to vector<16xi32>
    %min3A_939 = arith.minsi %max3A_936, %min3A_938 : vector<16xi32>
    %swap3A_940 = arith.constant 0 : i32
    %swap3A_941 = arith.constant 0 : i32
    %swap3A_942 = arith.index_cast %swap3A_940 : i32 to index
    %swap3A_943 = arith.index_cast %swap3A_941 : i32 to index
    %swap3A_944 = arith.constant 80 : index
    %swap3A_945 = tpu.vector_load %arg5[%swap3A_942, %swap3A_943, %swap3A_944] {strides = array<i32>} : memref<2x1x256xi32, #tpu.memory_space<vmem>>, vector<1x1x16xi32>,
    %swap3A_946 = vector.shape_cast %swap3A_945 : vector<1x1x16xi32> to vector<16xi32>
    %swap3A_947 = vector.shape_cast %min3A_939 : vector<16xi32> to vector<1x1x16xi32>
    tpu.vector_store %arg5[%swap3A_942, %swap3A_943, %swap3A_944], %swap3A_947 {strides = array<i32>} : memref<2x1x256xi32, #tpu.memory_space<vmem>>, vector<1x1x16xi32>,
    %get3A_948 = arith.constant 0 : i32
    %get3A_949 = arith.constant 0 : i32
    %get3A_950 = arith.index_cast %get3A_948 : i32 to index
    %get3A_951 = arith.index_cast %get3A_949 : i32 to index
    %get3A_952 = arith.constant 96 : index
    %get3A_953 = tpu.vector_load %arg5[%get3A_950, %get3A_951, %get3A_952] {strides = array<i32>} : memref<2x1x256xi32, #tpu.memory_space<vmem>>, vector<1x1x16xi32>,
    %get3A_954 = vector.shape_cast %get3A_953 : vector<1x1x16xi32> to vector<16xi32>
    %max3A_955 = arith.constant 0 : i32
    %max3A_956 = vector.broadcast %max3A_955 : i32 to vector<16xi32>
    %max3A_957 = arith.maxsi %get3A_954, %max3A_956 : vector<16xi32>
    %min3A_958 = arith.constant 99999 : i32
    %min3A_959 = vector.broadcast %min3A_958 : i32 to vector<16xi32>
    %min3A_960 = arith.minsi %max3A_957, %min3A_959 : vector<16xi32>
    %swap3A_961 = arith.constant 0 : i32
    %swap3A_962 = arith.constant 0 : i32
    %swap3A_963 = arith.index_cast %swap3A_961 : i32 to index
    %swap3A_964 = arith.index_cast %swap3A_962 : i32 to index
    %swap3A_965 = arith.constant 96 : index
    %swap3A_966 = tpu.vector_load %arg5[%swap3A_963, %swap3A_964, %swap3A_965] {strides = array<i32>} : memref<2x1x256xi32, #tpu.memory_space<vmem>>, vector<1x1x16xi32>,
    %swap3A_967 = vector.shape_cast %swap3A_966 : vector<1x1x16xi32> to vector<16xi32>
    %swap3A_968 = vector.shape_cast %min3A_960 : vector<16xi32> to vector<1x1x16xi32>
    tpu.vector_store %arg5[%swap3A_963, %swap3A_964, %swap3A_965], %swap3A_968 {strides = array<i32>} : memref<2x1x256xi32, #tpu.memory_space<vmem>>, vector<1x1x16xi32>,
    %get3A_969 = arith.constant 0 : i32
    %get3A_970 = arith.constant 0 : i32
    %get3A_971 = arith.index_cast %get3A_969 : i32 to index
    %get3A_972 = arith.index_cast %get3A_970 : i32 to index
    %get3A_973 = arith.constant 112 : index
    %get3A_974 = tpu.vector_load %arg5[%get3A_971, %get3A_972, %get3A_973] {strides = array<i32>} : memref<2x1x256xi32, #tpu.memory_space<vmem>>, vector<1x1x16xi32>,
    %get3A_975 = vector.shape_cast %get3A_974 : vector<1x1x16xi32> to vector<16xi32>
    %max3A_976 = arith.constant 0 : i32
    %max3A_977 = vector.broadcast %max3A_976 : i32 to vector<16xi32>
    %max3A_978 = arith.maxsi %get3A_975, %max3A_977 : vector<16xi32>
    %min3A_979 = arith.constant 99999 : i32
    %min3A_980 = vector.broadcast %min3A_979 : i32 to vector<16xi32>
    %min3A_981 = arith.minsi %max3A_978, %min3A_980 : vector<16xi32>
    %swap3A_982 = arith.constant 0 : i32
    %swap3A_983 = arith.constant 0 : i32
    %swap3A_984 = arith.index_cast %swap3A_982 : i32 to index
    %swap3A_985 = arith.index_cast %swap3A_983 : i32 to index
    %swap3A_986 = arith.constant 112 : index
    %swap3A_987 = tpu.vector_load %arg5[%swap3A_984, %swap3A_985, %swap3A_986] {strides = array<i32>} : memref<2x1x256xi32, #tpu.memory_space<vmem>>, vector<1x1x16xi32>,
    %swap3A_988 = vector.shape_cast %swap3A_987 : vector<1x1x16xi32> to vector<16xi32>
    %swap3A_989 = vector.shape_cast %min3A_981 : vector<16xi32> to vector<1x1x16xi32>
    tpu.vector_store %arg5[%swap3A_984, %swap3A_985, %swap3A_986], %swap3A_989 {strides = array<i32>} : memref<2x1x256xi32, #tpu.memory_space<vmem>>, vector<1x1x16xi32>,
    %get3A_990 = arith.constant 0 : i32
    %get3A_991 = arith.constant 0 : i32
    %get3A_992 = arith.index_cast %get3A_990 : i32 to index
    %get3A_993 = arith.index_cast %get3A_991 : i32 to index
    %get3A_994 = arith.constant 128 : index
    %get3A_995 = tpu.vector_load %arg5[%get3A_992, %get3A_993, %get3A_994] {strides = array<i32>} : memref<2x1x256xi32, #tpu.memory_space<vmem>>, vector<1x1x16xi32>,
    %get3A_996 = vector.shape_cast %get3A_995 : vector<1x1x16xi32> to vector<16xi32>
    %max3A_997 = arith.constant 0 : i32
    %max3A_998 = vector.broadcast %max3A_997 : i32 to vector<16xi32>
    %max3A_999 = arith.maxsi %get3A_996, %max3A_998 : vector<16xi32>
    %min3A_1000 = arith.constant 99999 : i32
    %min3A_1001 = vector.broadcast %min3A_1000 : i32 to vector<16xi32>
    %min3A_1002 = arith.minsi %max3A_999, %min3A_1001 : vector<16xi32>
    %swap3A_1003 = arith.constant 0 : i32
    %swap3A_1004 = arith.constant 0 : i32
    %swap3A_1005 = arith.index_cast %swap3A_1003 : i32 to index
    %swap3A_1006 = arith.index_cast %swap3A_1004 : i32 to index
    %swap3A_1007 = arith.constant 128 : index
    %swap3A_1008 = tpu.vector_load %arg5[%swap3A_1005, %swap3A_1006, %swap3A_1007] {strides = array<i32>} : memref<2x1x256xi32, #tpu.memory_space<vmem>>, vector<1x1x16xi32>,
    %swap3A_1009 = vector.shape_cast %swap3A_1008 : vector<1x1x16xi32> to vector<16xi32>
    %swap3A_1010 = vector.shape_cast %min3A_1002 : vector<16xi32> to vector<1x1x16xi32>
    tpu.vector_store %arg5[%swap3A_1005, %swap3A_1006, %swap3A_1007], %swap3A_1010 {strides = array<i32>} : memref<2x1x256xi32, #tpu.memory_space<vmem>>, vector<1x1x16xi32>,
    %get3A_1011 = arith.constant 0 : i32
    %get3A_1012 = arith.constant 0 : i32
    %get3A_1013 = arith.index_cast %get3A_1011 : i32 to index
    %get3A_1014 = arith.index_cast %get3A_1012 : i32 to index
    %get3A_1015 = arith.constant 144 : index
    %get3A_1016 = tpu.vector_load %arg5[%get3A_1013, %get3A_1014, %get3A_1015] {strides = array<i32>} : memref<2x1x256xi32, #tpu.memory_space<vmem>>, vector<1x1x16xi32>,
    %get3A_1017 = vector.shape_cast %get3A_1016 : vector<1x1x16xi32> to vector<16xi32>
    %max3A_1018 = arith.constant 0 : i32
    %max3A_1019 = vector.broadcast %max3A_1018 : i32 to vector<16xi32>
    %max3A_1020 = arith.maxsi %get3A_1017, %max3A_1019 : vector<16xi32>
    %min3A_1021 = arith.constant 99999 : i32
    %min3A_1022 = vector.broadcast %min3A_1021 : i32 to vector<16xi32>
    %min3A_1023 = arith.minsi %max3A_1020, %min3A_1022 : vector<16xi32>
    %swap3A_1024 = arith.constant 0 : i32
    %swap3A_1025 = arith.constant 0 : i32
    %swap3A_1026 = arith.index_cast %swap3A_1024 : i32 to index
    %swap3A_1027 = arith.index_cast %swap3A_1025 : i32 to index
    %swap3A_1028 = arith.constant 144 : index
    %swap3A_1029 = tpu.vector_load %arg5[%swap3A_1026, %swap3A_1027, %swap3A_1028] {strides = array<i32>} : memref<2x1x256xi32, #tpu.memory_space<vmem>>, vector<1x1x16xi32>,
    %swap3A_1030 = vector.shape_cast %swap3A_1029 : vector<1x1x16xi32> to vector<16xi32>
    %swap3A_1031 = vector.shape_cast %min3A_1023 : vector<16xi32> to vector<1x1x16xi32>
    tpu.vector_store %arg5[%swap3A_1026, %swap3A_1027, %swap3A_1028], %swap3A_1031 {strides = array<i32>} : memref<2x1x256xi32, #tpu.memory_space<vmem>>, vector<1x1x16xi32>,
    %get3A_1032 = arith.constant 0 : i32
    %get3A_1033 = arith.constant 0 : i32
    %get3A_1034 = arith.index_cast %get3A_1032 : i32 to index
    %get3A_1035 = arith.index_cast %get3A_1033 : i32 to index
    %get3A_1036 = arith.constant 160 : index
    %get3A_1037 = tpu.vector_load %arg5[%get3A_1034, %get3A_1035, %get3A_1036] {strides = array<i32>} : memref<2x1x256xi32, #tpu.memory_space<vmem>>, vector<1x1x16xi32>,
    %get3A_1038 = vector.shape_cast %get3A_1037 : vector<1x1x16xi32> to vector<16xi32>
    %max3A_1039 = arith.constant 0 : i32
    %max3A_1040 = vector.broadcast %max3A_1039 : i32 to vector<16xi32>
    %max3A_1041 = arith.maxsi %get3A_1038, %max3A_1040 : vector<16xi32>
    %min3A_1042 = arith.constant 99999 : i32
    %min3A_1043 = vector.broadcast %min3A_1042 : i32 to vector<16xi32>
    %min3A_1044 = arith.minsi %max3A_1041, %min3A_1043 : vector<16xi32>
    %swap3A_1045 = arith.constant 0 : i32
    %swap3A_1046 = arith.constant 0 : i32
    %swap3A_1047 = arith.index_cast %swap3A_1045 : i32 to index
    %swap3A_1048 = arith.index_cast %swap3A_1046 : i32 to index
    %swap3A_1049 = arith.constant 160 : index
    %swap3A_1050 = tpu.vector_load %arg5[%swap3A_1047, %swap3A_1048, %swap3A_1049] {strides = array<i32>} : memref<2x1x256xi32, #tpu.memory_space<vmem>>, vector<1x1x16xi32>,
    %swap3A_1051 = vector.shape_cast %swap3A_1050 : vector<1x1x16xi32> to vector<16xi32>
    %swap3A_1052 = vector.shape_cast %min3A_1044 : vector<16xi32> to vector<1x1x16xi32>
    tpu.vector_store %arg5[%swap3A_1047, %swap3A_1048, %swap3A_1049], %swap3A_1052 {strides = array<i32>} : memref<2x1x256xi32, #tpu.memory_space<vmem>>, vector<1x1x16xi32>,
    %get3A_1053 = arith.constant 0 : i32
    %get3A_1054 = arith.constant 0 : i32
    %get3A_1055 = arith.index_cast %get3A_1053 : i32 to index
    %get3A_1056 = arith.index_cast %get3A_1054 : i32 to index
    %get3A_1057 = arith.constant 176 : index
    %get3A_1058 = tpu.vector_load %arg5[%get3A_1055, %get3A_1056, %get3A_1057] {strides = array<i32>} : memref<2x1x256xi32, #tpu.memory_space<vmem>>, vector<1x1x16xi32>,
    %get3A_1059 = vector.shape_cast %get3A_1058 : vector<1x1x16xi32> to vector<16xi32>
    %max3A_1060 = arith.constant 0 : i32
    %max3A_1061 = vector.broadcast %max3A_1060 : i32 to vector<16xi32>
    %max3A_1062 = arith.maxsi %get3A_1059, %max3A_1061 : vector<16xi32>
    %min3A_1063 = arith.constant 99999 : i32
    %min3A_1064 = vector.broadcast %min3A_1063 : i32 to vector<16xi32>
    %min3A_1065 = arith.minsi %max3A_1062, %min3A_1064 : vector<16xi32>
    %swap3A_1066 = arith.constant 0 : i32
    %swap3A_1067 = arith.constant 0 : i32
    %swap3A_1068 = arith.index_cast %swap3A_1066 : i32 to index
    %swap3A_1069 = arith.index_cast %swap3A_1067 : i32 to index
    %swap3A_1070 = arith.constant 176 : index
    %swap3A_1071 = tpu.vector_load %arg5[%swap3A_1068, %swap3A_1069, %swap3A_1070] {strides = array<i32>} : memref<2x1x256xi32, #tpu.memory_space<vmem>>, vector<1x1x16xi32>,
    %swap3A_1072 = vector.shape_cast %swap3A_1071 : vector<1x1x16xi32> to vector<16xi32>
    %swap3A_1073 = vector.shape_cast %min3A_1065 : vector<16xi32> to vector<1x1x16xi32>
    tpu.vector_store %arg5[%swap3A_1068, %swap3A_1069, %swap3A_1070], %swap3A_1073 {strides = array<i32>} : memref<2x1x256xi32, #tpu.memory_space<vmem>>, vector<1x1x16xi32>,
    %get3A_1074 = arith.constant 0 : i32
    %get3A_1075 = arith.constant 0 : i32
    %get3A_1076 = arith.index_cast %get3A_1074 : i32 to index
    %get3A_1077 = arith.index_cast %get3A_1075 : i32 to index
    %get3A_1078 = arith.constant 192 : index
    %get3A_1079 = tpu.vector_load %arg5[%get3A_1076, %get3A_1077, %get3A_1078] {strides = array<i32>} : memref<2x1x256xi32, #tpu.memory_space<vmem>>, vector<1x1x16xi32>,
    %get3A_1080 = vector.shape_cast %get3A_1079 : vector<1x1x16xi32> to vector<16xi32>
    %max3A_1081 = arith.constant 0 : i32
    %max3A_1082 = vector.broadcast %max3A_1081 : i32 to vector<16xi32>
    %max3A_1083 = arith.maxsi %get3A_1080, %max3A_1082 : vector<16xi32>
    %min3A_1084 = arith.constant 99999 : i32
    %min3A_1085 = vector.broadcast %min3A_1084 : i32 to vector<16xi32>
    %min3A_1086 = arith.minsi %max3A_1083, %min3A_1085 : vector<16xi32>
    %swap3A_1087 = arith.constant 0 : i32
    %swap3A_1088 = arith.constant 0 : i32
    %swap3A_1089 = arith.index_cast %swap3A_1087 : i32 to index
    %swap3A_1090 = arith.index_cast %swap3A_1088 : i32 to index
    %swap3A_1091 = arith.constant 192 : index
    %swap3A_1092 = tpu.vector_load %arg5[%swap3A_1089, %swap3A_1090, %swap3A_1091] {strides = array<i32>} : memref<2x1x256xi32, #tpu.memory_space<vmem>>, vector<1x1x16xi32>,
    %swap3A_1093 = vector.shape_cast %swap3A_1092 : vector<1x1x16xi32> to vector<16xi32>
    %swap3A_1094 = vector.shape_cast %min3A_1086 : vector<16xi32> to vector<1x1x16xi32>
    tpu.vector_store %arg5[%swap3A_1089, %swap3A_1090, %swap3A_1091], %swap3A_1094 {strides = array<i32>} : memref<2x1x256xi32, #tpu.memory_space<vmem>>, vector<1x1x16xi32>,
    %get3A_1095 = arith.constant 0 : i32
    %get3A_1096 = arith.constant 0 : i32
    %get3A_1097 = arith.index_cast %get3A_1095 : i32 to index
    %get3A_1098 = arith.index_cast %get3A_1096 : i32 to index
    %get3A_1099 = arith.constant 208 : index
    %get3A_1100 = tpu.vector_load %arg5[%get3A_1097, %get3A_1098, %get3A_1099] {strides = array<i32>} : memref<2x1x256xi32, #tpu.memory_space<vmem>>, vector<1x1x16xi32>,
    %get3A_1101 = vector.shape_cast %get3A_1100 : vector<1x1x16xi32> to vector<16xi32>
    %max3A_1102 = arith.constant 0 : i32
    %max3A_1103 = vector.broadcast %max3A_1102 : i32 to vector<16xi32>
    %max3A_1104 = arith.maxsi %get3A_1101, %max3A_1103 : vector<16xi32>
    %min3A_1105 = arith.constant 99999 : i32
    %min3A_1106 = vector.broadcast %min3A_1105 : i32 to vector<16xi32>
    %min3A_1107 = arith.minsi %max3A_1104, %min3A_1106 : vector<16xi32>
    %swap3A_1108 = arith.constant 0 : i32
    %swap3A_1109 = arith.constant 0 : i32
    %swap3A_1110 = arith.index_cast %swap3A_1108 : i32 to index
    %swap3A_1111 = arith.index_cast %swap3A_1109 : i32 to index
    %swap3A_1112 = arith.constant 208 : index
    %swap3A_1113 = tpu.vector_load %arg5[%swap3A_1110, %swap3A_1111, %swap3A_1112] {strides = array<i32>} : memref<2x1x256xi32, #tpu.memory_space<vmem>>, vector<1x1x16xi32>,
    %swap3A_1114 = vector.shape_cast %swap3A_1113 : vector<1x1x16xi32> to vector<16xi32>
    %swap3A_1115 = vector.shape_cast %min3A_1107 : vector<16xi32> to vector<1x1x16xi32>
    tpu.vector_store %arg5[%swap3A_1110, %swap3A_1111, %swap3A_1112], %swap3A_1115 {strides = array<i32>} : memref<2x1x256xi32, #tpu.memory_space<vmem>>, vector<1x1x16xi32>,
    %get3A_1116 = arith.constant 0 : i32
    %get3A_1117 = arith.constant 0 : i32
    %get3A_1118 = arith.index_cast %get3A_1116 : i32 to index
    %get3A_1119 = arith.index_cast %get3A_1117 : i32 to index
    %get3A_1120 = arith.constant 224 : index
    %get3A_1121 = tpu.vector_load %arg5[%get3A_1118, %get3A_1119, %get3A_1120] {strides = array<i32>} : memref<2x1x256xi32, #tpu.memory_space<vmem>>, vector<1x1x16xi32>,
    %get3A_1122 = vector.shape_cast %get3A_1121 : vector<1x1x16xi32> to vector<16xi32>
    %max3A_1123 = arith.constant 0 : i32
    %max3A_1124 = vector.broadcast %max3A_1123 : i32 to vector<16xi32>
    %max3A_1125 = arith.maxsi %get3A_1122, %max3A_1124 : vector<16xi32>
    %min3A_1126 = arith.constant 99999 : i32
    %min3A_1127 = vector.broadcast %min3A_1126 : i32 to vector<16xi32>
    %min3A_1128 = arith.minsi %max3A_1125, %min3A_1127 : vector<16xi32>
    %swap3A_1129 = arith.constant 0 : i32
    %swap3A_1130 = arith.constant 0 : i32
    %swap3A_1131 = arith.index_cast %swap3A_1129 : i32 to index
    %swap3A_1132 = arith.index_cast %swap3A_1130 : i32 to index
    %swap3A_1133 = arith.constant 224 : index
    %swap3A_1134 = tpu.vector_load %arg5[%swap3A_1131, %swap3A_1132, %swap3A_1133] {strides = array<i32>} : memref<2x1x256xi32, #tpu.memory_space<vmem>>, vector<1x1x16xi32>,
    %swap3A_1135 = vector.shape_cast %swap3A_1134 : vector<1x1x16xi32> to vector<16xi32>
    %swap3A_1136 = vector.shape_cast %min3A_1128 : vector<16xi32> to vector<1x1x16xi32>
    tpu.vector_store %arg5[%swap3A_1131, %swap3A_1132, %swap3A_1133], %swap3A_1136 {strides = array<i32>} : memref<2x1x256xi32, #tpu.memory_space<vmem>>, vector<1x1x16xi32>,
    %get3A_1137 = arith.constant 0 : i32
    %get3A_1138 = arith.constant 0 : i32
    %get3A_1139 = arith.index_cast %get3A_1137 : i32 to index
    %get3A_1140 = arith.index_cast %get3A_1138 : i32 to index
    %get3A_1141 = arith.constant 240 : index
    %get3A_1142 = tpu.vector_load %arg5[%get3A_1139, %get3A_1140, %get3A_1141] {strides = array<i32>} : memref<2x1x256xi32, #tpu.memory_space<vmem>>, vector<1x1x16xi32>,
    %get3A_1143 = vector.shape_cast %get3A_1142 : vector<1x1x16xi32> to vector<16xi32>
    %max3A_1144 = arith.constant 0 : i32
    %max3A_1145 = vector.broadcast %max3A_1144 : i32 to vector<16xi32>
    %max3A_1146 = arith.maxsi %get3A_1143, %max3A_1145 : vector<16xi32>
    %min3A_1147 = arith.constant 99999 : i32
    %min3A_1148 = vector.broadcast %min3A_1147 : i32 to vector<16xi32>
    %min3A_1149 = arith.minsi %max3A_1146, %min3A_1148 : vector<16xi32>
    %swap3A_1150 = arith.constant 0 : i32
    %swap3A_1151 = arith.constant 0 : i32
    %swap3A_1152 = arith.index_cast %swap3A_1150 : i32 to index
    %swap3A_1153 = arith.index_cast %swap3A_1151 : i32 to index
    %swap3A_1154 = arith.constant 240 : index
    %swap3A_1155 = tpu.vector_load %arg5[%swap3A_1152, %swap3A_1153, %swap3A_1154] {strides = array<i32>} : memref<2x1x256xi32, #tpu.memory_space<vmem>>, vector<1x1x16xi32>,
    %swap3A_1156 = vector.shape_cast %swap3A_1155 : vector<1x1x16xi32> to vector<16xi32>
    %swap3A_1157 = vector.shape_cast %min3A_1149 : vector<16xi32> to vector<1x1x16xi32>
    tpu.vector_store %arg5[%swap3A_1152, %swap3A_1153, %swap3A_1154], %swap3A_1157 {strides = array<i32>} : memref<2x1x256xi32, #tpu.memory_space<vmem>>, vector<1x1x16xi32>,
    %add3A_1158 = arith.constant 101376 : i32
    %add3A_1159 = arith.addi %mul3A_2, %add3A_1158 : i32
    %dma_wait3A_1160 = arith.constant 0 : i32
    %dma_wait3A_1161 = arith.constant 0 : i32
    %dma_wait3A_1162 = arith.constant 0 : i32
    %dma_wait3A_1163 = tpu.memref_slice %arg6[%dma_wait3A_1160, %dma_wait3A_1161, %dma_wait3A_1162] : memref<2x256x128xf32, #tpu.memory_space<vmem>> -> memref<1x256x128xf32, #tpu.memory_space<vmem>>
    %dma_wait3A_1164 = tpu.memref_squeeze %dma_wait3A_1163 : memref<1x256x128xf32, #tpu.memory_space<vmem>> -> memref<256x128xf32, #tpu.memory_space<vmem>>
    %dma_wait3A_1165 = arith.constant 0 : i32
    %dma_wait3A_1166 = tpu.memref_slice %arg4[%add3A_1159, %dma_wait3A_1165] : memref<3276800x128xf32, #tpu.memory_space<hbm>> -> memref<256x128xf32, #tpu.memory_space<hbm>>
    %dma_wait3A_1167 = arith.constant 0 : i32
    %dma_wait3A_1168 = tpu.memref_slice %arg4[%add3A_1159, %dma_wait3A_1167] : memref<3276800x128xf32, #tpu.memory_space<hbm>> -> memref<256x128xf32, #tpu.memory_space<hbm>>
    %dma_wait3A_1169 = arith.constant 0 : i32
    %dma_wait3A_1170 = arith.constant 0 : i32
    %dma_wait3A_1171 = tpu.memref_slice %arg6[%dma_wait3A_1160, %dma_wait3A_1169, %dma_wait3A_1170] : memref<2x256x128xf32, #tpu.memory_space<vmem>> -> memref<1x256x128xf32, #tpu.memory_space<vmem>>
    %dma_wait3A_1172 = tpu.memref_squeeze %dma_wait3A_1171 : memref<1x256x128xf32, #tpu.memory_space<vmem>> -> memref<256x128xf32, #tpu.memory_space<vmem>>
    tpu.wait_dma2 semaphore(%arg11 : memref<!tpu.dma_semaphore, #tpu.memory_space<semaphore_mem>>) src(%dma_wait3A_1172 : memref<256x128xf32, #tpu.memory_space<vmem>>) dst(%dma_wait3A_1168 : memref<256x128xf32, #tpu.memory_space<hbm>>)
    %dma_start3A_1173 = arith.constant 0 : i32
    %dma_start3A_1174 = arith.constant 0 : i32
    %dma_start3A_1175 = arith.constant 0 : i32
    %dma_start3A_1176 = arith.constant 0 : i32
    %dma_start3A_1177 = arith.constant 0 : i32
    %dma_start3A_1178 = tpu.memref_slice %arg6[%dma_start3A_1175, %dma_start3A_1176, %dma_start3A_1177] : memref<2x256x128xf32, #tpu.memory_space<vmem>> -> memref<1x256x128xf32, #tpu.memory_space<vmem>>
    %dma_start3A_1179 = tpu.memref_squeeze %dma_start3A_1178 : memref<1x256x128xf32, #tpu.memory_space<vmem>> -> memref<256x128xf32, #tpu.memory_space<vmem>>
    %dma_start3A_1180 = arith.constant 0 : i32
    %dma_start3A_1181 = tpu.memref_slice %arg5[%dma_start3A_1173, %dma_start3A_1174, %dma_start3A_1180] : memref<2x1x256xi32, #tpu.memory_space<vmem>> -> memref<1x1x256xi32, #tpu.memory_space<vmem>>
    %dma_start3A_1182 = tpu.memref_squeeze %dma_start3A_1181 : memref<1x1x256xi32, #tpu.memory_space<vmem>> -> memref<256xi32, #tpu.memory_space<vmem>>
    %dma_start3A_1183 = arith.constant 0 : i32
    %dma_start3A_1184 = arith.constant 0 : i32
    %dma_start3A_1185 = tpu.memref_slice %arg3[%dma_start3A_1183, %dma_start3A_1184] : memref<100000x128xf32, #tpu.memory_space<hbm>> -> memref<100000x128xf32, #tpu.memory_space<hbm>>
    tpu.enqueue_indirect_dma source(%dma_start3A_1185 : memref<100000x128xf32, #tpu.memory_space<hbm>>) target(%dma_start3A_1179 : memref<256x128xf32, #tpu.memory_space<vmem>>) offsets(%dma_start3A_1182 : memref<256xi32, #tpu.memory_space<vmem>>) semaphore(%arg9 : memref<!tpu.dma_semaphore, #tpu.memory_space<semaphore_mem>>)
    %dma_wait3A_1186 = arith.constant 1 : i32
    %dma_wait3A_1187 = arith.constant 0 : i32
    %dma_wait3A_1188 = arith.constant 0 : i32
    %dma_wait3A_1189 = tpu.memref_slice %arg6[%dma_wait3A_1186, %dma_wait3A_1187, %dma_wait3A_1188] : memref<2x256x128xf32, #tpu.memory_space<vmem>> -> memref<1x256x128xf32, #tpu.memory_space<vmem>>
    %dma_wait3A_1190 = tpu.memref_squeeze %dma_wait3A_1189 : memref<1x256x128xf32, #tpu.memory_space<vmem>> -> memref<256x128xf32, #tpu.memory_space<vmem>>
    %dma_wait3A_1191 = arith.constant 0 : i32
    %dma_wait3A_1192 = arith.constant 0 : i32
    %dma_wait3A_1193 = tpu.memref_slice %arg3[%dma_wait3A_1191, %dma_wait3A_1192] : memref<100000x128xf32, #tpu.memory_space<hbm>> -> memref<256x128xf32, #tpu.memory_space<hbm>>
    %dma_wait3A_1194 = arith.constant 0 : i32
    %dma_wait3A_1195 = arith.constant 0 : i32
    %dma_wait3A_1196 = tpu.memref_slice %arg6[%dma_wait3A_1186, %dma_wait3A_1194, %dma_wait3A_1195] : memref<2x256x128xf32, #tpu.memory_space<vmem>> -> memref<1x256x128xf32, #tpu.memory_space<vmem>>
    %dma_wait3A_1197 = tpu.memref_squeeze %dma_wait3A_1196 : memref<1x256x128xf32, #tpu.memory_space<vmem>> -> memref<256x128xf32, #tpu.memory_space<vmem>>
    %dma_wait3A_1198 = arith.constant 0 : i32
    %dma_wait3A_1199 = arith.constant 0 : i32
    %dma_wait3A_1200 = tpu.memref_slice %arg3[%dma_wait3A_1198, %dma_wait3A_1199] : memref<100000x128xf32, #tpu.memory_space<hbm>> -> memref<256x128xf32, #tpu.memory_space<hbm>>
    tpu.wait_dma2 semaphore(%arg10 : memref<!tpu.dma_semaphore, #tpu.memory_space<semaphore_mem>>) src(%dma_wait3A_1200 : memref<256x128xf32, #tpu.memory_space<hbm>>) dst(%dma_wait3A_1197 : memref<256x128xf32, #tpu.memory_space<vmem>>)
    %add3A_1201 = arith.constant 101632 : i32
    %add3A_1202 = arith.addi %mul3A_2, %add3A_1201 : i32
    %dma_start3A_1203 = arith.constant 1 : i32
    %dma_start3A_1204 = arith.constant 0 : i32
    %dma_start3A_1205 = arith.constant 0 : i32
    %dma_start3A_1206 = tpu.memref_slice %arg6[%dma_start3A_1203, %dma_start3A_1204, %dma_start3A_1205] : memref<2x256x128xf32, #tpu.memory_space<vmem>> -> memref<1x256x128xf32, #tpu.memory_space<vmem>>
    %dma_start3A_1207 = tpu.memref_squeeze %dma_start3A_1206 : memref<1x256x128xf32, #tpu.memory_space<vmem>> -> memref<256x128xf32, #tpu.memory_space<vmem>>
    %dma_start3A_1208 = arith.constant 0 : i32
    %dma_start3A_1209 = tpu.memref_slice %arg4[%add3A_1202, %dma_start3A_1208] : memref<3276800x128xf32, #tpu.memory_space<hbm>> -> memref<256x128xf32, #tpu.memory_space<hbm>>
    %dma_start3A_1210 = arith.constant 0 : i32
    %dma_start3A_1211 = tpu.memref_slice %arg4[%add3A_1202, %dma_start3A_1210] : memref<3276800x128xf32, #tpu.memory_space<hbm>> -> memref<256x128xf32, #tpu.memory_space<hbm>>
    %dma_start3A_1212 = arith.constant 0 : i32
    %dma_start3A_1213 = arith.constant 0 : i32
    %dma_start3A_1214 = tpu.memref_slice %arg6[%dma_start3A_1203, %dma_start3A_1212, %dma_start3A_1213] : memref<2x256x128xf32, #tpu.memory_space<vmem>> -> memref<1x256x128xf32, #tpu.memory_space<vmem>>
    %dma_start3A_1215 = tpu.memref_squeeze %dma_start3A_1214 : memref<1x256x128xf32, #tpu.memory_space<vmem>> -> memref<256x128xf32, #tpu.memory_space<vmem>>
    tpu.enqueue_dma source(%dma_start3A_1215 : memref<256x128xf32, #tpu.memory_space<vmem>>) target(%dma_start3A_1211 : memref<256x128xf32, #tpu.memory_space<hbm>>) target_semaphore(%arg12 : memref<!tpu.dma_semaphore, #tpu.memory_space<semaphore_mem>>)
    %add3A_1216 = arith.constant 399 : i32
    %add3A_1217 = arith.addi %mul3A_4, %add3A_1216 : i32
    %dma_start3A_1218 = arith.constant 1 : i32
    %dma_start3A_1219 = arith.constant 0 : i32
    %dma_start3A_1220 = arith.constant 0 : i32
    %dma_start3A_1221 = tpu.memref_slice %arg5[%dma_start3A_1218, %dma_start3A_1219, %dma_start3A_1220] : memref<2x1x256xi32, #tpu.memory_space<vmem>> -> memref<1x1x256xi32, #tpu.memory_space<vmem>>
    %dma_start3A_1222 = tpu.memref_squeeze %dma_start3A_1221 : memref<1x1x256xi32, #tpu.memory_space<vmem>> -> memref<1x256xi32, #tpu.memory_space<vmem>>
    %dma_start3A_1223 = arith.constant 0 : i32
    %dma_start3A_1224 = tpu.memref_slice %arg2[%add3A_1217, %dma_start3A_1223] : memref<12800x256xi32, #tpu.memory_space<hbm>> -> memref<1x256xi32, #tpu.memory_space<hbm>>
    %dma_start3A_1225 = arith.constant 0 : i32
    %dma_start3A_1226 = arith.constant 0 : i32
    %dma_start3A_1227 = tpu.memref_slice %arg5[%dma_start3A_1218, %dma_start3A_1225, %dma_start3A_1226] : memref<2x1x256xi32, #tpu.memory_space<vmem>> -> memref<1x1x256xi32, #tpu.memory_space<vmem>>
    %dma_start3A_1228 = tpu.memref_squeeze %dma_start3A_1227 : memref<1x1x256xi32, #tpu.memory_space<vmem>> -> memref<1x256xi32, #tpu.memory_space<vmem>>
    %dma_start3A_1229 = arith.constant 0 : i32
    %dma_start3A_1230 = tpu.memref_slice %arg2[%add3A_1217, %dma_start3A_1229] : memref<12800x256xi32, #tpu.memory_space<hbm>> -> memref<1x256xi32, #tpu.memory_space<hbm>>
    tpu.enqueue_dma source(%dma_start3A_1230 : memref<1x256xi32, #tpu.memory_space<hbm>>) target(%dma_start3A_1228 : memref<1x256xi32, #tpu.memory_space<vmem>>) target_semaphore(%arg8 : memref<!tpu.dma_semaphore, #tpu.memory_space<semaphore_mem>>)
    %add3A_1231 = arith.constant 399 : i32
    %add3A_1232 = arith.addi %mul3A_4, %add3A_1231 : i32
    %dma_wait3A_1233 = arith.constant 1 : i32
    %dma_wait3A_1234 = arith.constant 0 : i32
    %dma_wait3A_1235 = arith.constant 0 : i32
    %dma_wait3A_1236 = tpu.memref_slice %arg5[%dma_wait3A_1233, %dma_wait3A_1234, %dma_wait3A_1235] : memref<2x1x256xi32, #tpu.memory_space<vmem>> -> memref<1x1x256xi32, #tpu.memory_space<vmem>>
    %dma_wait3A_1237 = tpu.memref_squeeze %dma_wait3A_1236 : memref<1x1x256xi32, #tpu.memory_space<vmem>> -> memref<1x256xi32, #tpu.memory_space<vmem>>
    %dma_wait3A_1238 = arith.constant 0 : i32
    %dma_wait3A_1239 = tpu.memref_slice %arg2[%add3A_1232, %dma_wait3A_1238] : memref<12800x256xi32, #tpu.memory_space<hbm>> -> memref<1x256xi32, #tpu.memory_space<hbm>>
    %dma_wait3A_1240 = arith.constant 0 : i32
    %dma_wait3A_1241 = arith.constant 0 : i32
    %dma_wait3A_1242 = tpu.memref_slice %arg5[%dma_wait3A_1233, %dma_wait3A_1240, %dma_wait3A_1241] : memref<2x1x256xi32, #tpu.memory_space<vmem>> -> memref<1x1x256xi32, #tpu.memory_space<vmem>>
    %dma_wait3A_1243 = tpu.memref_squeeze %dma_wait3A_1242 : memref<1x1x256xi32, #tpu.memory_space<vmem>> -> memref<1x256xi32, #tpu.memory_space<vmem>>
    %dma_wait3A_1244 = arith.constant 0 : i32
    %dma_wait3A_1245 = tpu.memref_slice %arg2[%add3A_1232, %dma_wait3A_1244] : memref<12800x256xi32, #tpu.memory_space<hbm>> -> memref<1x256xi32, #tpu.memory_space<hbm>>
    tpu.wait_dma2 semaphore(%arg8 : memref<!tpu.dma_semaphore, #tpu.memory_space<semaphore_mem>>) src(%dma_wait3A_1245 : memref<1x256xi32, #tpu.memory_space<hbm>>) dst(%dma_wait3A_1243 : memref<1x256xi32, #tpu.memory_space<vmem>>)
    %get3A_1246 = arith.constant 1 : i32
    %get3A_1247 = arith.constant 0 : i32
    %get3A_1248 = arith.index_cast %get3A_1246 : i32 to index
    %get3A_1249 = arith.index_cast %get3A_1247 : i32 to index
    %get3A_1250 = arith.constant 0 : index
    %get3A_1251 = tpu.vector_load %arg5[%get3A_1248, %get3A_1249, %get3A_1250] {strides = array<i32>} : memref<2x1x256xi32, #tpu.memory_space<vmem>>, vector<1x1x16xi32>,
    %get3A_1252 = vector.shape_cast %get3A_1251 : vector<1x1x16xi32> to vector<16xi32>
    %max3A_1253 = arith.constant 0 : i32
    %max3A_1254 = vector.broadcast %max3A_1253 : i32 to vector<16xi32>
    %max3A_1255 = arith.maxsi %get3A_1252, %max3A_1254 : vector<16xi32>
    %min3A_1256 = arith.constant 99999 : i32
    %min3A_1257 = vector.broadcast %min3A_1256 : i32 to vector<16xi32>
    %min3A_1258 = arith.minsi %max3A_1255, %min3A_1257 : vector<16xi32>
    %swap3A_1259 = arith.constant 1 : i32
    %swap3A_1260 = arith.constant 0 : i32
    %swap3A_1261 = arith.index_cast %swap3A_1259 : i32 to index
    %swap3A_1262 = arith.index_cast %swap3A_1260 : i32 to index
    %swap3A_1263 = arith.constant 0 : index
    %swap3A_1264 = tpu.vector_load %arg5[%swap3A_1261, %swap3A_1262, %swap3A_1263] {strides = array<i32>} : memref<2x1x256xi32, #tpu.memory_space<vmem>>, vector<1x1x16xi32>,
    %swap3A_1265 = vector.shape_cast %swap3A_1264 : vector<1x1x16xi32> to vector<16xi32>
    %swap3A_1266 = vector.shape_cast %min3A_1258 : vector<16xi32> to vector<1x1x16xi32>
    tpu.vector_store %arg5[%swap3A_1261, %swap3A_1262, %swap3A_1263], %swap3A_1266 {strides = array<i32>} : memref<2x1x256xi32, #tpu.memory_space<vmem>>, vector<1x1x16xi32>,
    %get3A_1267 = arith.constant 1 : i32
    %get3A_1268 = arith.constant 0 : i32
    %get3A_1269 = arith.index_cast %get3A_1267 : i32 to index
    %get3A_1270 = arith.index_cast %get3A_1268 : i32 to index
    %get3A_1271 = arith.constant 16 : index
    %get3A_1272 = tpu.vector_load %arg5[%get3A_1269, %get3A_1270, %get3A_1271] {strides = array<i32>} : memref<2x1x256xi32, #tpu.memory_space<vmem>>, vector<1x1x16xi32>,
    %get3A_1273 = vector.shape_cast %get3A_1272 : vector<1x1x16xi32> to vector<16xi32>
    %max3A_1274 = arith.constant 0 : i32
    %max3A_1275 = vector.broadcast %max3A_1274 : i32 to vector<16xi32>
    %max3A_1276 = arith.maxsi %get3A_1273, %max3A_1275 : vector<16xi32>
    %min3A_1277 = arith.constant 99999 : i32
    %min3A_1278 = vector.broadcast %min3A_1277 : i32 to vector<16xi32>
    %min3A_1279 = arith.minsi %max3A_1276, %min3A_1278 : vector<16xi32>
    %swap3A_1280 = arith.constant 1 : i32
    %swap3A_1281 = arith.constant 0 : i32
    %swap3A_1282 = arith.index_cast %swap3A_1280 : i32 to index
    %swap3A_1283 = arith.index_cast %swap3A_1281 : i32 to index
    %swap3A_1284 = arith.constant 16 : index
    %swap3A_1285 = tpu.vector_load %arg5[%swap3A_1282, %swap3A_1283, %swap3A_1284] {strides = array<i32>} : memref<2x1x256xi32, #tpu.memory_space<vmem>>, vector<1x1x16xi32>,
    %swap3A_1286 = vector.shape_cast %swap3A_1285 : vector<1x1x16xi32> to vector<16xi32>
    %swap3A_1287 = vector.shape_cast %min3A_1279 : vector<16xi32> to vector<1x1x16xi32>
    tpu.vector_store %arg5[%swap3A_1282, %swap3A_1283, %swap3A_1284], %swap3A_1287 {strides = array<i32>} : memref<2x1x256xi32, #tpu.memory_space<vmem>>, vector<1x1x16xi32>,
    %get3A_1288 = arith.constant 1 : i32
    %get3A_1289 = arith.constant 0 : i32
    %get3A_1290 = arith.index_cast %get3A_1288 : i32 to index
    %get3A_1291 = arith.index_cast %get3A_1289 : i32 to index
    %get3A_1292 = arith.constant 32 : index
    %get3A_1293 = tpu.vector_load %arg5[%get3A_1290, %get3A_1291, %get3A_1292] {strides = array<i32>} : memref<2x1x256xi32, #tpu.memory_space<vmem>>, vector<1x1x16xi32>,
    %get3A_1294 = vector.shape_cast %get3A_1293 : vector<1x1x16xi32> to vector<16xi32>
    %max3A_1295 = arith.constant 0 : i32
    %max3A_1296 = vector.broadcast %max3A_1295 : i32 to vector<16xi32>
    %max3A_1297 = arith.maxsi %get3A_1294, %max3A_1296 : vector<16xi32>
    %min3A_1298 = arith.constant 99999 : i32
    %min3A_1299 = vector.broadcast %min3A_1298 : i32 to vector<16xi32>
    %min3A_1300 = arith.minsi %max3A_1297, %min3A_1299 : vector<16xi32>
    %swap3A_1301 = arith.constant 1 : i32
    %swap3A_1302 = arith.constant 0 : i32
    %swap3A_1303 = arith.index_cast %swap3A_1301 : i32 to index
    %swap3A_1304 = arith.index_cast %swap3A_1302 : i32 to index
    %swap3A_1305 = arith.constant 32 : index
    %swap3A_1306 = tpu.vector_load %arg5[%swap3A_1303, %swap3A_1304, %swap3A_1305] {strides = array<i32>} : memref<2x1x256xi32, #tpu.memory_space<vmem>>, vector<1x1x16xi32>,
    %swap3A_1307 = vector.shape_cast %swap3A_1306 : vector<1x1x16xi32> to vector<16xi32>
    %swap3A_1308 = vector.shape_cast %min3A_1300 : vector<16xi32> to vector<1x1x16xi32>
    tpu.vector_store %arg5[%swap3A_1303, %swap3A_1304, %swap3A_1305], %swap3A_1308 {strides = array<i32>} : memref<2x1x256xi32, #tpu.memory_space<vmem>>, vector<1x1x16xi32>,
    %get3A_1309 = arith.constant 1 : i32
    %get3A_1310 = arith.constant 0 : i32
    %get3A_1311 = arith.index_cast %get3A_1309 : i32 to index
    %get3A_1312 = arith.index_cast %get3A_1310 : i32 to index
    %get3A_1313 = arith.constant 48 : index
    %get3A_1314 = tpu.vector_load %arg5[%get3A_1311, %get3A_1312, %get3A_1313] {strides = array<i32>} : memref<2x1x256xi32, #tpu.memory_space<vmem>>, vector<1x1x16xi32>,
    %get3A_1315 = vector.shape_cast %get3A_1314 : vector<1x1x16xi32> to vector<16xi32>
    %max3A_1316 = arith.constant 0 : i32
    %max3A_1317 = vector.broadcast %max3A_1316 : i32 to vector<16xi32>
    %max3A_1318 = arith.maxsi %get3A_1315, %max3A_1317 : vector<16xi32>
    %min3A_1319 = arith.constant 99999 : i32
    %min3A_1320 = vector.broadcast %min3A_1319 : i32 to vector<16xi32>
    %min3A_1321 = arith.minsi %max3A_1318, %min3A_1320 : vector<16xi32>
    %swap3A_1322 = arith.constant 1 : i32
    %swap3A_1323 = arith.constant 0 : i32
    %swap3A_1324 = arith.index_cast %swap3A_1322 : i32 to index
    %swap3A_1325 = arith.index_cast %swap3A_1323 : i32 to index
    %swap3A_1326 = arith.constant 48 : index
    %swap3A_1327 = tpu.vector_load %arg5[%swap3A_1324, %swap3A_1325, %swap3A_1326] {strides = array<i32>} : memref<2x1x256xi32, #tpu.memory_space<vmem>>, vector<1x1x16xi32>,
    %swap3A_1328 = vector.shape_cast %swap3A_1327 : vector<1x1x16xi32> to vector<16xi32>
    %swap3A_1329 = vector.shape_cast %min3A_1321 : vector<16xi32> to vector<1x1x16xi32>
    tpu.vector_store %arg5[%swap3A_1324, %swap3A_1325, %swap3A_1326], %swap3A_1329 {strides = array<i32>} : memref<2x1x256xi32, #tpu.memory_space<vmem>>, vector<1x1x16xi32>,
    %get3A_1330 = arith.constant 1 : i32
    %get3A_1331 = arith.constant 0 : i32
    %get3A_1332 = arith.index_cast %get3A_1330 : i32 to index
    %get3A_1333 = arith.index_cast %get3A_1331 : i32 to index
    %get3A_1334 = arith.constant 64 : index
    %get3A_1335 = tpu.vector_load %arg5[%get3A_1332, %get3A_1333, %get3A_1334] {strides = array<i32>} : memref<2x1x256xi32, #tpu.memory_space<vmem>>, vector<1x1x16xi32>,
    %get3A_1336 = vector.shape_cast %get3A_1335 : vector<1x1x16xi32> to vector<16xi32>
    %max3A_1337 = arith.constant 0 : i32
    %max3A_1338 = vector.broadcast %max3A_1337 : i32 to vector<16xi32>
    %max3A_1339 = arith.maxsi %get3A_1336, %max3A_1338 : vector<16xi32>
    %min3A_1340 = arith.constant 99999 : i32
    %min3A_1341 = vector.broadcast %min3A_1340 : i32 to vector<16xi32>
    %min3A_1342 = arith.minsi %max3A_1339, %min3A_1341 : vector<16xi32>
    %swap3A_1343 = arith.constant 1 : i32
    %swap3A_1344 = arith.constant 0 : i32
    %swap3A_1345 = arith.index_cast %swap3A_1343 : i32 to index
    %swap3A_1346 = arith.index_cast %swap3A_1344 : i32 to index
    %swap3A_1347 = arith.constant 64 : index
    %swap3A_1348 = tpu.vector_load %arg5[%swap3A_1345, %swap3A_1346, %swap3A_1347] {strides = array<i32>} : memref<2x1x256xi32, #tpu.memory_space<vmem>>, vector<1x1x16xi32>,
    %swap3A_1349 = vector.shape_cast %swap3A_1348 : vector<1x1x16xi32> to vector<16xi32>
    %swap3A_1350 = vector.shape_cast %min3A_1342 : vector<16xi32> to vector<1x1x16xi32>
    tpu.vector_store %arg5[%swap3A_1345, %swap3A_1346, %swap3A_1347], %swap3A_1350 {strides = array<i32>} : memref<2x1x256xi32, #tpu.memory_space<vmem>>, vector<1x1x16xi32>,
    %get3A_1351 = arith.constant 1 : i32
    %get3A_1352 = arith.constant 0 : i32
    %get3A_1353 = arith.index_cast %get3A_1351 : i32 to index
    %get3A_1354 = arith.index_cast %get3A_1352 : i32 to index
    %get3A_1355 = arith.constant 80 : index
    %get3A_1356 = tpu.vector_load %arg5[%get3A_1353, %get3A_1354, %get3A_1355] {strides = array<i32>} : memref<2x1x256xi32, #tpu.memory_space<vmem>>, vector<1x1x16xi32>,
    %get3A_1357 = vector.shape_cast %get3A_1356 : vector<1x1x16xi32> to vector<16xi32>
    %max3A_1358 = arith.constant 0 : i32
    %max3A_1359 = vector.broadcast %max3A_1358 : i32 to vector<16xi32>
    %max3A_1360 = arith.maxsi %get3A_1357, %max3A_1359 : vector<16xi32>
    %min3A_1361 = arith.constant 99999 : i32
    %min3A_1362 = vector.broadcast %min3A_1361 : i32 to vector<16xi32>
    %min3A_1363 = arith.minsi %max3A_1360, %min3A_1362 : vector<16xi32>
    %swap3A_1364 = arith.constant 1 : i32
    %swap3A_1365 = arith.constant 0 : i32
    %swap3A_1366 = arith.index_cast %swap3A_1364 : i32 to index
    %swap3A_1367 = arith.index_cast %swap3A_1365 : i32 to index
    %swap3A_1368 = arith.constant 80 : index
    %swap3A_1369 = tpu.vector_load %arg5[%swap3A_1366, %swap3A_1367, %swap3A_1368] {strides = array<i32>} : memref<2x1x256xi32, #tpu.memory_space<vmem>>, vector<1x1x16xi32>,
    %swap3A_1370 = vector.shape_cast %swap3A_1369 : vector<1x1x16xi32> to vector<16xi32>
    %swap3A_1371 = vector.shape_cast %min3A_1363 : vector<16xi32> to vector<1x1x16xi32>
    tpu.vector_store %arg5[%swap3A_1366, %swap3A_1367, %swap3A_1368], %swap3A_1371 {strides = array<i32>} : memref<2x1x256xi32, #tpu.memory_space<vmem>>, vector<1x1x16xi32>,
    %get3A_1372 = arith.constant 1 : i32
    %get3A_1373 = arith.constant 0 : i32
    %get3A_1374 = arith.index_cast %get3A_1372 : i32 to index
    %get3A_1375 = arith.index_cast %get3A_1373 : i32 to index
    %get3A_1376 = arith.constant 96 : index
    %get3A_1377 = tpu.vector_load %arg5[%get3A_1374, %get3A_1375, %get3A_1376] {strides = array<i32>} : memref<2x1x256xi32, #tpu.memory_space<vmem>>, vector<1x1x16xi32>,
    %get3A_1378 = vector.shape_cast %get3A_1377 : vector<1x1x16xi32> to vector<16xi32>
    %max3A_1379 = arith.constant 0 : i32
    %max3A_1380 = vector.broadcast %max3A_1379 : i32 to vector<16xi32>
    %max3A_1381 = arith.maxsi %get3A_1378, %max3A_1380 : vector<16xi32>
    %min3A_1382 = arith.constant 99999 : i32
    %min3A_1383 = vector.broadcast %min3A_1382 : i32 to vector<16xi32>
    %min3A_1384 = arith.minsi %max3A_1381, %min3A_1383 : vector<16xi32>
    %swap3A_1385 = arith.constant 1 : i32
    %swap3A_1386 = arith.constant 0 : i32
    %swap3A_1387 = arith.index_cast %swap3A_1385 : i32 to index
    %swap3A_1388 = arith.index_cast %swap3A_1386 : i32 to index
    %swap3A_1389 = arith.constant 96 : index
    %swap3A_1390 = tpu.vector_load %arg5[%swap3A_1387, %swap3A_1388, %swap3A_1389] {strides = array<i32>} : memref<2x1x256xi32, #tpu.memory_space<vmem>>, vector<1x1x16xi32>,
    %swap3A_1391 = vector.shape_cast %swap3A_1390 : vector<1x1x16xi32> to vector<16xi32>
    %swap3A_1392 = vector.shape_cast %min3A_1384 : vector<16xi32> to vector<1x1x16xi32>
    tpu.vector_store %arg5[%swap3A_1387, %swap3A_1388, %swap3A_1389], %swap3A_1392 {strides = array<i32>} : memref<2x1x256xi32, #tpu.memory_space<vmem>>, vector<1x1x16xi32>,
    %get3A_1393 = arith.constant 1 : i32
    %get3A_1394 = arith.constant 0 : i32
    %get3A_1395 = arith.index_cast %get3A_1393 : i32 to index
    %get3A_1396 = arith.index_cast %get3A_1394 : i32 to index
    %get3A_1397 = arith.constant 112 : index
    %get3A_1398 = tpu.vector_load %arg5[%get3A_1395, %get3A_1396, %get3A_1397] {strides = array<i32>} : memref<2x1x256xi32, #tpu.memory_space<vmem>>, vector<1x1x16xi32>,
    %get3A_1399 = vector.shape_cast %get3A_1398 : vector<1x1x16xi32> to vector<16xi32>
    %max3A_1400 = arith.constant 0 : i32
    %max3A_1401 = vector.broadcast %max3A_1400 : i32 to vector<16xi32>
    %max3A_1402 = arith.maxsi %get3A_1399, %max3A_1401 : vector<16xi32>
    %min3A_1403 = arith.constant 99999 : i32
    %min3A_1404 = vector.broadcast %min3A_1403 : i32 to vector<16xi32>
    %min3A_1405 = arith.minsi %max3A_1402, %min3A_1404 : vector<16xi32>
    %swap3A_1406 = arith.constant 1 : i32
    %swap3A_1407 = arith.constant 0 : i32
    %swap3A_1408 = arith.index_cast %swap3A_1406 : i32 to index
    %swap3A_1409 = arith.index_cast %swap3A_1407 : i32 to index
    %swap3A_1410 = arith.constant 112 : index
    %swap3A_1411 = tpu.vector_load %arg5[%swap3A_1408, %swap3A_1409, %swap3A_1410] {strides = array<i32>} : memref<2x1x256xi32, #tpu.memory_space<vmem>>, vector<1x1x16xi32>,
    %swap3A_1412 = vector.shape_cast %swap3A_1411 : vector<1x1x16xi32> to vector<16xi32>
    %swap3A_1413 = vector.shape_cast %min3A_1405 : vector<16xi32> to vector<1x1x16xi32>
    tpu.vector_store %arg5[%swap3A_1408, %swap3A_1409, %swap3A_1410], %swap3A_1413 {strides = array<i32>} : memref<2x1x256xi32, #tpu.memory_space<vmem>>, vector<1x1x16xi32>,
    %get3A_1414 = arith.constant 1 : i32
    %get3A_1415 = arith.constant 0 : i32
    %get3A_1416 = arith.index_cast %get3A_1414 : i32 to index
    %get3A_1417 = arith.index_cast %get3A_1415 : i32 to index
    %get3A_1418 = arith.constant 128 : index
    %get3A_1419 = tpu.vector_load %arg5[%get3A_1416, %get3A_1417, %get3A_1418] {strides = array<i32>} : memref<2x1x256xi32, #tpu.memory_space<vmem>>, vector<1x1x16xi32>,
    %get3A_1420 = vector.shape_cast %get3A_1419 : vector<1x1x16xi32> to vector<16xi32>
    %max3A_1421 = arith.constant 0 : i32
    %max3A_1422 = vector.broadcast %max3A_1421 : i32 to vector<16xi32>
    %max3A_1423 = arith.maxsi %get3A_1420, %max3A_1422 : vector<16xi32>
    %min3A_1424 = arith.constant 99999 : i32
    %min3A_1425 = vector.broadcast %min3A_1424 : i32 to vector<16xi32>
    %min3A_1426 = arith.minsi %max3A_1423, %min3A_1425 : vector<16xi32>
    %swap3A_1427 = arith.constant 1 : i32
    %swap3A_1428 = arith.constant 0 : i32
    %swap3A_1429 = arith.index_cast %swap3A_1427 : i32 to index
    %swap3A_1430 = arith.index_cast %swap3A_1428 : i32 to index
    %swap3A_1431 = arith.constant 128 : index
    %swap3A_1432 = tpu.vector_load %arg5[%swap3A_1429, %swap3A_1430, %swap3A_1431] {strides = array<i32>} : memref<2x1x256xi32, #tpu.memory_space<vmem>>, vector<1x1x16xi32>,
    %swap3A_1433 = vector.shape_cast %swap3A_1432 : vector<1x1x16xi32> to vector<16xi32>
    %swap3A_1434 = vector.shape_cast %min3A_1426 : vector<16xi32> to vector<1x1x16xi32>
    tpu.vector_store %arg5[%swap3A_1429, %swap3A_1430, %swap3A_1431], %swap3A_1434 {strides = array<i32>} : memref<2x1x256xi32, #tpu.memory_space<vmem>>, vector<1x1x16xi32>,
    %get3A_1435 = arith.constant 1 : i32
    %get3A_1436 = arith.constant 0 : i32
    %get3A_1437 = arith.index_cast %get3A_1435 : i32 to index
    %get3A_1438 = arith.index_cast %get3A_1436 : i32 to index
    %get3A_1439 = arith.constant 144 : index
    %get3A_1440 = tpu.vector_load %arg5[%get3A_1437, %get3A_1438, %get3A_1439] {strides = array<i32>} : memref<2x1x256xi32, #tpu.memory_space<vmem>>, vector<1x1x16xi32>,
    %get3A_1441 = vector.shape_cast %get3A_1440 : vector<1x1x16xi32> to vector<16xi32>
    %max3A_1442 = arith.constant 0 : i32
    %max3A_1443 = vector.broadcast %max3A_1442 : i32 to vector<16xi32>
    %max3A_1444 = arith.maxsi %get3A_1441, %max3A_1443 : vector<16xi32>
    %min3A_1445 = arith.constant 99999 : i32
    %min3A_1446 = vector.broadcast %min3A_1445 : i32 to vector<16xi32>
    %min3A_1447 = arith.minsi %max3A_1444, %min3A_1446 : vector<16xi32>
    %swap3A_1448 = arith.constant 1 : i32
    %swap3A_1449 = arith.constant 0 : i32
    %swap3A_1450 = arith.index_cast %swap3A_1448 : i32 to index
    %swap3A_1451 = arith.index_cast %swap3A_1449 : i32 to index
    %swap3A_1452 = arith.constant 144 : index
    %swap3A_1453 = tpu.vector_load %arg5[%swap3A_1450, %swap3A_1451, %swap3A_1452] {strides = array<i32>} : memref<2x1x256xi32, #tpu.memory_space<vmem>>, vector<1x1x16xi32>,
    %swap3A_1454 = vector.shape_cast %swap3A_1453 : vector<1x1x16xi32> to vector<16xi32>
    %swap3A_1455 = vector.shape_cast %min3A_1447 : vector<16xi32> to vector<1x1x16xi32>
    tpu.vector_store %arg5[%swap3A_1450, %swap3A_1451, %swap3A_1452], %swap3A_1455 {strides = array<i32>} : memref<2x1x256xi32, #tpu.memory_space<vmem>>, vector<1x1x16xi32>,
    %get3A_1456 = arith.constant 1 : i32
    %get3A_1457 = arith.constant 0 : i32
    %get3A_1458 = arith.index_cast %get3A_1456 : i32 to index
    %get3A_1459 = arith.index_cast %get3A_1457 : i32 to index
    %get3A_1460 = arith.constant 160 : index
    %get3A_1461 = tpu.vector_load %arg5[%get3A_1458, %get3A_1459, %get3A_1460] {strides = array<i32>} : memref<2x1x256xi32, #tpu.memory_space<vmem>>, vector<1x1x16xi32>,
    %get3A_1462 = vector.shape_cast %get3A_1461 : vector<1x1x16xi32> to vector<16xi32>
    %max3A_1463 = arith.constant 0 : i32
    %max3A_1464 = vector.broadcast %max3A_1463 : i32 to vector<16xi32>
    %max3A_1465 = arith.maxsi %get3A_1462, %max3A_1464 : vector<16xi32>
    %min3A_1466 = arith.constant 99999 : i32
    %min3A_1467 = vector.broadcast %min3A_1466 : i32 to vector<16xi32>
    %min3A_1468 = arith.minsi %max3A_1465, %min3A_1467 : vector<16xi32>
    %swap3A_1469 = arith.constant 1 : i32
    %swap3A_1470 = arith.constant 0 : i32
    %swap3A_1471 = arith.index_cast %swap3A_1469 : i32 to index
    %swap3A_1472 = arith.index_cast %swap3A_1470 : i32 to index
    %swap3A_1473 = arith.constant 160 : index
    %swap3A_1474 = tpu.vector_load %arg5[%swap3A_1471, %swap3A_1472, %swap3A_1473] {strides = array<i32>} : memref<2x1x256xi32, #tpu.memory_space<vmem>>, vector<1x1x16xi32>,
    %swap3A_1475 = vector.shape_cast %swap3A_1474 : vector<1x1x16xi32> to vector<16xi32>
    %swap3A_1476 = vector.shape_cast %min3A_1468 : vector<16xi32> to vector<1x1x16xi32>
    tpu.vector_store %arg5[%swap3A_1471, %swap3A_1472, %swap3A_1473], %swap3A_1476 {strides = array<i32>} : memref<2x1x256xi32, #tpu.memory_space<vmem>>, vector<1x1x16xi32>,
    %get3A_1477 = arith.constant 1 : i32
    %get3A_1478 = arith.constant 0 : i32
    %get3A_1479 = arith.index_cast %get3A_1477 : i32 to index
    %get3A_1480 = arith.index_cast %get3A_1478 : i32 to index
    %get3A_1481 = arith.constant 176 : index
    %get3A_1482 = tpu.vector_load %arg5[%get3A_1479, %get3A_1480, %get3A_1481] {strides = array<i32>} : memref<2x1x256xi32, #tpu.memory_space<vmem>>, vector<1x1x16xi32>,
    %get3A_1483 = vector.shape_cast %get3A_1482 : vector<1x1x16xi32> to vector<16xi32>
    %max3A_1484 = arith.constant 0 : i32
    %max3A_1485 = vector.broadcast %max3A_1484 : i32 to vector<16xi32>
    %max3A_1486 = arith.maxsi %get3A_1483, %max3A_1485 : vector<16xi32>
    %min3A_1487 = arith.constant 99999 : i32
    %min3A_1488 = vector.broadcast %min3A_1487 : i32 to vector<16xi32>
    %min3A_1489 = arith.minsi %max3A_1486, %min3A_1488 : vector<16xi32>
    %swap3A_1490 = arith.constant 1 : i32
    %swap3A_1491 = arith.constant 0 : i32
    %swap3A_1492 = arith.index_cast %swap3A_1490 : i32 to index
    %swap3A_1493 = arith.index_cast %swap3A_1491 : i32 to index
    %swap3A_1494 = arith.constant 176 : index
    %swap3A_1495 = tpu.vector_load %arg5[%swap3A_1492, %swap3A_1493, %swap3A_1494] {strides = array<i32>} : memref<2x1x256xi32, #tpu.memory_space<vmem>>, vector<1x1x16xi32>,
    %swap3A_1496 = vector.shape_cast %swap3A_1495 : vector<1x1x16xi32> to vector<16xi32>
    %swap3A_1497 = vector.shape_cast %min3A_1489 : vector<16xi32> to vector<1x1x16xi32>
    tpu.vector_store %arg5[%swap3A_1492, %swap3A_1493, %swap3A_1494], %swap3A_1497 {strides = array<i32>} : memref<2x1x256xi32, #tpu.memory_space<vmem>>, vector<1x1x16xi32>,
    %get3A_1498 = arith.constant 1 : i32
    %get3A_1499 = arith.constant 0 : i32
    %get3A_1500 = arith.index_cast %get3A_1498 : i32 to index
    %get3A_1501 = arith.index_cast %get3A_1499 : i32 to index
    %get3A_1502 = arith.constant 192 : index
    %get3A_1503 = tpu.vector_load %arg5[%get3A_1500, %get3A_1501, %get3A_1502] {strides = array<i32>} : memref<2x1x256xi32, #tpu.memory_space<vmem>>, vector<1x1x16xi32>,
    %get3A_1504 = vector.shape_cast %get3A_1503 : vector<1x1x16xi32> to vector<16xi32>
    %max3A_1505 = arith.constant 0 : i32
    %max3A_1506 = vector.broadcast %max3A_1505 : i32 to vector<16xi32>
    %max3A_1507 = arith.maxsi %get3A_1504, %max3A_1506 : vector<16xi32>
    %min3A_1508 = arith.constant 99999 : i32
    %min3A_1509 = vector.broadcast %min3A_1508 : i32 to vector<16xi32>
    %min3A_1510 = arith.minsi %max3A_1507, %min3A_1509 : vector<16xi32>
    %swap3A_1511 = arith.constant 1 : i32
    %swap3A_1512 = arith.constant 0 : i32
    %swap3A_1513 = arith.index_cast %swap3A_1511 : i32 to index
    %swap3A_1514 = arith.index_cast %swap3A_1512 : i32 to index
    %swap3A_1515 = arith.constant 192 : index
    %swap3A_1516 = tpu.vector_load %arg5[%swap3A_1513, %swap3A_1514, %swap3A_1515] {strides = array<i32>} : memref<2x1x256xi32, #tpu.memory_space<vmem>>, vector<1x1x16xi32>,
    %swap3A_1517 = vector.shape_cast %swap3A_1516 : vector<1x1x16xi32> to vector<16xi32>
    %swap3A_1518 = vector.shape_cast %min3A_1510 : vector<16xi32> to vector<1x1x16xi32>
    tpu.vector_store %arg5[%swap3A_1513, %swap3A_1514, %swap3A_1515], %swap3A_1518 {strides = array<i32>} : memref<2x1x256xi32, #tpu.memory_space<vmem>>, vector<1x1x16xi32>,
    %get3A_1519 = arith.constant 1 : i32
    %get3A_1520 = arith.constant 0 : i32
    %get3A_1521 = arith.index_cast %get3A_1519 : i32 to index
    %get3A_1522 = arith.index_cast %get3A_1520 : i32 to index
    %get3A_1523 = arith.constant 208 : index
    %get3A_1524 = tpu.vector_load %arg5[%get3A_1521, %get3A_1522, %get3A_1523] {strides = array<i32>} : memref<2x1x256xi32, #tpu.memory_space<vmem>>, vector<1x1x16xi32>,
    %get3A_1525 = vector.shape_cast %get3A_1524 : vector<1x1x16xi32> to vector<16xi32>
    %max3A_1526 = arith.constant 0 : i32
    %max3A_1527 = vector.broadcast %max3A_1526 : i32 to vector<16xi32>
    %max3A_1528 = arith.maxsi %get3A_1525, %max3A_1527 : vector<16xi32>
    %min3A_1529 = arith.constant 99999 : i32
    %min3A_1530 = vector.broadcast %min3A_1529 : i32 to vector<16xi32>
    %min3A_1531 = arith.minsi %max3A_1528, %min3A_1530 : vector<16xi32>
    %swap3A_1532 = arith.constant 1 : i32
    %swap3A_1533 = arith.constant 0 : i32
    %swap3A_1534 = arith.index_cast %swap3A_1532 : i32 to index
    %swap3A_1535 = arith.index_cast %swap3A_1533 : i32 to index
    %swap3A_1536 = arith.constant 208 : index
    %swap3A_1537 = tpu.vector_load %arg5[%swap3A_1534, %swap3A_1535, %swap3A_1536] {strides = array<i32>} : memref<2x1x256xi32, #tpu.memory_space<vmem>>, vector<1x1x16xi32>,
    %swap3A_1538 = vector.shape_cast %swap3A_1537 : vector<1x1x16xi32> to vector<16xi32>
    %swap3A_1539 = vector.shape_cast %min3A_1531 : vector<16xi32> to vector<1x1x16xi32>
    tpu.vector_store %arg5[%swap3A_1534, %swap3A_1535, %swap3A_1536], %swap3A_1539 {strides = array<i32>} : memref<2x1x256xi32, #tpu.memory_space<vmem>>, vector<1x1x16xi32>,
    %get3A_1540 = arith.constant 1 : i32
    %get3A_1541 = arith.constant 0 : i32
    %get3A_1542 = arith.index_cast %get3A_1540 : i32 to index
    %get3A_1543 = arith.index_cast %get3A_1541 : i32 to index
    %get3A_1544 = arith.constant 224 : index
    %get3A_1545 = tpu.vector_load %arg5[%get3A_1542, %get3A_1543, %get3A_1544] {strides = array<i32>} : memref<2x1x256xi32, #tpu.memory_space<vmem>>, vector<1x1x16xi32>,
    %get3A_1546 = vector.shape_cast %get3A_1545 : vector<1x1x16xi32> to vector<16xi32>
    %max3A_1547 = arith.constant 0 : i32
    %max3A_1548 = vector.broadcast %max3A_1547 : i32 to vector<16xi32>
    %max3A_1549 = arith.maxsi %get3A_1546, %max3A_1548 : vector<16xi32>
    %min3A_1550 = arith.constant 99999 : i32
    %min3A_1551 = vector.broadcast %min3A_1550 : i32 to vector<16xi32>
    %min3A_1552 = arith.minsi %max3A_1549, %min3A_1551 : vector<16xi32>
    %swap3A_1553 = arith.constant 1 : i32
    %swap3A_1554 = arith.constant 0 : i32
    %swap3A_1555 = arith.index_cast %swap3A_1553 : i32 to index
    %swap3A_1556 = arith.index_cast %swap3A_1554 : i32 to index
    %swap3A_1557 = arith.constant 224 : index
    %swap3A_1558 = tpu.vector_load %arg5[%swap3A_1555, %swap3A_1556, %swap3A_1557] {strides = array<i32>} : memref<2x1x256xi32, #tpu.memory_space<vmem>>, vector<1x1x16xi32>,
    %swap3A_1559 = vector.shape_cast %swap3A_1558 : vector<1x1x16xi32> to vector<16xi32>
    %swap3A_1560 = vector.shape_cast %min3A_1552 : vector<16xi32> to vector<1x1x16xi32>
    tpu.vector_store %arg5[%swap3A_1555, %swap3A_1556, %swap3A_1557], %swap3A_1560 {strides = array<i32>} : memref<2x1x256xi32, #tpu.memory_space<vmem>>, vector<1x1x16xi32>,
    %get3A_1561 = arith.constant 1 : i32
    %get3A_1562 = arith.constant 0 : i32
    %get3A_1563 = arith.index_cast %get3A_1561 : i32 to index
    %get3A_1564 = arith.index_cast %get3A_1562 : i32 to index
    %get3A_1565 = arith.constant 240 : index
    %get3A_1566 = tpu.vector_load %arg5[%get3A_1563, %get3A_1564, %get3A_1565] {strides = array<i32>} : memref<2x1x256xi32, #tpu.memory_space<vmem>>, vector<1x1x16xi32>,
    %get3A_1567 = vector.shape_cast %get3A_1566 : vector<1x1x16xi32> to vector<16xi32>
    %max3A_1568 = arith.constant 0 : i32
    %max3A_1569 = vector.broadcast %max3A_1568 : i32 to vector<16xi32>
    %max3A_1570 = arith.maxsi %get3A_1567, %max3A_1569 : vector<16xi32>
    %min3A_1571 = arith.constant 99999 : i32
    %min3A_1572 = vector.broadcast %min3A_1571 : i32 to vector<16xi32>
    %min3A_1573 = arith.minsi %max3A_1570, %min3A_1572 : vector<16xi32>
    %swap3A_1574 = arith.constant 1 : i32
    %swap3A_1575 = arith.constant 0 : i32
    %swap3A_1576 = arith.index_cast %swap3A_1574 : i32 to index
    %swap3A_1577 = arith.index_cast %swap3A_1575 : i32 to index
    %swap3A_1578 = arith.constant 240 : index
    %swap3A_1579 = tpu.vector_load %arg5[%swap3A_1576, %swap3A_1577, %swap3A_1578] {strides = array<i32>} : memref<2x1x256xi32, #tpu.memory_space<vmem>>, vector<1x1x16xi32>,
    %swap3A_1580 = vector.shape_cast %swap3A_1579 : vector<1x1x16xi32> to vector<16xi32>
    %swap3A_1581 = vector.shape_cast %min3A_1573 : vector<16xi32> to vector<1x1x16xi32>
    tpu.vector_store %arg5[%swap3A_1576, %swap3A_1577, %swap3A_1578], %swap3A_1581 {strides = array<i32>} : memref<2x1x256xi32, #tpu.memory_space<vmem>>, vector<1x1x16xi32>,
    %add3A_1582 = arith.constant 101632 : i32
    %add3A_1583 = arith.addi %mul3A_2, %add3A_1582 : i32
    %dma_wait3A_1584 = arith.constant 1 : i32
    %dma_wait3A_1585 = arith.constant 0 : i32
    %dma_wait3A_1586 = arith.constant 0 : i32
    %dma_wait3A_1587 = tpu.memref_slice %arg6[%dma_wait3A_1584, %dma_wait3A_1585, %dma_wait3A_1586] : memref<2x256x128xf32, #tpu.memory_space<vmem>> -> memref<1x256x128xf32, #tpu.memory_space<vmem>>
    %dma_wait3A_1588 = tpu.memref_squeeze %dma_wait3A_1587 : memref<1x256x128xf32, #tpu.memory_space<vmem>> -> memref<256x128xf32, #tpu.memory_space<vmem>>
    %dma_wait3A_1589 = arith.constant 0 : i32
    %dma_wait3A_1590 = tpu.memref_slice %arg4[%add3A_1583, %dma_wait3A_1589] : memref<3276800x128xf32, #tpu.memory_space<hbm>> -> memref<256x128xf32, #tpu.memory_space<hbm>>
    %dma_wait3A_1591 = arith.constant 0 : i32
    %dma_wait3A_1592 = tpu.memref_slice %arg4[%add3A_1583, %dma_wait3A_1591] : memref<3276800x128xf32, #tpu.memory_space<hbm>> -> memref<256x128xf32, #tpu.memory_space<hbm>>
    %dma_wait3A_1593 = arith.constant 0 : i32
    %dma_wait3A_1594 = arith.constant 0 : i32
    %dma_wait3A_1595 = tpu.memref_slice %arg6[%dma_wait3A_1584, %dma_wait3A_1593, %dma_wait3A_1594] : memref<2x256x128xf32, #tpu.memory_space<vmem>> -> memref<1x256x128xf32, #tpu.memory_space<vmem>>
    %dma_wait3A_1596 = tpu.memref_squeeze %dma_wait3A_1595 : memref<1x256x128xf32, #tpu.memory_space<vmem>> -> memref<256x128xf32, #tpu.memory_space<vmem>>
    tpu.wait_dma2 semaphore(%arg12 : memref<!tpu.dma_semaphore, #tpu.memory_space<semaphore_mem>>) src(%dma_wait3A_1596 : memref<256x128xf32, #tpu.memory_space<vmem>>) dst(%dma_wait3A_1592 : memref<256x128xf32, #tpu.memory_space<hbm>>)
    %dma_start3A_1597 = arith.constant 1 : i32
    %dma_start3A_1598 = arith.constant 0 : i32
    %dma_start3A_1599 = arith.constant 1 : i32
    %dma_start3A_1600 = arith.constant 0 : i32
    %dma_start3A_1601 = arith.constant 0 : i32
    %dma_start3A_1602 = tpu.memref_slice %arg6[%dma_start3A_1599, %dma_start3A_1600, %dma_start3A_1601] : memref<2x256x128xf32, #tpu.memory_space<vmem>> -> memref<1x256x128xf32, #tpu.memory_space<vmem>>
    %dma_start3A_1603 = tpu.memref_squeeze %dma_start3A_1602 : memref<1x256x128xf32, #tpu.memory_space<vmem>> -> memref<256x128xf32, #tpu.memory_space<vmem>>
    %dma_start3A_1604 = arith.constant 0 : i32
    %dma_start3A_1605 = tpu.memref_slice %arg5[%dma_start3A_1597, %dma_start3A_1598, %dma_start3A_1604] : memref<2x1x256xi32, #tpu.memory_space<vmem>> -> memref<1x1x256xi32, #tpu.memory_space<vmem>>
    %dma_start3A_1606 = tpu.memref_squeeze %dma_start3A_1605 : memref<1x1x256xi32, #tpu.memory_space<vmem>> -> memref<256xi32, #tpu.memory_space<vmem>>
    %dma_start3A_1607 = arith.constant 0 : i32
    %dma_start3A_1608 = arith.constant 0 : i32
    %dma_start3A_1609 = tpu.memref_slice %arg3[%dma_start3A_1607, %dma_start3A_1608] : memref<100000x128xf32, #tpu.memory_space<hbm>> -> memref<100000x128xf32, #tpu.memory_space<hbm>>
    tpu.enqueue_indirect_dma source(%dma_start3A_1609 : memref<100000x128xf32, #tpu.memory_space<hbm>>) target(%dma_start3A_1603 : memref<256x128xf32, #tpu.memory_space<vmem>>) offsets(%dma_start3A_1606 : memref<256xi32, #tpu.memory_space<vmem>>) semaphore(%arg10 : memref<!tpu.dma_semaphore, #tpu.memory_space<semaphore_mem>>)
    %dma_wait3A_1610 = arith.constant 0 : i32
    %dma_wait3A_1611 = arith.constant 0 : i32
    %dma_wait3A_1612 = arith.constant 0 : i32
    %dma_wait3A_1613 = tpu.memref_slice %arg6[%dma_wait3A_1610, %dma_wait3A_1611, %dma_wait3A_1612] : memref<2x256x128xf32, #tpu.memory_space<vmem>> -> memref<1x256x128xf32, #tpu.memory_space<vmem>>
    %dma_wait3A_1614 = tpu.memref_squeeze %dma_wait3A_1613 : memref<1x256x128xf32, #tpu.memory_space<vmem>> -> memref<256x128xf32, #tpu.memory_space<vmem>>
    %dma_wait3A_1615 = arith.constant 0 : i32
    %dma_wait3A_1616 = arith.constant 0 : i32
    %dma_wait3A_1617 = tpu.memref_slice %arg3[%dma_wait3A_1615, %dma_wait3A_1616] : memref<100000x128xf32, #tpu.memory_space<hbm>> -> memref<256x128xf32, #tpu.memory_space<hbm>>
    %dma_wait3A_1618 = arith.constant 0 : i32
    %dma_wait3A_1619 = arith.constant 0 : i32
    %dma_wait3A_1620 = tpu.memref_slice %arg6[%dma_wait3A_1610, %dma_wait3A_1618, %dma_wait3A_1619] : memref<2x256x128xf32, #tpu.memory_space<vmem>> -> memref<1x256x128xf32, #tpu.memory_space<vmem>>
    %dma_wait3A_1621 = tpu.memref_squeeze %dma_wait3A_1620 : memref<1x256x128xf32, #tpu.memory_space<vmem>> -> memref<256x128xf32, #tpu.memory_space<vmem>>
    %dma_wait3A_1622 = arith.constant 0 : i32
    %dma_wait3A_1623 = arith.constant 0 : i32
    %dma_wait3A_1624 = tpu.memref_slice %arg3[%dma_wait3A_1622, %dma_wait3A_1623] : memref<100000x128xf32, #tpu.memory_space<hbm>> -> memref<256x128xf32, #tpu.memory_space<hbm>>
    tpu.wait_dma2 semaphore(%arg9 : memref<!tpu.dma_semaphore, #tpu.memory_space<semaphore_mem>>) src(%dma_wait3A_1624 : memref<256x128xf32, #tpu.memory_space<hbm>>) dst(%dma_wait3A_1621 : memref<256x128xf32, #tpu.memory_space<vmem>>)
    %add3A_1625 = arith.constant 101888 : i32
    %add3A_1626 = arith.addi %mul3A_2, %add3A_1625 : i32
    %dma_start3A_1627 = arith.constant 0 : i32
    %dma_start3A_1628 = arith.constant 0 : i32
    %dma_start3A_1629 = arith.constant 0 : i32
    %dma_start3A_1630 = tpu.memref_slice %arg6[%dma_start3A_1627, %dma_start3A_1628, %dma_start3A_1629] : memref<2x256x128xf32, #tpu.memory_space<vmem>> -> memref<1x256x128xf32, #tpu.memory_space<vmem>>
    %dma_start3A_1631 = tpu.memref_squeeze %dma_start3A_1630 : memref<1x256x128xf32, #tpu.memory_space<vmem>> -> memref<256x128xf32, #tpu.memory_space<vmem>>
    %dma_start3A_1632 = arith.constant 0 : i32
    %dma_start3A_1633 = tpu.memref_slice %arg4[%add3A_1626, %dma_start3A_1632] : memref<3276800x128xf32, #tpu.memory_space<hbm>> -> memref<256x128xf32, #tpu.memory_space<hbm>>
    %dma_start3A_1634 = arith.constant 0 : i32
    %dma_start3A_1635 = tpu.memref_slice %arg4[%add3A_1626, %dma_start3A_1634] : memref<3276800x128xf32, #tpu.memory_space<hbm>> -> memref<256x128xf32, #tpu.memory_space<hbm>>
    %dma_start3A_1636 = arith.constant 0 : i32
    %dma_start3A_1637 = arith.constant 0 : i32
    %dma_start3A_1638 = tpu.memref_slice %arg6[%dma_start3A_1627, %dma_start3A_1636, %dma_start3A_1637] : memref<2x256x128xf32, #tpu.memory_space<vmem>> -> memref<1x256x128xf32, #tpu.memory_space<vmem>>
    %dma_start3A_1639 = tpu.memref_squeeze %dma_start3A_1638 : memref<1x256x128xf32, #tpu.memory_space<vmem>> -> memref<256x128xf32, #tpu.memory_space<vmem>>
    tpu.enqueue_dma source(%dma_start3A_1639 : memref<256x128xf32, #tpu.memory_space<vmem>>) target(%dma_start3A_1635 : memref<256x128xf32, #tpu.memory_space<hbm>>) target_semaphore(%arg11 : memref<!tpu.dma_semaphore, #tpu.memory_space<semaphore_mem>>)
    %dma_wait3A_1640 = arith.constant 1 : i32
    %dma_wait3A_1641 = arith.constant 0 : i32
    %dma_wait3A_1642 = arith.constant 0 : i32
    %dma_wait3A_1643 = tpu.memref_slice %arg6[%dma_wait3A_1640, %dma_wait3A_1641, %dma_wait3A_1642] : memref<2x256x128xf32, #tpu.memory_space<vmem>> -> memref<1x256x128xf32, #tpu.memory_space<vmem>>
    %dma_wait3A_1644 = tpu.memref_squeeze %dma_wait3A_1643 : memref<1x256x128xf32, #tpu.memory_space<vmem>> -> memref<256x128xf32, #tpu.memory_space<vmem>>
    %dma_wait3A_1645 = arith.constant 0 : i32
    %dma_wait3A_1646 = arith.constant 0 : i32
    %dma_wait3A_1647 = tpu.memref_slice %arg3[%dma_wait3A_1645, %dma_wait3A_1646] : memref<100000x128xf32, #tpu.memory_space<hbm>> -> memref<256x128xf32, #tpu.memory_space<hbm>>
    %dma_wait3A_1648 = arith.constant 0 : i32
    %dma_wait3A_1649 = arith.constant 0 : i32
    %dma_wait3A_1650 = tpu.memref_slice %arg6[%dma_wait3A_1640, %dma_wait3A_1648, %dma_wait3A_1649] : memref<2x256x128xf32, #tpu.memory_space<vmem>> -> memref<1x256x128xf32, #tpu.memory_space<vmem>>
    %dma_wait3A_1651 = tpu.memref_squeeze %dma_wait3A_1650 : memref<1x256x128xf32, #tpu.memory_space<vmem>> -> memref<256x128xf32, #tpu.memory_space<vmem>>
    %dma_wait3A_1652 = arith.constant 0 : i32
    %dma_wait3A_1653 = arith.constant 0 : i32
    %dma_wait3A_1654 = tpu.memref_slice %arg3[%dma_wait3A_1652, %dma_wait3A_1653] : memref<100000x128xf32, #tpu.memory_space<hbm>> -> memref<256x128xf32, #tpu.memory_space<hbm>>
    tpu.wait_dma2 semaphore(%arg10 : memref<!tpu.dma_semaphore, #tpu.memory_space<semaphore_mem>>) src(%dma_wait3A_1654 : memref<256x128xf32, #tpu.memory_space<hbm>>) dst(%dma_wait3A_1651 : memref<256x128xf32, #tpu.memory_space<vmem>>)
    %add3A_1655 = arith.constant 102144 : i32
    %add3A_1656 = arith.addi %mul3A_2, %add3A_1655 : i32
    %dma_start3A_1657 = arith.constant 1 : i32
    %dma_start3A_1658 = arith.constant 0 : i32
    %dma_start3A_1659 = arith.constant 0 : i32
    %dma_start3A_1660 = tpu.memref_slice %arg6[%dma_start3A_1657, %dma_start3A_1658, %dma_start3A_1659] : memref<2x256x128xf32, #tpu.memory_space<vmem>> -> memref<1x256x128xf32, #tpu.memory_space<vmem>>
    %dma_start3A_1661 = tpu.memref_squeeze %dma_start3A_1660 : memref<1x256x128xf32, #tpu.memory_space<vmem>> -> memref<256x128xf32, #tpu.memory_space<vmem>>
    %dma_start3A_1662 = arith.constant 0 : i32
    %dma_start3A_1663 = tpu.memref_slice %arg4[%add3A_1656, %dma_start3A_1662] : memref<3276800x128xf32, #tpu.memory_space<hbm>> -> memref<256x128xf32, #tpu.memory_space<hbm>>
    %dma_start3A_1664 = arith.constant 0 : i32
    %dma_start3A_1665 = tpu.memref_slice %arg4[%add3A_1656, %dma_start3A_1664] : memref<3276800x128xf32, #tpu.memory_space<hbm>> -> memref<256x128xf32, #tpu.memory_space<hbm>>
    %dma_start3A_1666 = arith.constant 0 : i32
    %dma_start3A_1667 = arith.constant 0 : i32
    %dma_start3A_1668 = tpu.memref_slice %arg6[%dma_start3A_1657, %dma_start3A_1666, %dma_start3A_1667] : memref<2x256x128xf32, #tpu.memory_space<vmem>> -> memref<1x256x128xf32, #tpu.memory_space<vmem>>
    %dma_start3A_1669 = tpu.memref_squeeze %dma_start3A_1668 : memref<1x256x128xf32, #tpu.memory_space<vmem>> -> memref<256x128xf32, #tpu.memory_space<vmem>>
    tpu.enqueue_dma source(%dma_start3A_1669 : memref<256x128xf32, #tpu.memory_space<vmem>>) target(%dma_start3A_1665 : memref<256x128xf32, #tpu.memory_space<hbm>>) target_semaphore(%arg12 : memref<!tpu.dma_semaphore, #tpu.memory_space<semaphore_mem>>)
    %add3A_1670 = arith.constant 101888 : i32
    %add3A_1671 = arith.addi %mul3A_2, %add3A_1670 : i32
    %dma_wait3A_1672 = arith.constant 0 : i32
    %dma_wait3A_1673 = arith.constant 0 : i32
    %dma_wait3A_1674 = arith.constant 0 : i32
    %dma_wait3A_1675 = tpu.memref_slice %arg6[%dma_wait3A_1672, %dma_wait3A_1673, %dma_wait3A_1674] : memref<2x256x128xf32, #tpu.memory_space<vmem>> -> memref<1x256x128xf32, #tpu.memory_space<vmem>>
    %dma_wait3A_1676 = tpu.memref_squeeze %dma_wait3A_1675 : memref<1x256x128xf32, #tpu.memory_space<vmem>> -> memref<256x128xf32, #tpu.memory_space<vmem>>
    %dma_wait3A_1677 = arith.constant 0 : i32
    %dma_wait3A_1678 = tpu.memref_slice %arg4[%add3A_1671, %dma_wait3A_1677] : memref<3276800x128xf32, #tpu.memory_space<hbm>> -> memref<256x128xf32, #tpu.memory_space<hbm>>
    %dma_wait3A_1679 = arith.constant 0 : i32
    %dma_wait3A_1680 = tpu.memref_slice %arg4[%add3A_1671, %dma_wait3A_1679] : memref<3276800x128xf32, #tpu.memory_space<hbm>> -> memref<256x128xf32, #tpu.memory_space<hbm>>
    %dma_wait3A_1681 = arith.constant 0 : i32
    %dma_wait3A_1682 = arith.constant 0 : i32
    %dma_wait3A_1683 = tpu.memref_slice %arg6[%dma_wait3A_1672, %dma_wait3A_1681, %dma_wait3A_1682] : memref<2x256x128xf32, #tpu.memory_space<vmem>> -> memref<1x256x128xf32, #tpu.memory_space<vmem>>
    %dma_wait3A_1684 = tpu.memref_squeeze %dma_wait3A_1683 : memref<1x256x128xf32, #tpu.memory_space<vmem>> -> memref<256x128xf32, #tpu.memory_space<vmem>>
    tpu.wait_dma2 semaphore(%arg11 : memref<!tpu.dma_semaphore, #tpu.memory_space<semaphore_mem>>) src(%dma_wait3A_1684 : memref<256x128xf32, #tpu.memory_space<vmem>>) dst(%dma_wait3A_1680 : memref<256x128xf32, #tpu.memory_space<hbm>>)
    %add3A_1685 = arith.constant 102144 : i32
    %add3A_1686 = arith.addi %mul3A_2, %add3A_1685 : i32
    %dma_wait3A_1687 = arith.constant 1 : i32
    %dma_wait3A_1688 = arith.constant 0 : i32
    %dma_wait3A_1689 = arith.constant 0 : i32
    %dma_wait3A_1690 = tpu.memref_slice %arg6[%dma_wait3A_1687, %dma_wait3A_1688, %dma_wait3A_1689] : memref<2x256x128xf32, #tpu.memory_space<vmem>> -> memref<1x256x128xf32, #tpu.memory_space<vmem>>
    %dma_wait3A_1691 = tpu.memref_squeeze %dma_wait3A_1690 : memref<1x256x128xf32, #tpu.memory_space<vmem>> -> memref<256x128xf32, #tpu.memory_space<vmem>>
    %dma_wait3A_1692 = arith.constant 0 : i32
    %dma_wait3A_1693 = tpu.memref_slice %arg4[%add3A_1686, %dma_wait3A_1692] : memref<3276800x128xf32, #tpu.memory_space<hbm>> -> memref<256x128xf32, #tpu.memory_space<hbm>>
    %dma_wait3A_1694 = arith.constant 0 : i32
    %dma_wait3A_1695 = tpu.memref_slice %arg4[%add3A_1686, %dma_wait3A_1694] : memref<3276800x128xf32, #tpu.memory_space<hbm>> -> memref<256x128xf32, #tpu.memory_space<hbm>>
    %dma_wait3A_1696 = arith.constant 0 : i32
    %dma_wait3A_1697 = arith.constant 0 : i32
    %dma_wait3A_1698 = tpu.memref_slice %arg6[%dma_wait3A_1687, %dma_wait3A_1696, %dma_wait3A_1697] : memref<2x256x128xf32, #tpu.memory_space<vmem>> -> memref<1x256x128xf32, #tpu.memory_space<vmem>>
    %dma_wait3A_1699 = tpu.memref_squeeze %dma_wait3A_1698 : memref<1x256x128xf32, #tpu.memory_space<vmem>> -> memref<256x128xf32, #tpu.memory_space<vmem>>
    tpu.wait_dma2 semaphore(%arg12 : memref<!tpu.dma_semaphore, #tpu.memory_space<semaphore_mem>>) src(%dma_wait3A_1699 : memref<256x128xf32, #tpu.memory_space<vmem>>) dst(%dma_wait3A_1695 : memref<256x128xf32, #tpu.memory_space<hbm>>)
    return
  }
}

</mosaic_0001>

<sc_bundles>
// kernel: kernel.3.cloned.1.call-start
scs
__scs_entry_jumppad:
0x0: {  	(pc) =	sbr.rel $0x88, $3  }
0x1: {  	(tag) =	ssettag $0x0;
	lr =	simm.s32 $0x1  }
0x2: {  	[smem:$0x3F9F] =	sst lr;
	_ =	strace $0xD0000000  }
0x3: {  	_ = 	snop  }
0x4: {  	_ = 	snop  }
0x5: {  	_ = 	snop  }
0x6: {  	_ = 	snop  }
0x7: {  	_ = 	snop  }
__scs_overlays_trampoline_lowered:
0x8: {  	[smem:$0x3FAE] =	sst s0  }
0x9: {  	[smem:$0x3FAF] =	sst s1  }
0xa: {  	[smem:$0x3FB0] =	sst s2  }
0xb: {  	[smem:$0x3FB1] =	sst s3  }
0xc: {  	[smem:$0x3FB2] =	sst s4  }
0xd: {  	[smem:$0x3FB3] =	sst s5  }
0xe: {  	[smem:$0x3FB4] =	sst s6  }
0xf: {  	[smem:$0x3FB5] =	sst s7  }
0x10: {  	[smem:$0x3FB6] =	sst s8  }
0x11: {  	[smem:$0x3FB7] =	sst s9;
	s0 =	simm.s32 @!p0 $0x0  }
0x12: {  	s1 =	sld [smem:$0x3F9D];
	s0 =	simm.s32 @p0 $0x1  }
0x13: {  	[smem:$0x3FB8] =	sst s0;
	s0 =	simm.s32 @!p1 $0x0  }
0x14: {  	s2 =	sld [smem:$0x3F9C];
	s0 =	simm.s32 @p1 $0x1  }
0x15: {  	[smem:$0x3FB9] =	sst s0;
	s0 =	simm.s32 @!p2 $0x0  }
0x16: {  	s3 =	sld [smem:$0x3FDB];
	s0 =	simm.s32 @p2 $0x1  }
0x17: {  	s4 =	simm.s32 $0x1BF5;
	[smem:$0x3FBB] =	sst s0  }
0x18: {  	s0 =	sld [smem:$0x3F9E];
	_ =	swait.ge [sflag:s4], $0x0  }
0x19: {  	s7 =	sld [smem:$0x3F9F]  }
0x1a: {  	s8 =	sadd.s32 $0xFFFFE003, lr  }
0x1b: {  	s9 =	sadd.s32 $0xFFFFFEF7, lr;
	s5 =	simm.s32 $0xFFFFFFFF;
	p2 =	slt.u32 s8, $0xFFFFF086  }
0x1c: {  	p1 =	slt.u32 s9, $0xF7A;
	s5 =	simm.s32 @!p2 $0x0  }
0x1d: {  	s5 =	simm.s32 @p1 $0x1;
	p0 =	seq.s32 s7, s2  }
0x1e: {  	s7 =	smul.u32 @!p0 $0xF7A, s2;
	p2 =	seq.s32 @!p0 s5, $0x0  }
0x1f: {  	s9 =	smul.u32 $0xF7A, s1;
	s8 =	simm.s32 @!p0 $0x1BF5;
	p2 =	por !p2, p0  }
0x20: {  	[sflag:s8] =	ssyncset.s32 @!p0 $0xFFFFF086;
	s6 =	sadd.s32 @!p0 s3, s7;
	s7 =	simm.s32 @!p0 $0x108  }
0x21: {  	s3 =	sadd.s32 s3, s9;
	s6 =	sadd.s32 @!p0 $0x88, s6;
	s7 =	simm.s32 @p2 $0x1082  }
0x22: {  	[simem:s7], [sflag:s8] =	dma.local @!p0 [hbm:s6], $0xF7A  }
0x23: {  	s9 =	sor.u32 $0xD0000000, s2;
	s6 =	simm.s32 $0x108;
	_ =	swait.ge @!p0 [sflag:s8], $0x0  }
0x24: {  	s3 =	sadd.s32 $0x88, s3;
	s6 =	simm.s32 @!p1 $0x1082;
	[sflag:s4] =	ssyncset.s32 $0xFFFFF086  }
0x25: {  	[simem:s6], [sflag:s4] =	dma.local [hbm:s3], $0xF7A  }
0x26: {  	[smem:$0x3F9F] =	sst s1;
	(tag) =	ssettag s2;
	_ =	strace s9  }
0x27: {  	s1 =	sld [smem:$0x3FAF]  }
0x28: {  	s2 =	sld [smem:$0x3FB0]  }
0x29: {  	s4 =	sld [smem:$0x3FB2]  }
0x2a: {  	p0 =	seq.s32 s5, $0x0;
	s5 =	sld [smem:$0x3FB3]  }
0x2b: {  	s6 =	sld [smem:$0x3FB4]  }
0x2c: {  	s7 =	sld [smem:$0x3FB5]  }
0x2d: {  	s3 =	simm.s32 $0x108;
	s8 =	sld [smem:$0x3FB6]  }
0x2e: {  	s3 =	simm.s32 @!p0 $0x1082;
	s9 =	sld [smem:$0x3FB7]  }
0x2f: {  	lr =	sadd.s32 s0, s3;
	s0 =	sld [smem:$0x3FAE]  }
0x30: {  	s3 =	sld [smem:$0x3FB1]  }
0x31: {  	[smem:$0x3FBA] =	sst s10  }
0x32: {  	s10 =	sld [smem:$0x3FB8];
	_ =	sdelay $0x3  }
0x33: {  	p0 =	seq.s32 s10, $0x1;
	s10 =	sld [smem:$0x3FBA];
	_ =	sdelay $0x3  }
0x34: {  	[smem:$0x3FBA] =	sst s10  }
0x35: {  	s10 =	sld [smem:$0x3FB9];
	_ =	sdelay $0x3  }
0x36: {  	p1 =	seq.s32 s10, $0x1;
	s10 =	sld [smem:$0x3FBA];
	_ =	sdelay $0x3  }
0x37: {  	[smem:$0x3FBA] =	sst s10  }
0x38: {  	s10 =	sld [smem:$0x3FBB]  }
0x39: {  	_ = 	snop;
	(pc) =	sbr.ind lr, $3  }
0x3a: {  	_ = 	snop  }
0x3b: {  	_ = 	snop  }
0x3c: {  	p2 =	seq.s32 s10, $0x1;
	s10 =	sld [smem:$0x3FBA]  }
0x3d: {  	_ =	shalt  }
0x3e: {  	_ =	shalt  }
0x3f: {  	_ =	shalt  }
0x40: {  	_ =	shalt  }
0x41: {  	_ =	shalt  }
0x42: {  	_ =	shalt  }
0x43: {  	_ =	shalt  }
0x44: {  	_ =	shalt  }
0x45: {  	_ =	shalt  }
0x46: {  	_ =	shalt  }
0x47: {  	_ =	shalt  }
0x48: {  	_ =	shalt  }
0x49: {  	_ =	shalt  }
0x4a: {  	_ =	shalt  }
0x4b: {  	_ =	shalt  }
0x4c: {  	_ =	shalt  }
0x4d: {  	_ =	shalt  }
0x4e: {  	_ =	shalt  }
0x4f: {  	_ =	shalt  }
0x50: {  	_ =	shalt  }
0x51: {  	_ =	shalt  }
0x52: {  	_ =	shalt  }
0x53: {  	_ =	shalt  }
0x54: {  	_ =	shalt  }
0x55: {  	_ =	shalt  }
0x56: {  	_ =	shalt  }
0x57: {  	_ =	shalt  }
0x58: {  	_ =	shalt  }
0x59: {  	_ =	shalt  }
0x5a: {  	_ =	shalt  }
0x5b: {  	_ =	shalt  }
0x5c: {  	_ =	shalt  }
0x5d: {  	_ =	shalt  }
0x5e: {  	_ =	shalt  }
0x5f: {  	_ =	shalt  }
0x60: {  	_ =	shalt  }
0x61: {  	_ =	shalt  }
0x62: {  	_ =	shalt  }
0x63: {  	_ =	shalt  }
0x64: {  	_ =	shalt  }
0x65: {  	_ =	shalt  }
0x66: {  	_ =	shalt  }
0x67: {  	_ =	shalt  }
0x68: {  	_ =	shalt  }
0x69: {  	_ =	shalt  }
0x6a: {  	_ =	shalt  }
0x6b: {  	_ =	shalt  }
0x6c: {  	_ =	shalt  }
0x6d: {  	_ =	shalt  }
0x6e: {  	_ =	shalt  }
0x6f: {  	_ =	shalt  }
0x70: {  	_ =	shalt  }
0x71: {  	_ =	shalt  }
0x72: {  	_ =	shalt  }
0x73: {  	_ =	shalt  }
0x74: {  	_ =	shalt  }
0x75: {  	_ =	shalt  }
0x76: {  	_ =	shalt  }
0x77: {  	_ =	shalt  }
0x78: {  	_ =	shalt  }
0x79: {  	_ =	shalt  }
0x7a: {  	_ =	shalt  }
0x7b: {  	_ =	shalt  }
0x7c: {  	_ =	shalt  }
0x7d: {  	_ =	shalt  }
0x7e: {  	_ =	shalt  }
0x7f: {  	_ =	shalt  }
0x80: {  	_ =	shalt  }
0x81: {  	_ =	shalt  }
0x82: {  	_ =	shalt  }
0x83: {  	_ =	shalt  }
0x84: {  	_ =	shalt  }
0x85: {  	_ =	shalt  }
0x86: {  	_ =	shalt  }
0x87: {  	_ =	shalt  }
.Lfunc_end0:
.L_simem_size_0:
called_computation_lowered:
.L_overlay_start_0:
0x88: {  	s2 =	sld [smem:$0x3FD9]  }
0x89: {  	s3 =	sld [smem:$0x3FFE];
	_ =	sdelay $0x1  }
0x8a: {  	s1 =	srdreg.scid  }
0x8b: {  	s0 =	sand.u32 $0x1, s1  }
0x8c: {  	s17 =	sshll.u32 s0, $0xA;
	s2 =	sadd.s32 s3, s2  }
0x8d: {  	s2 =	sadd.s32 s2, s17  }
0x8e: {  	[smem:$0x3FC6] =	sst s2  }
0x8f: {  	_ = 	snop  }
0x90: {  	s2 =	sld [smem:$0x3FC8]  }
0x91: {  	s18 =	sld [smem:$0x3FD0];
	(tm) =	ssettm $0x1  }
0x92: {  	s4 =	sld [smem:$0x3FFB];
	_ =	sdelay $0x3  }
0x93: {  	_ =	strace s4  }
0x94: {  	s4 =	sld [smem:$0x3FFC];
	_ =	sdelay $0x3  }
0x95: {  	_ =	strace s4  }
0x96: {  	s4 =	sld [smem:$0x3FFD];
	_ =	sdelay $0x3  }
0x97: {  	_ =	strace s4  }
0x98: {  	_ =	strace $0x8FFFFFFF  }
0x99: {  	s19 =	sld [smem:$0x3FDB];
	_ =	sdelay $0x1  }
0x9a: {  	s5 =	simm.s32 $_scs_section_size  }
0x9b: {  	s6 =	simm.s32 $_size__tile_overlayer_lowered;
	s7 =	simm.s32 $_tile_overlayer_lowered  }
0x9c: {  	s22 =	simm.s32 $0x1BFF;
	s21 =	sshll.u32 s7, $0x1;
	s4 =	sadd.s32 s5, s19  }
0x9d: {  	s8 =	simm.s32 $0x0;
	s20 =	sshll.u32 s6, $0x1;
	s6 =	sadd.s32 s21, s4  }
0x9e: {  	[timem:s8], [sflag:s22] =	dma.local [hbm:s6], s20  }
0x9f: {  	_ =	swait.ge [sflag:s22], s20  }
0xa0: {  	s5 =	ssub.s32 $0x0, s20;
	[sflag:s22] =	ssyncset.done $0x0  }
0xa1: {  	[sflag:s22] =	ssyncadd.s32 s5;
	_ =	sdelay $0x1  }
0xa2: {  	s23 =	simm.s32 $0x1B8B  }
0xa3: {  	_ =	swait.ge [sflag:s23], $0x1  }
0xa4: {  	[sflag:s23] =	ssyncset.done $0x0  }
0xa5: {  	s25 =	simm.s32 $0x1B8E;
	s24 =	sld [smem:$0x3FFE];
	[sflag:s23] =	ssyncadd.s32 $0xFFFFFFFF  }
0xa6: {  	s26 =	simm.s32 $execute0_lowered;
	[smem:$0x3FD2] =	sst s25  }
0xa7: {  	s6 =	sshll.u32 s26, $0x1;
	_ =	strace $0x80000046;
	[dreg:$0x1] =	wrdreg $0xFFFFFFFF  }
0xa8: {  	s28 =	simm.s32 $_size_execute0_lowered;
	s4 =	sadd.s32 s4, s6;
	[dreg:$0x0] =	wrdreg $0x0  }
0xa9: {  	s6 =	sshll.u32 s28, $0x1;
	[dreg:$0x2] =	wrdreg s4  }
0xaa: {  	[dreg:$0x3] =	wrdreg s6  }
0xab: {  	[dreg:$0x4] =	wrdreg $0xC0  }
0xac: {  	_ =	task [dreg:s8], $0x5FFFF  }
0xad: {  	[dreg:$0x1] =	wrdreg $0xFFFFFFFF  }
0xae: {  	[dreg:$0x0] =	wrdreg $0x60  }
0xaf: {  	[dreg:$0x2] =	wrdreg s24  }
0xb0: {  	[dreg:$0x3] =	wrdreg s2  }
0xb1: {  	[dreg:$0x4] =	wrdreg s18  }
0xb2: {  	[dreg:$0x5] =	wrdreg $0x9  }
0xb3: {  	_ =	task.clear_ibuf [dreg:s8], $0x6FFFF;
	_ =	strace $0x90000046  }
0xb4: {  	s29 =	simm.s32 $0x9;
	_ =	strace $0x80000048  }
0xb5: {  	_ =	swait.ge [sflag:s29], $0x1  }
0xb6: {  	[sflag:s29] =	ssyncadd.s32 $0xFFFFFFFF  }
0xb7: {  	_ =	strace $0x90000048  }
0xb8: {  	_ =	sfence  }
0xb9: {  	s30 =	sld [smem:$0x0];
	_ =	sdelay $0x2  }
0xba: {  	s31 =	sshll.u32 s1, $0xD;
	s1 =	sshrl.u32 s1, $0x2  }
0xbb: {  	s3 =	sand.u32 $0x4000, s31;
	s1 =	sadd.s32 s1, s30  }
0xbc: {  	s0 =	sor.u32 s3, s0;
	s1 =	sshll.u32 s1, $0x11  }
0xbd: {  	s0 =	sor.u32 s1, s0  }
0xbe: {  	s0 =	sadd.s32 $0x8F2B, s0  }
0xbf: {  	[sflag:s0] =	ssyncadd.remote.s32 $0x1  }
0xc0: {  	_ =	sfence.sel $0xFFFF  }
0xc1: {  	[dreg:$0x0] =	wrdreg $0xFFFFFFFF;
	(pc) =	sbr.abs _section_cstart, $3  }
0xc2: {  	[dreg:$0x1] =	wrdreg $0xFFFFFFFF  }
0xc3: {  	_ =	task.clear_ibuf [dreg:s8], $0x2FFFF;
	_ =	strace $0x9FFFFFFF  }
0xc4: {  	(tm) =	ssettm $0x7FFFFFFF  }
0xc5: {  	_ =	shalt  }
tec
execute0_lowered:
.L_overlay_start_1:
0x0: {  	(tag) =	ssettag $0x1  }
0x1: {  	s0 =	rddreg [dreg:$0x0]  }
0x2: {  	s2 =	rddreg [dreg:$0x1];
	s17 =	stileid.u32  }
0x3: {  	s1 =	rddreg [dreg:$0x2];
	s13 =	smul.u32 $0x1900000, s17  }
0x4: {  	s4 =	srdreg.scid;
	s15 =	smul.u32 $0x320000, s17  }
0x5: {  	s3 =	simm.s32 $0x0;
	s6 =	sand.u32 $0x1, s4;
	s26 =	smul.u32 $0x6400, s17  }
0x6: {  	s18 =	simm.s32 $0x400;
	s28 =	simm.s32 $0x6;
	s14 =	smul.u32 $0xC80000, s6  }
0x7: {  	s29 =	simm.s32 $0x0;
	s19 =	sshll.u32 s17, $0x1;
	s16 =	smul.u32 $0x190000, s6  }
0x8: {  	s7 =	sor.u32 s6, s19;
	s5 =	ssub.s32 $0x2, s6;
	s6 =	smul.u32 $0x3200, s6  }
0x9: {  	[smem:$0x7FF] =	sst s3;
	s4 =	sadd.s32 $0x400, s0;
	s8 =	smul.u32 $0x3200, s7  }
0xa: {  	s17 =	simm.s32 $0x80;
	_ =	strace $0x80000047;
	s9 =	smul.u32 $0x190000, s7  }
0xb: {  	s19 =	simm.s32 $0x100;
	s20 =	sshrl.u32 s5, $0x1;
	s10 =	smul.u32 $0xC80000, s7  }
0xc: {  	s11 =	smul.u32 $0x19000, s7;
	s15 =	sadd.s32 s15, s1;
	s0 =	ssub.s32 s5, s20  }
0xd: {  	s13 =	sadd.s32 s14, s13;
	s15 =	sadd.s32 s16, s15;
	s20 =	simm.s32 $0x1  }
0xe: {  	s5 =	sadd.s32 s4, s8;
	s22 =	sadd.s32 s1, s9;
	s24 =	sshrl.u32 s10, $0x3  }
0xf: {  	s25 =	sshrl.u32 s11, $0x3;
	s30 =	sor.u32 $0x10000, s13;
	s13 =	smax.u32 s0, $0x1  }
0x10: {  	s15 =	sadd.s32 $0x1000, s15;
	s21 =	sadd.s32 $0x10, s5;
	[dreg:$0x5] =	wrdreg s22  }
0x11: {  	s23 =	sadd.s32 $0x20, s5;
	s12 =	sadd.s32 s1, s24;
	s10 =	sadd.s32 s4, s25  }
0x12: {  	s31 =	sshrl.u32 s30, $0x3;
	s22 =	simm.s32 $0x2;
	[dreg:$0x4] =	wrdreg s21  }
0x13: {  	s24 =	simm.s32 $0x3;
	s25 =	simm.s32 $0x5;
	[dreg:$0x6] =	wrdreg s23  }
0x14: {  	s9 =	sadd.s32 $0x18D000, s12;
	s10 =	sadd.s32 $0x3170, s10;
	s11 =	sadd.s32 $0x18E000, s12  }
0x15: {  	s12 =	sadd.s32 $0x18F000, s12;
	s0 =	sadd.s32 s31, s1;
	s1 =	sadd.s32 s6, s26  }
0x16: {  	s21 =	simm.s32 $0x200;
	s23 =	simm.s32 $0x8200;
	s26 =	simm.s32 $0x4  }
.LBB2_1:
0x17: {  	[tilespmem:s3], [sflag:$0x1] =	stream.strided.gather [hbm4b:s5+s17], $0x100, s18, s17, $0x38;
	[tilespmem:$0x10200] =	vst v63  }
0x18: {  	s6 =	rddreg [dreg:$0x4]  }
0x19: {  	[tilespmem:s19], [sflag:$0x2] =	stream.strided.gather [hbm4b:s6+s17], $0x100, s18, s17, $0x38;
	[tilespmem:$0x10200] =	vst v63  }
0x1a: {  	_ =	swait.ge [sflag:s20], $0x100  }
0x1b: {  	[sflag:s20] =	ssyncset.done $0x0  }
0x1c: {  	[sflag:s20] =	ssyncadd.s32 $0xFFFFFF00  }
0x1d: {  	v0 =	vld [tilespmem:$0x0]  }
0x1e: {  	v1 =	vld [tilespmem:$0x10]  }
0x1f: {  	v2 =	vld [tilespmem:$0x20]  }
0x20: {  	v3 =	vld [tilespmem:$0x30]  }
0x21: {  	v4 =	vld [tilespmem:$0x40]  }
0x22: {  	v5 =	vld [tilespmem:$0x50];
	vm0 =	vgt.s32 v0, $0x0  }
0x23: {  	v6 =	vld [tilespmem:$0x60];
	vm9 =	vgt.s32 v1, $0x0;
	v0 =	vnsel vm0, $0x0, v0  }
0x24: {  	v7 =	vld [tilespmem:$0x70];
	vm10 =	vgt.s32 v2, $0x0;
	v1 =	vnsel vm9, $0x0, v1;
	v0 =	vmin.u32 v0, $0x1869F  }
0x25: {  	v42 =	vld [tilespmem:$0x80];
	vm11 =	vgt.s32 v3, $0x0;
	v41 =	vnsel vm10, $0x0, v2;
	v40 =	vmin.u32 v1, $0x1869F;
	[tilespmem:$0x0] =	vst v0  }
0x26: {  	v45 =	vld [tilespmem:$0x90];
	vm12 =	vgt.s32 v4, $0x0;
	v44 =	vnsel vm11, $0x0, v3;
	v43 =	vmin.u32 v41, $0x1869F;
	[tilespmem:$0x10] =	vst v40  }
0x27: {  	v48 =	vld [tilespmem:$0xA0];
	vm13 =	vgt.s32 v5, $0x0;
	v47 =	vnsel vm12, $0x0, v4;
	v46 =	vmin.u32 v44, $0x1869F;
	[tilespmem:$0x20] =	vst v43  }
0x28: {  	v51 =	vld [tilespmem:$0xB0];
	vm14 =	vgt.s32 v6, $0x0;
	v50 =	vnsel vm13, $0x0, v5;
	v49 =	vmin.u32 v47, $0x1869F;
	[tilespmem:$0x30] =	vst v46  }
0x29: {  	v54 =	vld [tilespmem:$0xC0];
	vm15 =	vgt.s32 v7, $0x0;
	v53 =	vnsel vm14, $0x0, v6;
	v52 =	vmin.u32 v50, $0x1869F;
	[tilespmem:$0x40] =	vst v49  }
0x2a: {  	v57 =	vld [tilespmem:$0xD0];
	vm4 =	vgt.s32 v42, $0x0;
	v56 =	vnsel vm15, $0x0, v7;
	v55 =	vmin.u32 v53, $0x1869F;
	[tilespmem:$0x50] =	vst v52  }
0x2b: {  	v60 =	vld [tilespmem:$0xE0];
	vm5 =	vgt.s32 v45, $0x0;
	v59 =	vnsel vm4, $0x0, v42;
	v58 =	vmin.u32 v56, $0x1869F;
	[tilespmem:$0x60] =	vst v55  }
0x2c: {  	v63 =	vld [tilespmem:$0xF0];
	vm6 =	vgt.s32 v48, $0x0;
	v62 =	vnsel vm5, $0x0, v45;
	v61 =	vmin.u32 v59, $0x1869F;
	[tilespmem:$0x70] =	vst v58  }
0x2d: {  	vm7 =	vgt.s32 v51, $0x0;
	v9 =	vnsel vm6, $0x0, v48;
	v8 =	vmin.u32 v62, $0x1869F;
	[tilespmem:$0x80] =	vst v61  }
0x2e: {  	vm8 =	vgt.s32 v54, $0x0;
	v11 =	vnsel vm7, $0x0, v51;
	v10 =	vmin.u32 v9, $0x1869F;
	[tilespmem:$0x90] =	vst v8  }
0x2f: {  	v13 =	vnsel vm8, $0x0, v54;
	vm9 =	vgt.s32 v57, $0x0;
	v12 =	vmin.u32 v11, $0x1869F;
	[tilespmem:$0xA0] =	vst v10  }
0x30: {  	vm10 =	vgt.s32 v60, $0x0;
	v14 =	vmin.u32 v13, $0x1869F;
	v15 =	vnsel vm9, $0x0, v57;
	[tilespmem:$0xB0] =	vst v12  }
0x31: {  	vm11 =	vgt.s32 v63, $0x0;
	v17 =	vnsel vm10, $0x0, v60;
	[tilespmem:$0xC0] =	vst v14;
	v16 =	vmin.u32 v15, $0x1869F  }
0x32: {  	v19 =	vnsel vm11, $0x0, v63;
	v18 =	vmin.u32 v17, $0x1869F;
	[tilespmem:$0xD0] =	vst v16  }
0x33: {  	v20 =	vmin.u32 v19, $0x1869F;
	[tilespmem:$0xE0] =	vst v18  }
0x34: {  	[tilespmem:$0xF0] =	vst v20  }
0x35: {  	[tilespmem:s21], [sflag:$0x3] =	stream.indirect.gather [hbm4b:s2+s19], $0x80, s3, s19, $0xb8;
	[tilespmem:$0x10200] =	vst v63  }
0x36: {  	_ =	swait.ge [sflag:s22], $0x100  }
0x37: {  	[sflag:s22] =	ssyncset.done $0x0  }
0x38: {  	[sflag:s22] =	ssyncadd.s32 $0xFFFFFF00  }
0x39: {  	v21 =	vld [tilespmem:$0x100]  }
0x3a: {  	v22 =	vld [tilespmem:$0x110]  }
0x3b: {  	v23 =	vld [tilespmem:$0x120]  }
0x3c: {  	v24 =	vld [tilespmem:$0x130]  }
0x3d: {  	v25 =	vld [tilespmem:$0x140]  }
0x3e: {  	v26 =	vld [tilespmem:$0x150];
	vm12 =	vgt.s32 v21, $0x0  }
0x3f: {  	v27 =	vld [tilespmem:$0x160];
	vm13 =	vgt.s32 v22, $0x0;
	v0 =	vnsel vm12, $0x0, v21  }
0x40: {  	v28 =	vld [tilespmem:$0x170];
	vm14 =	vgt.s32 v23, $0x0;
	v1 =	vnsel vm13, $0x0, v22;
	v0 =	vmin.u32 v0, $0x1869F  }
0x41: {  	v31 =	vld [tilespmem:$0x180];
	vm15 =	vgt.s32 v24, $0x0;
	v30 =	vnsel vm14, $0x0, v23;
	v29 =	vmin.u32 v1, $0x1869F;
	[tilespmem:$0x100] =	vst v0  }
0x42: {  	v34 =	vld [tilespmem:$0x190];
	vm4 =	vgt.s32 v25, $0x0;
	v33 =	vnsel vm15, $0x0, v24;
	v32 =	vmin.u32 v30, $0x1869F;
	[tilespmem:$0x110] =	vst v29  }
0x43: {  	v37 =	vld [tilespmem:$0x1A0];
	vm5 =	vgt.s32 v26, $0x0;
	v36 =	vnsel vm4, $0x0, v25;
	v35 =	vmin.u32 v33, $0x1869F;
	[tilespmem:$0x120] =	vst v32  }
0x44: {  	v40 =	vld [tilespmem:$0x1B0];
	vm6 =	vgt.s32 v27, $0x0;
	v39 =	vnsel vm5, $0x0, v26;
	v38 =	vmin.u32 v36, $0x1869F;
	[tilespmem:$0x130] =	vst v35  }
0x45: {  	v43 =	vld [tilespmem:$0x1C0];
	vm7 =	vgt.s32 v28, $0x0;
	v42 =	vnsel vm6, $0x0, v27;
	v41 =	vmin.u32 v39, $0x1869F;
	[tilespmem:$0x140] =	vst v38  }
0x46: {  	v46 =	vld [tilespmem:$0x1D0];
	vm8 =	vgt.s32 v31, $0x0;
	v45 =	vnsel vm7, $0x0, v28;
	v44 =	vmin.u32 v42, $0x1869F;
	[tilespmem:$0x150] =	vst v41  }
0x47: {  	v49 =	vld [tilespmem:$0x1E0];
	vm9 =	vgt.s32 v34, $0x0;
	v48 =	vnsel vm8, $0x0, v31;
	v47 =	vmin.u32 v45, $0x1869F;
	[tilespmem:$0x160] =	vst v44  }
0x48: {  	v52 =	vld [tilespmem:$0x1F0];
	vm10 =	vgt.s32 v37, $0x0;
	v51 =	vnsel vm9, $0x0, v34;
	v50 =	vmin.u32 v48, $0x1869F;
	[tilespmem:$0x170] =	vst v47  }
0x49: {  	vm11 =	vgt.s32 v40, $0x0;
	v54 =	vnsel vm10, $0x0, v37;
	v53 =	vmin.u32 v51, $0x1869F;
	[tilespmem:$0x180] =	vst v50  }
0x4a: {  	v56 =	vnsel vm11, $0x0, v40;
	vm12 =	vgt.s32 v43, $0x0;
	v55 =	vmin.u32 v54, $0x1869F;
	[tilespmem:$0x190] =	vst v53  }
0x4b: {  	vm13 =	vgt.s32 v46, $0x0;
	v57 =	vmin.u32 v56, $0x1869F;
	v58 =	vnsel vm12, $0x0, v43;
	[tilespmem:$0x1A0] =	vst v55  }
0x4c: {  	vm14 =	vgt.s32 v49, $0x0;
	v60 =	vnsel vm13, $0x0, v46;
	[tilespmem:$0x1B0] =	vst v57;
	v59 =	vmin.u32 v58, $0x1869F  }
0x4d: {  	vm15 =	vgt.s32 v52, $0x0;
	v62 =	vnsel vm14, $0x0, v49;
	v61 =	vmin.u32 v60, $0x1869F;
	[tilespmem:$0x1C0] =	vst v59  }
0x4e: {  	v63 =	vnsel vm15, $0x0, v52;
	v1 =	vmin.u32 v62, $0x1869F;
	[tilespmem:$0x1D0] =	vst v61  }
0x4f: {  	v0 =	vmin.u32 v63, $0x1869F;
	[tilespmem:$0x1E0] =	vst v1  }
0x50: {  	[tilespmem:$0x1F0] =	vst v0  }
0x51: {  	[tilespmem:s23], [sflag:$0x4] =	stream.indirect.gather [hbm4b:s2+s19], $0x80, s19, s19, $0xb8;
	[tilespmem:$0x10200] =	vst v63  }
0x52: {  	_ =	swait.ge [sflag:s24], $0x8000  }
0x53: {  	[sflag:s24] =	ssyncset.done $0x0  }
0x54: {  	s14 =	rddreg [dreg:$0x5];
	[sflag:s24] =	ssyncadd.s32 $0xFFFF8000  }
0x55: {  	[hbm4b:s14+s3] =	stream.linear.scatter [tilespmem:s21], [sflag:$0x5], $0x8000, $0x38;
	[tilespmem:$0x10200] =	vst v63  }
0x56: {  	s30 =	simm.s32 $0x40;
	s16 =	rddreg [dreg:$0x6]  }
0x57: {  	[tilespmem:s3], [sflag:$0x1] =	stream.strided.gather [hbm4b:s16+s17], $0x100, s18, s17, $0x38;
	[tilespmem:$0x10200] =	vst v63  }
0x58: {  	s31 =	smov.u32 s15;
	s14 =	smov.u32 s0;
	s16 =	smov.u32 s1  }
.LBB2_2:
0x59: {  	_ =	swait.ge [sflag:s20], $0x100  }
0x5a: {  	[sflag:s20] =	ssyncset.done $0x0  }
0x5b: {  	[sflag:s20] =	ssyncadd.s32 $0xFFFFFF00  }
0x5c: {  	v0 =	vld [tilespmem:$0x0]  }
0x5d: {  	v1 =	vld [tilespmem:$0x10]  }
0x5e: {  	v2 =	vld [tilespmem:$0x20]  }
0x5f: {  	v3 =	vld [tilespmem:$0x30]  }
0x60: {  	v4 =	vld [tilespmem:$0x40]  }
0x61: {  	v5 =	vld [tilespmem:$0x50];
	vm0 =	vgt.s32 v0, $0x0  }
0x62: {  	v6 =	vld [tilespmem:$0x60];
	vm9 =	vgt.s32 v1, $0x0;
	v0 =	vnsel vm0, $0x0, v0  }
0x63: {  	v7 =	vld [tilespmem:$0x70];
	vm10 =	vgt.s32 v2, $0x0;
	v1 =	vnsel vm9, $0x0, v1;
	v0 =	vmin.u32 v0, $0x1869F  }
0x64: {  	v42 =	vld [tilespmem:$0x80];
	vm11 =	vgt.s32 v3, $0x0;
	v41 =	vnsel vm10, $0x0, v2;
	v40 =	vmin.u32 v1, $0x1869F;
	[tilespmem:$0x0] =	vst v0  }
0x65: {  	v45 =	vld [tilespmem:$0x90];
	vm12 =	vgt.s32 v4, $0x0;
	v44 =	vnsel vm11, $0x0, v3;
	v43 =	vmin.u32 v41, $0x1869F;
	[tilespmem:$0x10] =	vst v40  }
0x66: {  	v48 =	vld [tilespmem:$0xA0];
	vm13 =	vgt.s32 v5, $0x0;
	v47 =	vnsel vm12, $0x0, v4;
	v46 =	vmin.u32 v44, $0x1869F;
	[tilespmem:$0x20] =	vst v43  }
0x67: {  	v51 =	vld [tilespmem:$0xB0];
	vm14 =	vgt.s32 v6, $0x0;
	v50 =	vnsel vm13, $0x0, v5;
	v49 =	vmin.u32 v47, $0x1869F;
	[tilespmem:$0x30] =	vst v46  }
0x68: {  	v54 =	vld [tilespmem:$0xC0];
	vm15 =	vgt.s32 v7, $0x0;
	v53 =	vnsel vm14, $0x0, v6;
	v52 =	vmin.u32 v50, $0x1869F;
	[tilespmem:$0x40] =	vst v49  }
0x69: {  	v57 =	vld [tilespmem:$0xD0];
	vm4 =	vgt.s32 v42, $0x0;
	v56 =	vnsel vm15, $0x0, v7;
	v55 =	vmin.u32 v53, $0x1869F;
	[tilespmem:$0x50] =	vst v52  }
0x6a: {  	v60 =	vld [tilespmem:$0xE0];
	vm5 =	vgt.s32 v45, $0x0;
	v59 =	vnsel vm4, $0x0, v42;
	v58 =	vmin.u32 v56, $0x1869F;
	[tilespmem:$0x60] =	vst v55  }
0x6b: {  	v63 =	vld [tilespmem:$0xF0];
	vm6 =	vgt.s32 v48, $0x0;
	v62 =	vnsel vm5, $0x0, v45;
	v61 =	vmin.u32 v59, $0x1869F;
	[tilespmem:$0x70] =	vst v58  }
0x6c: {  	vm7 =	vgt.s32 v51, $0x0;
	v9 =	vnsel vm6, $0x0, v48;
	v8 =	vmin.u32 v62, $0x1869F;
	[tilespmem:$0x80] =	vst v61  }
0x6d: {  	vm8 =	vgt.s32 v54, $0x0;
	v11 =	vnsel vm7, $0x0, v51;
	v10 =	vmin.u32 v9, $0x1869F;
	[tilespmem:$0x90] =	vst v8  }
0x6e: {  	v13 =	vnsel vm8, $0x0, v54;
	vm9 =	vgt.s32 v57, $0x0;
	v12 =	vmin.u32 v11, $0x1869F;
	[tilespmem:$0xA0] =	vst v10  }
0x6f: {  	vm10 =	vgt.s32 v60, $0x0;
	v14 =	vmin.u32 v13, $0x1869F;
	v15 =	vnsel vm9, $0x0, v57;
	[tilespmem:$0xB0] =	vst v12  }
0x70: {  	vm11 =	vgt.s32 v63, $0x0;
	v17 =	vnsel vm10, $0x0, v60;
	[tilespmem:$0xC0] =	vst v14;
	v16 =	vmin.u32 v15, $0x1869F  }
0x71: {  	v19 =	vnsel vm11, $0x0, v63;
	v18 =	vmin.u32 v17, $0x1869F;
	[tilespmem:$0xD0] =	vst v16  }
0x72: {  	v20 =	vmin.u32 v19, $0x1869F;
	[tilespmem:$0xE0] =	vst v18  }
0x73: {  	[tilespmem:$0xF0] =	vst v20  }
0x74: {  	_ =	swait.ge [sflag:s25], $0x8000  }
0x75: {  	[sflag:s25] =	ssyncset.done $0x0  }
0x76: {  	s7 =	sadd.s32 $0xFFFFFFE0, s30;
	[sflag:s25] =	ssyncadd.s32 $0xFFFF8000  }
0x77: {  	[tilespmem:s21], [sflag:$0x3] =	stream.indirect.gather [hbm4b:s2+s19], $0x80, s3, s19, $0xb8;
	[tilespmem:$0x10200] =	vst v63  }
0x78: {  	s6 =	sadd.s32 $0x40, s16;
	s7 =	sand.u32 $0x60, s7;
	_ =	swait.ge [sflag:s26], $0x8000  }
0x79: {  	s8 =	sand.u32 $0xFFFFF00, s6;
	s7 =	sadd.s32 s7, s4;
	[sflag:s26] =	ssyncset.done $0x0  }
0x7a: {  	s7 =	sadd.s32 s8, s7;
	[sflag:s26] =	ssyncadd.s32 $0xFFFF8000  }
0x7b: {  	[hbm4b:s31+s3] =	stream.linear.scatter [tilespmem:s23], [sflag:$0x6], $0x8000, $0x38;
	[tilespmem:$0x10200] =	vst v63  }
0x7c: {  	s7 =	sadd.s32 $0x10, s7  }
0x7d: {  	[tilespmem:s19], [sflag:$0x2] =	stream.strided.gather [hbm4b:s7+s17], $0x100, s18, s17, $0x38;
	[tilespmem:$0x10200] =	vst v63  }
0x7e: {  	_ =	swait.ge [sflag:s22], $0x100  }
0x7f: {  	[sflag:s22] =	ssyncset.done $0x0  }
0x80: {  	[sflag:s22] =	ssyncadd.s32 $0xFFFFFF00  }
0x81: {  	v21 =	vld [tilespmem:$0x100]  }
0x82: {  	v22 =	vld [tilespmem:$0x110]  }
0x83: {  	v23 =	vld [tilespmem:$0x120]  }
0x84: {  	v24 =	vld [tilespmem:$0x130]  }
0x85: {  	v25 =	vld [tilespmem:$0x140]  }
0x86: {  	v26 =	vld [tilespmem:$0x150];
	vm12 =	vgt.s32 v21, $0x0  }
0x87: {  	v27 =	vld [tilespmem:$0x160];
	vm13 =	vgt.s32 v22, $0x0;
	v0 =	vnsel vm12, $0x0, v21  }
0x88: {  	v28 =	vld [tilespmem:$0x170];
	vm14 =	vgt.s32 v23, $0x0;
	v1 =	vnsel vm13, $0x0, v22;
	v0 =	vmin.u32 v0, $0x1869F  }
0x89: {  	v31 =	vld [tilespmem:$0x180];
	vm15 =	vgt.s32 v24, $0x0;
	v30 =	vnsel vm14, $0x0, v23;
	v29 =	vmin.u32 v1, $0x1869F;
	[tilespmem:$0x100] =	vst v0  }
0x8a: {  	v34 =	vld [tilespmem:$0x190];
	vm4 =	vgt.s32 v25, $0x0;
	v33 =	vnsel vm15, $0x0, v24;
	v32 =	vmin.u32 v30, $0x1869F;
	[tilespmem:$0x110] =	vst v29  }
0x8b: {  	v37 =	vld [tilespmem:$0x1A0];
	vm5 =	vgt.s32 v26, $0x0;
	v36 =	vnsel vm4, $0x0, v25;
	v35 =	vmin.u32 v33, $0x1869F;
	[tilespmem:$0x120] =	vst v32  }
0x8c: {  	v40 =	vld [tilespmem:$0x1B0];
	vm6 =	vgt.s32 v27, $0x0;
	v39 =	vnsel vm5, $0x0, v26;
	v38 =	vmin.u32 v36, $0x1869F;
	[tilespmem:$0x130] =	vst v35  }
0x8d: {  	v43 =	vld [tilespmem:$0x1C0];
	vm7 =	vgt.s32 v28, $0x0;
	v42 =	vnsel vm6, $0x0, v27;
	v41 =	vmin.u32 v39, $0x1869F;
	[tilespmem:$0x140] =	vst v38  }
0x8e: {  	v46 =	vld [tilespmem:$0x1D0];
	vm8 =	vgt.s32 v31, $0x0;
	v45 =	vnsel vm7, $0x0, v28;
	v44 =	vmin.u32 v42, $0x1869F;
	[tilespmem:$0x150] =	vst v41  }
0x8f: {  	v49 =	vld [tilespmem:$0x1E0];
	vm9 =	vgt.s32 v34, $0x0;
	v48 =	vnsel vm8, $0x0, v31;
	v47 =	vmin.u32 v45, $0x1869F;
	[tilespmem:$0x160] =	vst v44  }
0x90: {  	v52 =	vld [tilespmem:$0x1F0];
	vm10 =	vgt.s32 v37, $0x0;
	v51 =	vnsel vm9, $0x0, v34;
	v50 =	vmin.u32 v48, $0x1869F;
	[tilespmem:$0x170] =	vst v47  }
0x91: {  	vm11 =	vgt.s32 v40, $0x0;
	v54 =	vnsel vm10, $0x0, v37;
	v53 =	vmin.u32 v51, $0x1869F;
	[tilespmem:$0x180] =	vst v50  }
0x92: {  	v56 =	vnsel vm11, $0x0, v40;
	vm12 =	vgt.s32 v43, $0x0;
	v55 =	vmin.u32 v54, $0x1869F;
	[tilespmem:$0x190] =	vst v53  }
0x93: {  	vm13 =	vgt.s32 v46, $0x0;
	v57 =	vmin.u32 v56, $0x1869F;
	v58 =	vnsel vm12, $0x0, v43;
	[tilespmem:$0x1A0] =	vst v55  }
0x94: {  	vm14 =	vgt.s32 v49, $0x0;
	v60 =	vnsel vm13, $0x0, v46;
	[tilespmem:$0x1B0] =	vst v57;
	v59 =	vmin.u32 v58, $0x1869F  }
0x95: {  	vm15 =	vgt.s32 v52, $0x0;
	v62 =	vnsel vm14, $0x0, v49;
	v61 =	vmin.u32 v60, $0x1869F;
	[tilespmem:$0x1C0] =	vst v59  }
0x96: {  	v63 =	vnsel vm15, $0x0, v52;
	v1 =	vmin.u32 v62, $0x1869F;
	[tilespmem:$0x1D0] =	vst v61  }
0x97: {  	v0 =	vmin.u32 v63, $0x1869F;
	[tilespmem:$0x1E0] =	vst v1  }
0x98: {  	[tilespmem:$0x1F0] =	vst v0  }
0x99: {  	_ =	swait.ge [sflag:s28], $0x8000  }
0x9a: {  	[sflag:s28] =	ssyncset.done $0x0  }
0x9b: {  	p0 =	sne.s32 s30, $0x18E0;
	s8 =	sadd.s32 $0x80, s16;
	[sflag:s28] =	ssyncadd.s32 $0xFFFF8000  }
0x9c: {  	[tilespmem:s23], [sflag:$0x4] =	stream.indirect.gather [hbm4b:s2+s19], $0x80, s19, s19, $0xb8;
	[tilespmem:$0x10200] =	vst v63  }
0x9d: {  	s16 =	sand.u32 $0x60, s30;
	s30 =	sadd.s32 $0x20, s30;
	_ =	swait.ge [sflag:s24], $0x8000  }
.Ltmp0:
0x9e: {  	s31 =	sadd.s32 $0x2000, s31;
	[sflag:s24] =	ssyncset.done $0x0;
	(pc) =	sbr.rel @p0 .LBB2_2-.Ltmp0, $4  }
0x9f: {  	s7 =	sand.u32 $0xFFFFF00, s8;
	s8 =	sadd.s32 s4, s16;
	[sflag:s24] =	ssyncadd.s32 $0xFFFF8000  }
0xa0: {  	[hbm4b:s14+s3] =	stream.linear.scatter [tilespmem:s21], [sflag:$0x5], $0x8000, $0x38;
	[tilespmem:$0x10200] =	vst v63  }
0xa1: {  	s16 =	smov.u32 s6;
	s7 =	sadd.s32 s7, s8;
	s14 =	sadd.s32 $0x2000, s14  }
0xa2: {  	[tilespmem:s3], [sflag:$0x1] =	stream.strided.gather [hbm4b:s7+s17], $0x100, s18, s17, $0x38;
	[tilespmem:$0x10200] =	vst v63  }
0xa3: {  	_ =	swait.ge [sflag:s20], $0x100  }
0xa4: {  	[sflag:s20] =	ssyncset.done $0x0  }
0xa5: {  	[sflag:s20] =	ssyncadd.s32 $0xFFFFFF00  }
0xa6: {  	v0 =	vld [tilespmem:$0x0]  }
0xa7: {  	v1 =	vld [tilespmem:$0x10]  }
0xa8: {  	v2 =	vld [tilespmem:$0x20]  }
0xa9: {  	v3 =	vld [tilespmem:$0x30]  }
0xaa: {  	v4 =	vld [tilespmem:$0x40]  }
0xab: {  	v5 =	vld [tilespmem:$0x50];
	vm0 =	vgt.s32 v0, $0x0  }
0xac: {  	v6 =	vld [tilespmem:$0x60];
	vm9 =	vgt.s32 v1, $0x0;
	v0 =	vnsel vm0, $0x0, v0  }
0xad: {  	v7 =	vld [tilespmem:$0x70];
	vm10 =	vgt.s32 v2, $0x0;
	v1 =	vnsel vm9, $0x0, v1;
	v0 =	vmin.u32 v0, $0x1869F  }
0xae: {  	v42 =	vld [tilespmem:$0x80];
	vm11 =	vgt.s32 v3, $0x0;
	v41 =	vnsel vm10, $0x0, v2;
	v40 =	vmin.u32 v1, $0x1869F;
	[tilespmem:$0x0] =	vst v0  }
0xaf: {  	v45 =	vld [tilespmem:$0x90];
	vm12 =	vgt.s32 v4, $0x0;
	v44 =	vnsel vm11, $0x0, v3;
	v43 =	vmin.u32 v41, $0x1869F;
	[tilespmem:$0x10] =	vst v40  }
0xb0: {  	v48 =	vld [tilespmem:$0xA0];
	vm13 =	vgt.s32 v5, $0x0;
	v47 =	vnsel vm12, $0x0, v4;
	v46 =	vmin.u32 v44, $0x1869F;
	[tilespmem:$0x20] =	vst v43  }
0xb1: {  	v51 =	vld [tilespmem:$0xB0];
	vm14 =	vgt.s32 v6, $0x0;
	v50 =	vnsel vm13, $0x0, v5;
	v49 =	vmin.u32 v47, $0x1869F;
	[tilespmem:$0x30] =	vst v46  }
0xb2: {  	v54 =	vld [tilespmem:$0xC0];
	vm15 =	vgt.s32 v7, $0x0;
	v53 =	vnsel vm14, $0x0, v6;
	v52 =	vmin.u32 v50, $0x1869F;
	[tilespmem:$0x40] =	vst v49  }
0xb3: {  	v57 =	vld [tilespmem:$0xD0];
	vm4 =	vgt.s32 v42, $0x0;
	v56 =	vnsel vm15, $0x0, v7;
	v55 =	vmin.u32 v53, $0x1869F;
	[tilespmem:$0x50] =	vst v52  }
0xb4: {  	v60 =	vld [tilespmem:$0xE0];
	vm5 =	vgt.s32 v45, $0x0;
	v59 =	vnsel vm4, $0x0, v42;
	v58 =	vmin.u32 v56, $0x1869F;
	[tilespmem:$0x60] =	vst v55  }
0xb5: {  	v63 =	vld [tilespmem:$0xF0];
	vm6 =	vgt.s32 v48, $0x0;
	v62 =	vnsel vm5, $0x0, v45;
	v61 =	vmin.u32 v59, $0x1869F;
	[tilespmem:$0x70] =	vst v58  }
0xb6: {  	vm7 =	vgt.s32 v51, $0x0;
	v9 =	vnsel vm6, $0x0, v48;
	v8 =	vmin.u32 v62, $0x1869F;
	[tilespmem:$0x80] =	vst v61  }
0xb7: {  	vm8 =	vgt.s32 v54, $0x0;
	v11 =	vnsel vm7, $0x0, v51;
	v10 =	vmin.u32 v9, $0x1869F;
	[tilespmem:$0x90] =	vst v8  }
0xb8: {  	v13 =	vnsel vm8, $0x0, v54;
	vm9 =	vgt.s32 v57, $0x0;
	v12 =	vmin.u32 v11, $0x1869F;
	[tilespmem:$0xA0] =	vst v10  }
0xb9: {  	vm10 =	vgt.s32 v60, $0x0;
	v14 =	vmin.u32 v13, $0x1869F;
	v15 =	vnsel vm9, $0x0, v57;
	[tilespmem:$0xB0] =	vst v12  }
0xba: {  	vm11 =	vgt.s32 v63, $0x0;
	v17 =	vnsel vm10, $0x0, v60;
	[tilespmem:$0xC0] =	vst v14;
	v16 =	vmin.u32 v15, $0x1869F  }
0xbb: {  	v19 =	vnsel vm11, $0x0, v63;
	v18 =	vmin.u32 v17, $0x1869F;
	[tilespmem:$0xD0] =	vst v16  }
0xbc: {  	v20 =	vmin.u32 v19, $0x1869F;
	[tilespmem:$0xE0] =	vst v18  }
0xbd: {  	[tilespmem:$0xF0] =	vst v20  }
0xbe: {  	_ =	swait.ge [sflag:s25], $0x8000  }
0xbf: {  	[sflag:s25] =	ssyncset.done $0x0  }
0xc0: {  	[sflag:s25] =	ssyncadd.s32 $0xFFFF8000  }
0xc1: {  	[tilespmem:s21], [sflag:$0x3] =	stream.indirect.gather [hbm4b:s2+s19], $0x80, s3, s19, $0xb8;
	[tilespmem:$0x10200] =	vst v63  }
0xc2: {  	_ =	swait.ge [sflag:s26], $0x8000  }
0xc3: {  	[sflag:s26] =	ssyncset.done $0x0  }
0xc4: {  	[sflag:s26] =	ssyncadd.s32 $0xFFFF8000  }
0xc5: {  	[hbm4b:s9+s3] =	stream.linear.scatter [tilespmem:s23], [sflag:$0x6], $0x8000, $0x38;
	[tilespmem:$0x10200] =	vst v63  }
0xc6: {  	_ = 	snop  }
0xc7: {  	[tilespmem:s19], [sflag:$0x2] =	stream.strided.gather [hbm4b:s10+s17], $0x100, s18, s17, $0x38;
	[tilespmem:$0x10200] =	vst v63  }
0xc8: {  	_ =	swait.ge [sflag:s22], $0x100  }
0xc9: {  	[sflag:s22] =	ssyncset.done $0x0  }
0xca: {  	[sflag:s22] =	ssyncadd.s32 $0xFFFFFF00  }
0xcb: {  	v21 =	vld [tilespmem:$0x100]  }
0xcc: {  	v22 =	vld [tilespmem:$0x110]  }
0xcd: {  	v23 =	vld [tilespmem:$0x120]  }
0xce: {  	v24 =	vld [tilespmem:$0x130]  }
0xcf: {  	v25 =	vld [tilespmem:$0x140]  }
0xd0: {  	v26 =	vld [tilespmem:$0x150];
	vm12 =	vgt.s32 v21, $0x0  }
0xd1: {  	v27 =	vld [tilespmem:$0x160];
	vm13 =	vgt.s32 v22, $0x0;
	v0 =	vnsel vm12, $0x0, v21  }
0xd2: {  	v28 =	vld [tilespmem:$0x170];
	vm14 =	vgt.s32 v23, $0x0;
	v1 =	vnsel vm13, $0x0, v22;
	v0 =	vmin.u32 v0, $0x1869F  }
0xd3: {  	v31 =	vld [tilespmem:$0x180];
	vm15 =	vgt.s32 v24, $0x0;
	v30 =	vnsel vm14, $0x0, v23;
	v29 =	vmin.u32 v1, $0x1869F;
	[tilespmem:$0x100] =	vst v0  }
0xd4: {  	v34 =	vld [tilespmem:$0x190];
	vm4 =	vgt.s32 v25, $0x0;
	v33 =	vnsel vm15, $0x0, v24;
	v32 =	vmin.u32 v30, $0x1869F;
	[tilespmem:$0x110] =	vst v29  }
0xd5: {  	v37 =	vld [tilespmem:$0x1A0];
	vm5 =	vgt.s32 v26, $0x0;
	v36 =	vnsel vm4, $0x0, v25;
	v35 =	vmin.u32 v33, $0x1869F;
	[tilespmem:$0x120] =	vst v32  }
0xd6: {  	v40 =	vld [tilespmem:$0x1B0];
	vm6 =	vgt.s32 v27, $0x0;
	v39 =	vnsel vm5, $0x0, v26;
	v38 =	vmin.u32 v36, $0x1869F;
	[tilespmem:$0x130] =	vst v35  }
0xd7: {  	v43 =	vld [tilespmem:$0x1C0];
	vm7 =	vgt.s32 v28, $0x0;
	v42 =	vnsel vm6, $0x0, v27;
	v41 =	vmin.u32 v39, $0x1869F;
	[tilespmem:$0x140] =	vst v38  }
0xd8: {  	v46 =	vld [tilespmem:$0x1D0];
	vm8 =	vgt.s32 v31, $0x0;
	v45 =	vnsel vm7, $0x0, v28;
	v44 =	vmin.u32 v42, $0x1869F;
	[tilespmem:$0x150] =	vst v41  }
0xd9: {  	v49 =	vld [tilespmem:$0x1E0];
	vm9 =	vgt.s32 v34, $0x0;
	v48 =	vnsel vm8, $0x0, v31;
	v47 =	vmin.u32 v45, $0x1869F;
	[tilespmem:$0x160] =	vst v44  }
0xda: {  	v52 =	vld [tilespmem:$0x1F0];
	vm10 =	vgt.s32 v37, $0x0;
	v51 =	vnsel vm9, $0x0, v34;
	v50 =	vmin.u32 v48, $0x1869F;
	[tilespmem:$0x170] =	vst v47  }
0xdb: {  	vm11 =	vgt.s32 v40, $0x0;
	v54 =	vnsel vm10, $0x0, v37;
	v53 =	vmin.u32 v51, $0x1869F;
	[tilespmem:$0x180] =	vst v50  }
0xdc: {  	v56 =	vnsel vm11, $0x0, v40;
	vm12 =	vgt.s32 v43, $0x0;
	v55 =	vmin.u32 v54, $0x1869F;
	[tilespmem:$0x190] =	vst v53  }
0xdd: {  	vm13 =	vgt.s32 v46, $0x0;
	v57 =	vmin.u32 v56, $0x1869F;
	v58 =	vnsel vm12, $0x0, v43;
	[tilespmem:$0x1A0] =	vst v55  }
0xde: {  	vm14 =	vgt.s32 v49, $0x0;
	v60 =	vnsel vm13, $0x0, v46;
	[tilespmem:$0x1B0] =	vst v57;
	v59 =	vmin.u32 v58, $0x1869F  }
0xdf: {  	vm15 =	vgt.s32 v52, $0x0;
	v62 =	vnsel vm14, $0x0, v49;
	v61 =	vmin.u32 v60, $0x1869F;
	[tilespmem:$0x1C0] =	vst v59  }
0xe0: {  	v63 =	vnsel vm15, $0x0, v52;
	v1 =	vmin.u32 v62, $0x1869F;
	[tilespmem:$0x1D0] =	vst v61  }
0xe1: {  	v0 =	vmin.u32 v63, $0x1869F;
	[tilespmem:$0x1E0] =	vst v1  }
0xe2: {  	[tilespmem:$0x1F0] =	vst v0  }
0xe3: {  	_ =	swait.ge [sflag:s28], $0x8000  }
0xe4: {  	[sflag:s28] =	ssyncset.done $0x0  }
0xe5: {  	[sflag:s28] =	ssyncadd.s32 $0xFFFF8000  }
0xe6: {  	[tilespmem:s23], [sflag:$0x4] =	stream.indirect.gather [hbm4b:s2+s19], $0x80, s19, s19, $0xb8;
	[tilespmem:$0x10200] =	vst v63  }
0xe7: {  	_ =	swait.ge [sflag:s24], $0x8000  }
0xe8: {  	[sflag:s24] =	ssyncset.done $0x0  }
0xe9: {  	[sflag:s24] =	ssyncadd.s32 $0xFFFF8000  }
0xea: {  	[hbm4b:s11+s3] =	stream.linear.scatter [tilespmem:s21], [sflag:$0x5], $0x8000, $0x38;
	[tilespmem:$0x10200] =	vst v63  }
0xeb: {  	_ =	swait.ge [sflag:s26], $0x8000  }
0xec: {  	[sflag:s26] =	ssyncset.done $0x0  }
0xed: {  	s29 =	sadd.s32 $0x1, s29;
	[sflag:s26] =	ssyncadd.s32 $0xFFFF8000  }
0xee: {  	[hbm4b:s12+s3] =	stream.linear.scatter [tilespmem:s23], [sflag:$0x6], $0x8000, $0x38;
	[tilespmem:$0x10200] =	vst v63  }
0xef: {  	p0 =	sne.s32 s29, s13;
	_ =	swait.ge [sflag:s25], $0x8000  }
.Ltmp1:
0xf0: {  	[sflag:s25] =	ssyncset.done $0x0;
	(pc) =	sbr.rel @p0 .LBB2_1-.Ltmp1, $4  }
0xf1: {  	[sflag:s25] =	ssyncadd.s32 $0xFFFF8000  }
0xf2: {  	_ =	swait.ge [sflag:s28], $0x8000  }
0xf3: {  	[sflag:s28] =	ssyncset.done $0x0  }
0xf4: {  	[sflag:s28] =	ssyncadd.s32 $0xFFFF8000  }
0xf5: {  	_ =	sfence.sel $0x180000  }
0xf6: {  	[bflag:$0x0] =	sbarrier.arrive $0xFFFF  }
0xf7: {  	_ =	strace $0x90000047  }
0xf8: {  	s0 =	stileid.u32;
	[bflag:$0x2] =	sbarrier.arrive $0xFFFF  }
0xf9: {  	p0 =	sne.s32 s0, $0x0;
	s0 =	rddreg [dreg:$0x3]  }
0xfa: {  	s0 =	sadd.s32 @!p0 $0x100000, s0  }
0xfb: {  	[sflag:s0] =	ssyncadd.tile.s32 @!p0 $0x1;
	_ =	shalt  }
.Lfunc_end2:
_tile_overlayer_lowered:
.L_overlay_start_2:
0xfc: {  	(tag) =	ssettag $0x2  }
0xfd: {  	s0 =	rddreg [dreg:$0x0];
	s2 =	stileid.u32  }
0xfe: {  	s1 =	rddreg [dreg:$0x1];
	p0 =	sne.s32 s2, $0x0  }
0xff: {  	s3 =	rddreg [dreg:$0x2];
	[bflag:$0x3] =	sbarrier.arrive $0xFFFF;
	s2 =	simm.s32 @!p0 $0x1C07  }
0x100: {  	[timem:s3], [sflag:s2] =	dma.local @!p0 [hbm:s0], s1  }
0x101: {  	s0 =	simm.s32 @!p0 $0x7  }
0x102: {  	_ =	swait.ge @!p0 [sflag:s0], s1  }
0x103: {  	s1 =	ssub.s32 @!p0 $0x0, s1;
	[sflag:s0] =	ssyncset.done @!p0 $0x0  }
0x104: {  	[sflag:s0] =	ssyncadd.s32 @!p0 s1  }
0x105: {  	[bflag:$0x3] =	sbarrier.arrive $0xFFFF  }
0x106: {  	_ =	shalt  }

</sc_bundles>
